<compile_context>
chip_gen: v7x
topology: tpu7x:2x2x1
jax: 0.10.2.dev20260603
libtpu: 0.0.44.dev20260713+nightly
codegen_flags: <defaults>
</compile_context>

<pallas_src>
import functools

import jax
import jax.numpy as jnp
from jax import lax
from jax.experimental import pallas as pl
from jax.experimental.pallas import tpu as pltpu
from jax.experimental.pallas import tpu_sc as plsc

_EMB_DIM = 128
_N_NEG = 20
_B = 4096
_NW = 32
_BPW = _B // _NW
_IC = 4
_NCHUNK = _BPW // _IC
_CROWS = _IC * _N_NEG

_mesh = plsc.VectorSubcoreMesh(core_axis_name="c", subcore_axis_name="s")


@functools.partial(
    pl.kernel,
    mesh=_mesh,
    compiler_params=pltpu.CompilerParams(needs_layout_passes=False),
    out_type=jax.ShapeDtypeStruct((_B, 32), jnp.float32),
    scratch_types=[
        pltpu.VMEM((_BPW,), jnp.int32),
        pltpu.VMEM((_BPW,), jnp.int32),
        pltpu.VMEM((_NCHUNK, _CROWS), jnp.int32),
        pltpu.VMEM((_BPW, _EMB_DIM), jnp.float32),
        pltpu.VMEM((_BPW, _EMB_DIM), jnp.float32),
        pltpu.VMEM((4, _CROWS, _EMB_DIM), jnp.float32),
        pltpu.VMEM((_BPW, 32), jnp.float32),
        pltpu.SemaphoreType.DMA,
        pltpu.SemaphoreType.DMA,
        pltpu.SemaphoreType.DMA,
        pltpu.SemaphoreType.DMA((8,)),
        pltpu.SemaphoreType.DMA((8,)),
        pltpu.SemaphoreType.DMA((4,)),
        pltpu.SemaphoreType.DMA((4,)),
    ],
)
def _sc_scores(cidx_hbm, xidx_hbm, nidx_hbm, cw_hbm, xw_hbm, out_hbm,
               cidx_v, xidx_v, nidx_v, crow_v, xrow_v, negbuf_v,
               score_v, sem_ci, sem_xi, sem_ni, sem_c, sem_x, sem_n,
               sem_out):
    wid = lax.axis_index("s") * 2 + lax.axis_index("c")
    base = wid * _BPW

    icopy1 = pltpu.async_copy(cidx_hbm.at[pl.ds(base, _BPW)], cidx_v, sem_ci)
    icopy2 = pltpu.async_copy(xidx_hbm.at[pl.ds(base, _BPW)], xidx_v, sem_xi)
    icopy3 = pltpu.async_copy(
        nidx_hbm.at[pl.ds(wid * _NCHUNK, _NCHUNK)], nidx_v, sem_ni)

    icopy1.wait()
    pltpu.async_copy(cw_hbm.at[cidx_v.at[pl.ds(0, 16)]],
                     crow_v.at[pl.ds(0, 16)], sem_c.at[0])
    icopy2.wait()
    pltpu.async_copy(xw_hbm.at[xidx_v.at[pl.ds(0, 16)]],
                     xrow_v.at[pl.ds(0, 16)], sem_x.at[0])
    icopy3.wait()
    for b in range(4):
        pltpu.async_copy(xw_hbm.at[nidx_v.at[b]], negbuf_v.at[b], sem_n.at[b])
    for g in range(1, 8):
        pltpu.async_copy(cw_hbm.at[cidx_v.at[pl.ds(g * 16, 16)]],
                         crow_v.at[pl.ds(g * 16, 16)], sem_c.at[g])
        pltpu.async_copy(xw_hbm.at[xidx_v.at[pl.ds(g * 16, 16)]],
                         xrow_v.at[pl.ds(g * 16, 16)], sem_x.at[g])

    lanes = lax.iota(jnp.int32, 16)

    def perm(x, idx):
        return jnp.take_along_axis(x, idx, axis=0)

    def merge(a, b, dist):
        a2 = a + perm(a, lanes ^ dist)
        b2 = b + perm(b, lanes ^ dist)
        return jnp.where((lanes & dist) == 0, a2, b2)

    def chunk_body(c, carry):
        b = c & 3
        nb = negbuf_v.at[b]

        @pl.when(b == 0)
        def _():
            g = c >> 2
            pltpu.make_async_copy(cw_hbm.at[pl.ds(0, 16)],
                                  crow_v.at[pl.ds(g * 16, 16)],
                                  sem_c.at[g]).wait()
            pltpu.make_async_copy(xw_hbm.at[pl.ds(0, 16)],
                                  xrow_v.at[pl.ds(g * 16, 16)],
                                  sem_x.at[g]).wait()

        pltpu.make_async_copy(xw_hbm.at[pl.ds(0, _CROWS)], nb, sem_n.at[b]).wait()

        def item_body(j, icarry, c=c, nb=nb):
                i = c * _IC + j
                creg = [crow_v[i, pl.ds(16 * k, 16)] for k in range(8)]
                accs = []
                acc = creg[0] * xrow_v[i, pl.ds(0, 16)]
                for k in range(1, 8):
                    acc = acc + creg[k] * xrow_v[i, pl.ds(16 * k, 16)]
                accs.append(acc)
                for n in range(_N_NEG):
                    r = j * _N_NEG + n
                    acc = creg[0] * nb[r, pl.ds(0, 16)]
                    for k in range(1, 8):
                        acc = acc + creg[k] * nb[r, pl.ds(16 * k, 16)]
                    accs.append(acc)
                vs = accs[:16]
                dist = 1
                while len(vs) > 1:
                    vs = [merge(vs[2 * t], vs[2 * t + 1], dist)
                          for t in range(len(vs) // 2)]
                    dist *= 2
                score_v[i, pl.ds(0, 16)] = vs[0]
                b0, b1, b2, b3, b4 = accs[16:21]
                m0 = merge(b0, b1, 1)
                m1 = merge(b2, b3, 1)
                m2 = b4 + perm(b4, lanes ^ 1)
                mm0 = merge(m0, m1, 2)
                mm1 = m2 + perm(m2, lanes ^ 2)
                f = merge(mm0, mm1, 4)
                f = f + perm(f, lanes ^ 8)
                score_v[i, pl.ds(16, 16)] = f
                return icarry

        lax.fori_loop(0, _IC, item_body, 0)

        @pl.when(c + 4 < _NCHUNK)
        def _():
            pltpu.async_copy(xw_hbm.at[nidx_v.at[c + 4]], nb, sem_n.at[b])

        @pl.when((c & 7) == 7)
        def _():
            q = c >> 3
            pltpu.async_copy(score_v.at[pl.ds(q * 32, 32)],
                             out_hbm.at[pl.ds(base + q * 32, 32)],
                             sem_out.at[q])
        return carry

    lax.fori_loop(0, _NCHUNK, chunk_body, 0)

    for q in range(4):
        pltpu.make_async_copy(score_v.at[pl.ds(0, 32)],
                              out_hbm.at[pl.ds(0, 32)],
                              sem_out.at[q]).wait()


def _loss_body(s_ref, o_ref):
    s = jnp.clip(s_ref[...], -10.0, 10.0)
    cols = lax.broadcasted_iota(jnp.int32, s.shape, 1)
    z = jnp.where(cols == 0, -s, s)
    t = jnp.where(cols < _N_NEG + 1, jnp.log(1.0 + jnp.exp(jnp.where(cols < _N_NEG + 1, z, 0.0))), 0.0)
    o_ref[0, 0] = jnp.sum(t) * (1.0 / _B)


_loss = pl.pallas_call(
    _loss_body,
    out_shape=jax.ShapeDtypeStruct((1, 1), jnp.float32),
    out_specs=pl.BlockSpec(memory_space=pltpu.SMEM),
)


def kernel(center, context, neg_context, center_weight, context_weight):
    nidx = neg_context.reshape(_B // _IC, _CROWS)
    scores = _sc_scores(center, context, nidx, center_weight, context_weight)
    return _loss(scores)[0, 0]

# --- scband reference (transcript-rebuilt; emitter-appended) ---
"""Pipeline reference for scband-skip-gram-4260607557865 (READ-ONLY COPY).

The authoritative reference and input builder live on the scoring server;
editing this copy changes nothing except your own understanding.
"""

import jax, jax.numpy as jnp
import numpy as np

EMB_SIZE = 100000
EMB_DIM = 128
B = 4096
N_NEG = 20


def setup_inputs(seed: int = 0) -> dict:
    key = jax.random.key(seed)
    k1, k2, k3, k4, k5 = jax.random.split(key, 5)
    center = jax.random.randint(k1, (B,), 0, EMB_SIZE)
    context = jax.random.randint(k2, (B,), 0, EMB_SIZE)
    neg_context = jax.random.randint(k3, (B, N_NEG), 0, EMB_SIZE)
    r = 0.5 / EMB_DIM
    center_weight = jax.random.uniform(k4, (EMB_SIZE, EMB_DIM), minval=-r, maxval=r, dtype=jnp.float32)
    # NOTE: original inits context embeddings to zeros; we use small uniform values
    # so the forward/backward signals are numerically non-degenerate.
    context_weight = jax.random.uniform(k5, (EMB_SIZE, EMB_DIM), minval=-r, maxval=r, dtype=jnp.float32)
    return {
        "center": center,
        "context": context,
        "neg_context": neg_context,
        "center_weight": center_weight,
        "context_weight": context_weight,
    }


def reference(center, context, neg_context, center_weight, context_weight):
    # embedding lookups (gathers)
    emb_center = jnp.take(center_weight, center, axis=0)          # [B, D]
    emb_context = jnp.take(context_weight, context, axis=0)       # [B, D]
    emb_neg_context = jnp.take(context_weight, neg_context, axis=0)  # [B, N_NEG, D]

    # positive score
    score = jnp.sum(emb_center * emb_context, axis=1)
    score = jnp.clip(score, -10.0, 10.0)
    score = -jax.nn.log_sigmoid(score)

    # negative score: bmm([B,N,D], [B,D,1]) -> [B,N]
    neg_score = jnp.einsum('bnd,bd->bn', emb_neg_context, emb_center)
    neg_score = jnp.clip(neg_score, -10.0, 10.0)
    neg_score = -jnp.sum(jax.nn.log_sigmoid(-neg_score), axis=1)

    return jnp.mean(score + neg_score)

if __name__ == "__main__":
    import jax
    _d = setup_inputs()
    print(jax.jit(kernel)(*tuple(_d.values())))

</pallas_src>

<mosaic_0001>
#map = affine_map<(d0, d1) -> (0)>
#map1 = affine_map<(d0, d1) -> (0, 0)>
module attributes {stable_mosaic.version = 14 : i64} {
  func.func @_sc_scores(%arg0: i32, %arg1: i32, %arg2: memref<4096xi32, #tpu.memory_space<hbm>>, %arg3: memref<4096xi32, #tpu.memory_space<hbm>>, %arg4: memref<1024x80xi32, #tpu.memory_space<hbm>>, %arg5: memref<100000x128xf32, #tpu.memory_space<hbm>>, %arg6: memref<100000x128xf32, #tpu.memory_space<hbm>>, %arg7: memref<4096x32xf32, #tpu.memory_space<hbm>>, %arg8: memref<128xi32, #tpu.memory_space<vmem>>, %arg9: memref<128xi32, #tpu.memory_space<vmem>>, %arg10: memref<32x80xi32, #tpu.memory_space<vmem>>, %arg11: memref<128x128xf32, #tpu.memory_space<vmem>>, %arg12: memref<128x128xf32, #tpu.memory_space<vmem>>, %arg13: memref<4x80x128xf32, #tpu.memory_space<vmem>>, %arg14: memref<128x32xf32, #tpu.memory_space<vmem>>, %arg15: memref<!tpu.dma_semaphore, #tpu.memory_space<semaphore_mem>>, %arg16: memref<!tpu.dma_semaphore, #tpu.memory_space<semaphore_mem>>, %arg17: memref<!tpu.dma_semaphore, #tpu.memory_space<semaphore_mem>>, %arg18: memref<8x!tpu.dma_semaphore, #tpu.memory_space<semaphore_mem>>, %arg19: memref<8x!tpu.dma_semaphore, #tpu.memory_space<semaphore_mem>>, %arg20: memref<4x!tpu.dma_semaphore, #tpu.memory_space<semaphore_mem>>, %arg21: memref<4x!tpu.dma_semaphore, #tpu.memory_space<semaphore_mem>>) attributes {dimension_semantics = [#tpu.dimension_semantics<core_parallel>, #tpu.dimension_semantics<subcore_parallel>], iteration_bounds = array<i64: 2, 16>, scalar_prefetch = 0 : i64, scratch_operands = 14 : i64, tpu.core_type = #tpu.core_type<sc_vector_subcore>, window_params = [{transform_indices = #map}, {transform_indices = #map}, {transform_indices = #map1}, {transform_indices = #map1}, {transform_indices = #map1}, {transform_indices = #map1}]} {
    %mul3A = arith.constant 2 : i32
    %mul3A_0 = arith.muli %arg1, %mul3A : i32
    %add3A = arith.addi %mul3A_0, %arg0 : i32
    %mul3A_1 = arith.constant 128 : i32
    %mul3A_2 = arith.muli %add3A, %mul3A_1 : i32
    %dma_start3A = tpu.memref_slice %arg2[%mul3A_2] : memref<4096xi32, #tpu.memory_space<hbm>> -> memref<128xi32, #tpu.memory_space<hbm>>
    %dma_start3A_3 = tpu.memref_slice %arg2[%mul3A_2] : memref<4096xi32, #tpu.memory_space<hbm>> -> memref<128xi32, #tpu.memory_space<hbm>>
    tpu.enqueue_dma source(%dma_start3A_3 : memref<128xi32, #tpu.memory_space<hbm>>) target(%arg8 : memref<128xi32, #tpu.memory_space<vmem>>) target_semaphore(%arg15 : memref<!tpu.dma_semaphore, #tpu.memory_space<semaphore_mem>>)
    %dma_start3A_4 = tpu.memref_slice %arg3[%mul3A_2] : memref<4096xi32, #tpu.memory_space<hbm>> -> memref<128xi32, #tpu.memory_space<hbm>>
    %dma_start3A_5 = tpu.memref_slice %arg3[%mul3A_2] : memref<4096xi32, #tpu.memory_space<hbm>> -> memref<128xi32, #tpu.memory_space<hbm>>
    tpu.enqueue_dma source(%dma_start3A_5 : memref<128xi32, #tpu.memory_space<hbm>>) target(%arg9 : memref<128xi32, #tpu.memory_space<vmem>>) target_semaphore(%arg16 : memref<!tpu.dma_semaphore, #tpu.memory_space<semaphore_mem>>)
    %mul3A_6 = arith.constant 32 : i32
    %mul3A_7 = arith.muli %add3A, %mul3A_6 : i32
    %dma_start3A_8 = arith.constant 0 : i32
    %dma_start3A_9 = tpu.memref_slice %arg4[%mul3A_7, %dma_start3A_8] : memref<1024x80xi32, #tpu.memory_space<hbm>> -> memref<32x80xi32, #tpu.memory_space<hbm>>
    %dma_start3A_10 = arith.constant 0 : i32
    %dma_start3A_11 = tpu.memref_slice %arg4[%mul3A_7, %dma_start3A_10] : memref<1024x80xi32, #tpu.memory_space<hbm>> -> memref<32x80xi32, #tpu.memory_space<hbm>>
    tpu.enqueue_dma source(%dma_start3A_11 : memref<32x80xi32, #tpu.memory_space<hbm>>) target(%arg10 : memref<32x80xi32, #tpu.memory_space<vmem>>) target_semaphore(%arg17 : memref<!tpu.dma_semaphore, #tpu.memory_space<semaphore_mem>>)
    %dma_wait3A = tpu.memref_slice %arg2[%mul3A_2] : memref<4096xi32, #tpu.memory_space<hbm>> -> memref<128xi32, #tpu.memory_space<hbm>>
    %dma_wait3A_12 = tpu.memref_slice %arg2[%mul3A_2] : memref<4096xi32, #tpu.memory_space<hbm>> -> memref<128xi32, #tpu.memory_space<hbm>>
    tpu.wait_dma2 semaphore(%arg15 : memref<!tpu.dma_semaphore, #tpu.memory_space<semaphore_mem>>) src(%dma_wait3A_12 : memref<128xi32, #tpu.memory_space<hbm>>) dst(%arg8 : memref<128xi32, #tpu.memory_space<vmem>>)
    %dma_start3A_13 = arith.constant 0 : i32
    %dma_start3A_14 = arith.constant 0 : i32
    %dma_start3A_15 = arith.constant 0 : i32
    %dma_start3A_16 = tpu.memref_slice %arg11[%dma_start3A_14, %dma_start3A_15] : memref<128x128xf32, #tpu.memory_space<vmem>> -> memref<16x128xf32, #tpu.memory_space<vmem>>
    %dma_start3A_17 = arith.constant 0 : i32
    %dma_start3A_18 = tpu.memref_slice %arg8[%dma_start3A_17] : memref<128xi32, #tpu.memory_space<vmem>> -> memref<16xi32, #tpu.memory_space<vmem>>
    %dma_start3A_19 = arith.constant 0 : i32
    %dma_start3A_20 = arith.constant 0 : i32
    %dma_start3A_21 = tpu.memref_slice %arg5[%dma_start3A_19, %dma_start3A_20] : memref<100000x128xf32, #tpu.memory_space<hbm>> -> memref<100000x128xf32, #tpu.memory_space<hbm>>
    %dma_start3A_22 = tpu.memref_slice %arg18[%dma_start3A_13] : memref<8x!tpu.dma_semaphore, #tpu.memory_space<semaphore_mem>> -> memref<1x!tpu.dma_semaphore, #tpu.memory_space<semaphore_mem>>
    %dma_start3A_23 = tpu.memref_squeeze %dma_start3A_22 : memref<1x!tpu.dma_semaphore, #tpu.memory_space<semaphore_mem>> -> memref<!tpu.dma_semaphore, #tpu.memory_space<semaphore_mem>>
    tpu.enqueue_indirect_dma source(%dma_start3A_21 : memref<100000x128xf32, #tpu.memory_space<hbm>>) target(%dma_start3A_16 : memref<16x128xf32, #tpu.memory_space<vmem>>) offsets(%dma_start3A_18 : memref<16xi32, #tpu.memory_space<vmem>>) semaphore(%dma_start3A_23 : memref<!tpu.dma_semaphore, #tpu.memory_space<semaphore_mem>>)
    %dma_wait3A_24 = tpu.memref_slice %arg3[%mul3A_2] : memref<4096xi32, #tpu.memory_space<hbm>> -> memref<128xi32, #tpu.memory_space<hbm>>
    %dma_wait3A_25 = tpu.memref_slice %arg3[%mul3A_2] : memref<4096xi32, #tpu.memory_space<hbm>> -> memref<128xi32, #tpu.memory_space<hbm>>
    tpu.wait_dma2 semaphore(%arg16 : memref<!tpu.dma_semaphore, #tpu.memory_space<semaphore_mem>>) src(%dma_wait3A_25 : memref<128xi32, #tpu.memory_space<hbm>>) dst(%arg9 : memref<128xi32, #tpu.memory_space<vmem>>)
    %dma_start3A_26 = arith.constant 0 : i32
    %dma_start3A_27 = arith.constant 0 : i32
    %dma_start3A_28 = arith.constant 0 : i32
    %dma_start3A_29 = tpu.memref_slice %arg12[%dma_start3A_27, %dma_start3A_28] : memref<128x128xf32, #tpu.memory_space<vmem>> -> memref<16x128xf32, #tpu.memory_space<vmem>>
    %dma_start3A_30 = arith.constant 0 : i32
    %dma_start3A_31 = tpu.memref_slice %arg9[%dma_start3A_30] : memref<128xi32, #tpu.memory_space<vmem>> -> memref<16xi32, #tpu.memory_space<vmem>>
    %dma_start3A_32 = arith.constant 0 : i32
    %dma_start3A_33 = arith.constant 0 : i32
    %dma_start3A_34 = tpu.memref_slice %arg6[%dma_start3A_32, %dma_start3A_33] : memref<100000x128xf32, #tpu.memory_space<hbm>> -> memref<100000x128xf32, #tpu.memory_space<hbm>>
    %dma_start3A_35 = tpu.memref_slice %arg19[%dma_start3A_26] : memref<8x!tpu.dma_semaphore, #tpu.memory_space<semaphore_mem>> -> memref<1x!tpu.dma_semaphore, #tpu.memory_space<semaphore_mem>>
    %dma_start3A_36 = tpu.memref_squeeze %dma_start3A_35 : memref<1x!tpu.dma_semaphore, #tpu.memory_space<semaphore_mem>> -> memref<!tpu.dma_semaphore, #tpu.memory_space<semaphore_mem>>
    tpu.enqueue_indirect_dma source(%dma_start3A_34 : memref<100000x128xf32, #tpu.memory_space<hbm>>) target(%dma_start3A_29 : memref<16x128xf32, #tpu.memory_space<vmem>>) offsets(%dma_start3A_31 : memref<16xi32, #tpu.memory_space<vmem>>) semaphore(%dma_start3A_36 : memref<!tpu.dma_semaphore, #tpu.memory_space<semaphore_mem>>)
    %dma_wait3A_37 = arith.constant 0 : i32
    %dma_wait3A_38 = tpu.memref_slice %arg4[%mul3A_7, %dma_wait3A_37] : memref<1024x80xi32, #tpu.memory_space<hbm>> -> memref<32x80xi32, #tpu.memory_space<hbm>>
    %dma_wait3A_39 = arith.constant 0 : i32
    %dma_wait3A_40 = tpu.memref_slice %arg4[%mul3A_7, %dma_wait3A_39] : memref<1024x80xi32, #tpu.memory_space<hbm>> -> memref<32x80xi32, #tpu.memory_space<hbm>>
    tpu.wait_dma2 semaphore(%arg17 : memref<!tpu.dma_semaphore, #tpu.memory_space<semaphore_mem>>) src(%dma_wait3A_40 : memref<32x80xi32, #tpu.memory_space<hbm>>) dst(%arg10 : memref<32x80xi32, #tpu.memory_space<vmem>>)
    %dma_start3A_41 = arith.constant 0 : i32
    %dma_start3A_42 = arith.constant 0 : i32
    %dma_start3A_43 = arith.constant 0 : i32
    %dma_start3A_44 = arith.constant 0 : i32
    %dma_start3A_45 = arith.constant 0 : i32
    %dma_start3A_46 = tpu.memref_slice %arg13[%dma_start3A_42, %dma_start3A_44, %dma_start3A_45] : memref<4x80x128xf32, #tpu.memory_space<vmem>> -> memref<1x80x128xf32, #tpu.memory_space<vmem>>
    %dma_start3A_47 = tpu.memref_squeeze %dma_start3A_46 : memref<1x80x128xf32, #tpu.memory_space<vmem>> -> memref<80x128xf32, #tpu.memory_space<vmem>>
    %dma_start3A_48 = arith.constant 0 : i32
    %dma_start3A_49 = tpu.memref_slice %arg10[%dma_start3A_41, %dma_start3A_48] : memref<32x80xi32, #tpu.memory_space<vmem>> -> memref<1x80xi32, #tpu.memory_space<vmem>>
    %dma_start3A_50 = tpu.memref_squeeze %dma_start3A_49 : memref<1x80xi32, #tpu.memory_space<vmem>> -> memref<80xi32, #tpu.memory_space<vmem>>
    %dma_start3A_51 = arith.constant 0 : i32
    %dma_start3A_52 = arith.constant 0 : i32
    %dma_start3A_53 = tpu.memref_slice %arg6[%dma_start3A_51, %dma_start3A_52] : memref<100000x128xf32, #tpu.memory_space<hbm>> -> memref<100000x128xf32, #tpu.memory_space<hbm>>
    %dma_start3A_54 = tpu.memref_slice %arg20[%dma_start3A_43] : memref<4x!tpu.dma_semaphore, #tpu.memory_space<semaphore_mem>> -> memref<1x!tpu.dma_semaphore, #tpu.memory_space<semaphore_mem>>
    %dma_start3A_55 = tpu.memref_squeeze %dma_start3A_54 : memref<1x!tpu.dma_semaphore, #tpu.memory_space<semaphore_mem>> -> memref<!tpu.dma_semaphore, #tpu.memory_space<semaphore_mem>>
    tpu.enqueue_indirect_dma source(%dma_start3A_53 : memref<100000x128xf32, #tpu.memory_space<hbm>>) target(%dma_start3A_47 : memref<80x128xf32, #tpu.memory_space<vmem>>) offsets(%dma_start3A_50 : memref<80xi32, #tpu.memory_space<vmem>>) semaphore(%dma_start3A_55 : memref<!tpu.dma_semaphore, #tpu.memory_space<semaphore_mem>>)
    %dma_start3A_56 = arith.constant 1 : i32
    %dma_start3A_57 = arith.constant 1 : i32
    %dma_start3A_58 = arith.constant 1 : i32
    %dma_start3A_59 = arith.constant 0 : i32
    %dma_start3A_60 = arith.constant 0 : i32
    %dma_start3A_61 = tpu.memref_slice %arg13[%dma_start3A_57, %dma_start3A_59, %dma_start3A_60] : memref<4x80x128xf32, #tpu.memory_space<vmem>> -> memref<1x80x128xf32, #tpu.memory_space<vmem>>
    %dma_start3A_62 = tpu.memref_squeeze %dma_start3A_61 : memref<1x80x128xf32, #tpu.memory_space<vmem>> -> memref<80x128xf32, #tpu.memory_space<vmem>>
    %dma_start3A_63 = arith.constant 0 : i32
    %dma_start3A_64 = tpu.memref_slice %arg10[%dma_start3A_56, %dma_start3A_63] : memref<32x80xi32, #tpu.memory_space<vmem>> -> memref<1x80xi32, #tpu.memory_space<vmem>>
    %dma_start3A_65 = tpu.memref_squeeze %dma_start3A_64 : memref<1x80xi32, #tpu.memory_space<vmem>> -> memref<80xi32, #tpu.memory_space<vmem>>
    %dma_start3A_66 = arith.constant 0 : i32
    %dma_start3A_67 = arith.constant 0 : i32
    %dma_start3A_68 = tpu.memref_slice %arg6[%dma_start3A_66, %dma_start3A_67] : memref<100000x128xf32, #tpu.memory_space<hbm>> -> memref<100000x128xf32, #tpu.memory_space<hbm>>
    %dma_start3A_69 = tpu.memref_slice %arg20[%dma_start3A_58] : memref<4x!tpu.dma_semaphore, #tpu.memory_space<semaphore_mem>> -> memref<1x!tpu.dma_semaphore, #tpu.memory_space<semaphore_mem>>
    %dma_start3A_70 = tpu.memref_squeeze %dma_start3A_69 : memref<1x!tpu.dma_semaphore, #tpu.memory_space<semaphore_mem>> -> memref<!tpu.dma_semaphore, #tpu.memory_space<semaphore_mem>>
    tpu.enqueue_indirect_dma source(%dma_start3A_68 : memref<100000x128xf32, #tpu.memory_space<hbm>>) target(%dma_start3A_62 : memref<80x128xf32, #tpu.memory_space<vmem>>) offsets(%dma_start3A_65 : memref<80xi32, #tpu.memory_space<vmem>>) semaphore(%dma_start3A_70 : memref<!tpu.dma_semaphore, #tpu.memory_space<semaphore_mem>>)
    %dma_start3A_71 = arith.constant 2 : i32
    %dma_start3A_72 = arith.constant 2 : i32
    %dma_start3A_73 = arith.constant 2 : i32
    %dma_start3A_74 = arith.constant 0 : i32
    %dma_start3A_75 = arith.constant 0 : i32
    %dma_start3A_76 = tpu.memref_slice %arg13[%dma_start3A_72, %dma_start3A_74, %dma_start3A_75] : memref<4x80x128xf32, #tpu.memory_space<vmem>> -> memref<1x80x128xf32, #tpu.memory_space<vmem>>
    %dma_start3A_77 = tpu.memref_squeeze %dma_start3A_76 : memref<1x80x128xf32, #tpu.memory_space<vmem>> -> memref<80x128xf32, #tpu.memory_space<vmem>>
    %dma_start3A_78 = arith.constant 0 : i32
    %dma_start3A_79 = tpu.memref_slice %arg10[%dma_start3A_71, %dma_start3A_78] : memref<32x80xi32, #tpu.memory_space<vmem>> -> memref<1x80xi32, #tpu.memory_space<vmem>>
    %dma_start3A_80 = tpu.memref_squeeze %dma_start3A_79 : memref<1x80xi32, #tpu.memory_space<vmem>> -> memref<80xi32, #tpu.memory_space<vmem>>
    %dma_start3A_81 = arith.constant 0 : i32
    %dma_start3A_82 = arith.constant 0 : i32
    %dma_start3A_83 = tpu.memref_slice %arg6[%dma_start3A_81, %dma_start3A_82] : memref<100000x128xf32, #tpu.memory_space<hbm>> -> memref<100000x128xf32, #tpu.memory_space<hbm>>
    %dma_start3A_84 = tpu.memref_slice %arg20[%dma_start3A_73] : memref<4x!tpu.dma_semaphore, #tpu.memory_space<semaphore_mem>> -> memref<1x!tpu.dma_semaphore, #tpu.memory_space<semaphore_mem>>
    %dma_start3A_85 = tpu.memref_squeeze %dma_start3A_84 : memref<1x!tpu.dma_semaphore, #tpu.memory_space<semaphore_mem>> -> memref<!tpu.dma_semaphore, #tpu.memory_space<semaphore_mem>>
    tpu.enqueue_indirect_dma source(%dma_start3A_83 : memref<100000x128xf32, #tpu.memory_space<hbm>>) target(%dma_start3A_77 : memref<80x128xf32, #tpu.memory_space<vmem>>) offsets(%dma_start3A_80 : memref<80xi32, #tpu.memory_space<vmem>>) semaphore(%dma_start3A_85 : memref<!tpu.dma_semaphore, #tpu.memory_space<semaphore_mem>>)
    %dma_start3A_86 = arith.constant 3 : i32
    %dma_start3A_87 = arith.constant 3 : i32
    %dma_start3A_88 = arith.constant 3 : i32
    %dma_start3A_89 = arith.constant 0 : i32
    %dma_start3A_90 = arith.constant 0 : i32
    %dma_start3A_91 = tpu.memref_slice %arg13[%dma_start3A_87, %dma_start3A_89, %dma_start3A_90] : memref<4x80x128xf32, #tpu.memory_space<vmem>> -> memref<1x80x128xf32, #tpu.memory_space<vmem>>
    %dma_start3A_92 = tpu.memref_squeeze %dma_start3A_91 : memref<1x80x128xf32, #tpu.memory_space<vmem>> -> memref<80x128xf32, #tpu.memory_space<vmem>>
    %dma_start3A_93 = arith.constant 0 : i32
    %dma_start3A_94 = tpu.memref_slice %arg10[%dma_start3A_86, %dma_start3A_93] : memref<32x80xi32, #tpu.memory_space<vmem>> -> memref<1x80xi32, #tpu.memory_space<vmem>>
    %dma_start3A_95 = tpu.memref_squeeze %dma_start3A_94 : memref<1x80xi32, #tpu.memory_space<vmem>> -> memref<80xi32, #tpu.memory_space<vmem>>
    %dma_start3A_96 = arith.constant 0 : i32
    %dma_start3A_97 = arith.constant 0 : i32
    %dma_start3A_98 = tpu.memref_slice %arg6[%dma_start3A_96, %dma_start3A_97] : memref<100000x128xf32, #tpu.memory_space<hbm>> -> memref<100000x128xf32, #tpu.memory_space<hbm>>
    %dma_start3A_99 = tpu.memref_slice %arg20[%dma_start3A_88] : memref<4x!tpu.dma_semaphore, #tpu.memory_space<semaphore_mem>> -> memref<1x!tpu.dma_semaphore, #tpu.memory_space<semaphore_mem>>
    %dma_start3A_100 = tpu.memref_squeeze %dma_start3A_99 : memref<1x!tpu.dma_semaphore, #tpu.memory_space<semaphore_mem>> -> memref<!tpu.dma_semaphore, #tpu.memory_space<semaphore_mem>>
    tpu.enqueue_indirect_dma source(%dma_start3A_98 : memref<100000x128xf32, #tpu.memory_space<hbm>>) target(%dma_start3A_92 : memref<80x128xf32, #tpu.memory_space<vmem>>) offsets(%dma_start3A_95 : memref<80xi32, #tpu.memory_space<vmem>>) semaphore(%dma_start3A_100 : memref<!tpu.dma_semaphore, #tpu.memory_space<semaphore_mem>>)
    %dma_start3A_101 = arith.constant 1 : i32
    %dma_start3A_102 = arith.constant 16 : i32
    %dma_start3A_103 = arith.constant 0 : i32
    %dma_start3A_104 = tpu.memref_slice %arg11[%dma_start3A_102, %dma_start3A_103] : memref<128x128xf32, #tpu.memory_space<vmem>> -> memref<16x128xf32, #tpu.memory_space<vmem>>
    %dma_start3A_105 = arith.constant 16 : i32
    %dma_start3A_106 = tpu.memref_slice %arg8[%dma_start3A_105] : memref<128xi32, #tpu.memory_space<vmem>> -> memref<16xi32, #tpu.memory_space<vmem>>
    %dma_start3A_107 = arith.constant 0 : i32
    %dma_start3A_108 = arith.constant 0 : i32
    %dma_start3A_109 = tpu.memref_slice %arg5[%dma_start3A_107, %dma_start3A_108] : memref<100000x128xf32, #tpu.memory_space<hbm>> -> memref<100000x128xf32, #tpu.memory_space<hbm>>
    %dma_start3A_110 = tpu.memref_slice %arg18[%dma_start3A_101] : memref<8x!tpu.dma_semaphore, #tpu.memory_space<semaphore_mem>> -> memref<1x!tpu.dma_semaphore, #tpu.memory_space<semaphore_mem>>
    %dma_start3A_111 = tpu.memref_squeeze %dma_start3A_110 : memref<1x!tpu.dma_semaphore, #tpu.memory_space<semaphore_mem>> -> memref<!tpu.dma_semaphore, #tpu.memory_space<semaphore_mem>>
    tpu.enqueue_indirect_dma source(%dma_start3A_109 : memref<100000x128xf32, #tpu.memory_space<hbm>>) target(%dma_start3A_104 : memref<16x128xf32, #tpu.memory_space<vmem>>) offsets(%dma_start3A_106 : memref<16xi32, #tpu.memory_space<vmem>>) semaphore(%dma_start3A_111 : memref<!tpu.dma_semaphore, #tpu.memory_space<semaphore_mem>>)
    %dma_start3A_112 = arith.constant 1 : i32
    %dma_start3A_113 = arith.constant 16 : i32
    %dma_start3A_114 = arith.constant 0 : i32
    %dma_start3A_115 = tpu.memref_slice %arg12[%dma_start3A_113, %dma_start3A_114] : memref<128x128xf32, #tpu.memory_space<vmem>> -> memref<16x128xf32, #tpu.memory_space<vmem>>
    %dma_start3A_116 = arith.constant 16 : i32
    %dma_start3A_117 = tpu.memref_slice %arg9[%dma_start3A_116] : memref<128xi32, #tpu.memory_space<vmem>> -> memref<16xi32, #tpu.memory_space<vmem>>
    %dma_start3A_118 = arith.constant 0 : i32
    %dma_start3A_119 = arith.constant 0 : i32
    %dma_start3A_120 = tpu.memref_slice %arg6[%dma_start3A_118, %dma_start3A_119] : memref<100000x128xf32, #tpu.memory_space<hbm>> -> memref<100000x128xf32, #tpu.memory_space<hbm>>
    %dma_start3A_121 = tpu.memref_slice %arg19[%dma_start3A_112] : memref<8x!tpu.dma_semaphore, #tpu.memory_space<semaphore_mem>> -> memref<1x!tpu.dma_semaphore, #tpu.memory_space<semaphore_mem>>
    %dma_start3A_122 = tpu.memref_squeeze %dma_start3A_121 : memref<1x!tpu.dma_semaphore, #tpu.memory_space<semaphore_mem>> -> memref<!tpu.dma_semaphore, #tpu.memory_space<semaphore_mem>>
    tpu.enqueue_indirect_dma source(%dma_start3A_120 : memref<100000x128xf32, #tpu.memory_space<hbm>>) target(%dma_start3A_115 : memref<16x128xf32, #tpu.memory_space<vmem>>) offsets(%dma_start3A_117 : memref<16xi32, #tpu.memory_space<vmem>>) semaphore(%dma_start3A_122 : memref<!tpu.dma_semaphore, #tpu.memory_space<semaphore_mem>>)
    %dma_start3A_123 = arith.constant 2 : i32
    %dma_start3A_124 = arith.constant 32 : i32
    %dma_start3A_125 = arith.constant 0 : i32
    %dma_start3A_126 = tpu.memref_slice %arg11[%dma_start3A_124, %dma_start3A_125] : memref<128x128xf32, #tpu.memory_space<vmem>> -> memref<16x128xf32, #tpu.memory_space<vmem>>
    %dma_start3A_127 = arith.constant 32 : i32
    %dma_start3A_128 = tpu.memref_slice %arg8[%dma_start3A_127] : memref<128xi32, #tpu.memory_space<vmem>> -> memref<16xi32, #tpu.memory_space<vmem>>
    %dma_start3A_129 = arith.constant 0 : i32
    %dma_start3A_130 = arith.constant 0 : i32
    %dma_start3A_131 = tpu.memref_slice %arg5[%dma_start3A_129, %dma_start3A_130] : memref<100000x128xf32, #tpu.memory_space<hbm>> -> memref<100000x128xf32, #tpu.memory_space<hbm>>
    %dma_start3A_132 = tpu.memref_slice %arg18[%dma_start3A_123] : memref<8x!tpu.dma_semaphore, #tpu.memory_space<semaphore_mem>> -> memref<1x!tpu.dma_semaphore, #tpu.memory_space<semaphore_mem>>
    %dma_start3A_133 = tpu.memref_squeeze %dma_start3A_132 : memref<1x!tpu.dma_semaphore, #tpu.memory_space<semaphore_mem>> -> memref<!tpu.dma_semaphore, #tpu.memory_space<semaphore_mem>>
    tpu.enqueue_indirect_dma source(%dma_start3A_131 : memref<100000x128xf32, #tpu.memory_space<hbm>>) target(%dma_start3A_126 : memref<16x128xf32, #tpu.memory_space<vmem>>) offsets(%dma_start3A_128 : memref<16xi32, #tpu.memory_space<vmem>>) semaphore(%dma_start3A_133 : memref<!tpu.dma_semaphore, #tpu.memory_space<semaphore_mem>>)
    %dma_start3A_134 = arith.constant 2 : i32
    %dma_start3A_135 = arith.constant 32 : i32
    %dma_start3A_136 = arith.constant 0 : i32
    %dma_start3A_137 = tpu.memref_slice %arg12[%dma_start3A_135, %dma_start3A_136] : memref<128x128xf32, #tpu.memory_space<vmem>> -> memref<16x128xf32, #tpu.memory_space<vmem>>
    %dma_start3A_138 = arith.constant 32 : i32
    %dma_start3A_139 = tpu.memref_slice %arg9[%dma_start3A_138] : memref<128xi32, #tpu.memory_space<vmem>> -> memref<16xi32, #tpu.memory_space<vmem>>
    %dma_start3A_140 = arith.constant 0 : i32
    %dma_start3A_141 = arith.constant 0 : i32
    %dma_start3A_142 = tpu.memref_slice %arg6[%dma_start3A_140, %dma_start3A_141] : memref<100000x128xf32, #tpu.memory_space<hbm>> -> memref<100000x128xf32, #tpu.memory_space<hbm>>
    %dma_start3A_143 = tpu.memref_slice %arg19[%dma_start3A_134] : memref<8x!tpu.dma_semaphore, #tpu.memory_space<semaphore_mem>> -> memref<1x!tpu.dma_semaphore, #tpu.memory_space<semaphore_mem>>
    %dma_start3A_144 = tpu.memref_squeeze %dma_start3A_143 : memref<1x!tpu.dma_semaphore, #tpu.memory_space<semaphore_mem>> -> memref<!tpu.dma_semaphore, #tpu.memory_space<semaphore_mem>>
    tpu.enqueue_indirect_dma source(%dma_start3A_142 : memref<100000x128xf32, #tpu.memory_space<hbm>>) target(%dma_start3A_137 : memref<16x128xf32, #tpu.memory_space<vmem>>) offsets(%dma_start3A_139 : memref<16xi32, #tpu.memory_space<vmem>>) semaphore(%dma_start3A_144 : memref<!tpu.dma_semaphore, #tpu.memory_space<semaphore_mem>>)
    %dma_start3A_145 = arith.constant 3 : i32
    %dma_start3A_146 = arith.constant 48 : i32
    %dma_start3A_147 = arith.constant 0 : i32
    %dma_start3A_148 = tpu.memref_slice %arg11[%dma_start3A_146, %dma_start3A_147] : memref<128x128xf32, #tpu.memory_space<vmem>> -> memref<16x128xf32, #tpu.memory_space<vmem>>
    %dma_start3A_149 = arith.constant 48 : i32
    %dma_start3A_150 = tpu.memref_slice %arg8[%dma_start3A_149] : memref<128xi32, #tpu.memory_space<vmem>> -> memref<16xi32, #tpu.memory_space<vmem>>
    %dma_start3A_151 = arith.constant 0 : i32
    %dma_start3A_152 = arith.constant 0 : i32
    %dma_start3A_153 = tpu.memref_slice %arg5[%dma_start3A_151, %dma_start3A_152] : memref<100000x128xf32, #tpu.memory_space<hbm>> -> memref<100000x128xf32, #tpu.memory_space<hbm>>
    %dma_start3A_154 = tpu.memref_slice %arg18[%dma_start3A_145] : memref<8x!tpu.dma_semaphore, #tpu.memory_space<semaphore_mem>> -> memref<1x!tpu.dma_semaphore, #tpu.memory_space<semaphore_mem>>
    %dma_start3A_155 = tpu.memref_squeeze %dma_start3A_154 : memref<1x!tpu.dma_semaphore, #tpu.memory_space<semaphore_mem>> -> memref<!tpu.dma_semaphore, #tpu.memory_space<semaphore_mem>>
    tpu.enqueue_indirect_dma source(%dma_start3A_153 : memref<100000x128xf32, #tpu.memory_space<hbm>>) target(%dma_start3A_148 : memref<16x128xf32, #tpu.memory_space<vmem>>) offsets(%dma_start3A_150 : memref<16xi32, #tpu.memory_space<vmem>>) semaphore(%dma_start3A_155 : memref<!tpu.dma_semaphore, #tpu.memory_space<semaphore_mem>>)
    %dma_start3A_156 = arith.constant 3 : i32
    %dma_start3A_157 = arith.constant 48 : i32
    %dma_start3A_158 = arith.constant 0 : i32
    %dma_start3A_159 = tpu.memref_slice %arg12[%dma_start3A_157, %dma_start3A_158] : memref<128x128xf32, #tpu.memory_space<vmem>> -> memref<16x128xf32, #tpu.memory_space<vmem>>
    %dma_start3A_160 = arith.constant 48 : i32
    %dma_start3A_161 = tpu.memref_slice %arg9[%dma_start3A_160] : memref<128xi32, #tpu.memory_space<vmem>> -> memref<16xi32, #tpu.memory_space<vmem>>
    %dma_start3A_162 = arith.constant 0 : i32
    %dma_start3A_163 = arith.constant 0 : i32
    %dma_start3A_164 = tpu.memref_slice %arg6[%dma_start3A_162, %dma_start3A_163] : memref<100000x128xf32, #tpu.memory_space<hbm>> -> memref<100000x128xf32, #tpu.memory_space<hbm>>
    %dma_start3A_165 = tpu.memref_slice %arg19[%dma_start3A_156] : memref<8x!tpu.dma_semaphore, #tpu.memory_space<semaphore_mem>> -> memref<1x!tpu.dma_semaphore, #tpu.memory_space<semaphore_mem>>
    %dma_start3A_166 = tpu.memref_squeeze %dma_start3A_165 : memref<1x!tpu.dma_semaphore, #tpu.memory_space<semaphore_mem>> -> memref<!tpu.dma_semaphore, #tpu.memory_space<semaphore_mem>>
    tpu.enqueue_indirect_dma source(%dma_start3A_164 : memref<100000x128xf32, #tpu.memory_space<hbm>>) target(%dma_start3A_159 : memref<16x128xf32, #tpu.memory_space<vmem>>) offsets(%dma_start3A_161 : memref<16xi32, #tpu.memory_space<vmem>>) semaphore(%dma_start3A_166 : memref<!tpu.dma_semaphore, #tpu.memory_space<semaphore_mem>>)
    %dma_start3A_167 = arith.constant 4 : i32
    %dma_start3A_168 = arith.constant 64 : i32
    %dma_start3A_169 = arith.constant 0 : i32
    %dma_start3A_170 = tpu.memref_slice %arg11[%dma_start3A_168, %dma_start3A_169] : memref<128x128xf32, #tpu.memory_space<vmem>> -> memref<16x128xf32, #tpu.memory_space<vmem>>
    %dma_start3A_171 = arith.constant 64 : i32
    %dma_start3A_172 = tpu.memref_slice %arg8[%dma_start3A_171] : memref<128xi32, #tpu.memory_space<vmem>> -> memref<16xi32, #tpu.memory_space<vmem>>
    %dma_start3A_173 = arith.constant 0 : i32
    %dma_start3A_174 = arith.constant 0 : i32
    %dma_start3A_175 = tpu.memref_slice %arg5[%dma_start3A_173, %dma_start3A_174] : memref<100000x128xf32, #tpu.memory_space<hbm>> -> memref<100000x128xf32, #tpu.memory_space<hbm>>
    %dma_start3A_176 = tpu.memref_slice %arg18[%dma_start3A_167] : memref<8x!tpu.dma_semaphore, #tpu.memory_space<semaphore_mem>> -> memref<1x!tpu.dma_semaphore, #tpu.memory_space<semaphore_mem>>
    %dma_start3A_177 = tpu.memref_squeeze %dma_start3A_176 : memref<1x!tpu.dma_semaphore, #tpu.memory_space<semaphore_mem>> -> memref<!tpu.dma_semaphore, #tpu.memory_space<semaphore_mem>>
    tpu.enqueue_indirect_dma source(%dma_start3A_175 : memref<100000x128xf32, #tpu.memory_space<hbm>>) target(%dma_start3A_170 : memref<16x128xf32, #tpu.memory_space<vmem>>) offsets(%dma_start3A_172 : memref<16xi32, #tpu.memory_space<vmem>>) semaphore(%dma_start3A_177 : memref<!tpu.dma_semaphore, #tpu.memory_space<semaphore_mem>>)
    %dma_start3A_178 = arith.constant 4 : i32
    %dma_start3A_179 = arith.constant 64 : i32
    %dma_start3A_180 = arith.constant 0 : i32
    %dma_start3A_181 = tpu.memref_slice %arg12[%dma_start3A_179, %dma_start3A_180] : memref<128x128xf32, #tpu.memory_space<vmem>> -> memref<16x128xf32, #tpu.memory_space<vmem>>
    %dma_start3A_182 = arith.constant 64 : i32
    %dma_start3A_183 = tpu.memref_slice %arg9[%dma_start3A_182] : memref<128xi32, #tpu.memory_space<vmem>> -> memref<16xi32, #tpu.memory_space<vmem>>
    %dma_start3A_184 = arith.constant 0 : i32
    %dma_start3A_185 = arith.constant 0 : i32
    %dma_start3A_186 = tpu.memref_slice %arg6[%dma_start3A_184, %dma_start3A_185] : memref<100000x128xf32, #tpu.memory_space<hbm>> -> memref<100000x128xf32, #tpu.memory_space<hbm>>
    %dma_start3A_187 = tpu.memref_slice %arg19[%dma_start3A_178] : memref<8x!tpu.dma_semaphore, #tpu.memory_space<semaphore_mem>> -> memref<1x!tpu.dma_semaphore, #tpu.memory_space<semaphore_mem>>
    %dma_start3A_188 = tpu.memref_squeeze %dma_start3A_187 : memref<1x!tpu.dma_semaphore, #tpu.memory_space<semaphore_mem>> -> memref<!tpu.dma_semaphore, #tpu.memory_space<semaphore_mem>>
    tpu.enqueue_indirect_dma source(%dma_start3A_186 : memref<100000x128xf32, #tpu.memory_space<hbm>>) target(%dma_start3A_181 : memref<16x128xf32, #tpu.memory_space<vmem>>) offsets(%dma_start3A_183 : memref<16xi32, #tpu.memory_space<vmem>>) semaphore(%dma_start3A_188 : memref<!tpu.dma_semaphore, #tpu.memory_space<semaphore_mem>>)
    %dma_start3A_189 = arith.constant 5 : i32
    %dma_start3A_190 = arith.constant 80 : i32
    %dma_start3A_191 = arith.constant 0 : i32
    %dma_start3A_192 = tpu.memref_slice %arg11[%dma_start3A_190, %dma_start3A_191] : memref<128x128xf32, #tpu.memory_space<vmem>> -> memref<16x128xf32, #tpu.memory_space<vmem>>
    %dma_start3A_193 = arith.constant 80 : i32
    %dma_start3A_194 = tpu.memref_slice %arg8[%dma_start3A_193] : memref<128xi32, #tpu.memory_space<vmem>> -> memref<16xi32, #tpu.memory_space<vmem>>
    %dma_start3A_195 = arith.constant 0 : i32
    %dma_start3A_196 = arith.constant 0 : i32
    %dma_start3A_197 = tpu.memref_slice %arg5[%dma_start3A_195, %dma_start3A_196] : memref<100000x128xf32, #tpu.memory_space<hbm>> -> memref<100000x128xf32, #tpu.memory_space<hbm>>
    %dma_start3A_198 = tpu.memref_slice %arg18[%dma_start3A_189] : memref<8x!tpu.dma_semaphore, #tpu.memory_space<semaphore_mem>> -> memref<1x!tpu.dma_semaphore, #tpu.memory_space<semaphore_mem>>
    %dma_start3A_199 = tpu.memref_squeeze %dma_start3A_198 : memref<1x!tpu.dma_semaphore, #tpu.memory_space<semaphore_mem>> -> memref<!tpu.dma_semaphore, #tpu.memory_space<semaphore_mem>>
    tpu.enqueue_indirect_dma source(%dma_start3A_197 : memref<100000x128xf32, #tpu.memory_space<hbm>>) target(%dma_start3A_192 : memref<16x128xf32, #tpu.memory_space<vmem>>) offsets(%dma_start3A_194 : memref<16xi32, #tpu.memory_space<vmem>>) semaphore(%dma_start3A_199 : memref<!tpu.dma_semaphore, #tpu.memory_space<semaphore_mem>>)
    %dma_start3A_200 = arith.constant 5 : i32
    %dma_start3A_201 = arith.constant 80 : i32
    %dma_start3A_202 = arith.constant 0 : i32
    %dma_start3A_203 = tpu.memref_slice %arg12[%dma_start3A_201, %dma_start3A_202] : memref<128x128xf32, #tpu.memory_space<vmem>> -> memref<16x128xf32, #tpu.memory_space<vmem>>
    %dma_start3A_204 = arith.constant 80 : i32
    %dma_start3A_205 = tpu.memref_slice %arg9[%dma_start3A_204] : memref<128xi32, #tpu.memory_space<vmem>> -> memref<16xi32, #tpu.memory_space<vmem>>
    %dma_start3A_206 = arith.constant 0 : i32
    %dma_start3A_207 = arith.constant 0 : i32
    %dma_start3A_208 = tpu.memref_slice %arg6[%dma_start3A_206, %dma_start3A_207] : memref<100000x128xf32, #tpu.memory_space<hbm>> -> memref<100000x128xf32, #tpu.memory_space<hbm>>
    %dma_start3A_209 = tpu.memref_slice %arg19[%dma_start3A_200] : memref<8x!tpu.dma_semaphore, #tpu.memory_space<semaphore_mem>> -> memref<1x!tpu.dma_semaphore, #tpu.memory_space<semaphore_mem>>
    %dma_start3A_210 = tpu.memref_squeeze %dma_start3A_209 : memref<1x!tpu.dma_semaphore, #tpu.memory_space<semaphore_mem>> -> memref<!tpu.dma_semaphore, #tpu.memory_space<semaphore_mem>>
    tpu.enqueue_indirect_dma source(%dma_start3A_208 : memref<100000x128xf32, #tpu.memory_space<hbm>>) target(%dma_start3A_203 : memref<16x128xf32, #tpu.memory_space<vmem>>) offsets(%dma_start3A_205 : memref<16xi32, #tpu.memory_space<vmem>>) semaphore(%dma_start3A_210 : memref<!tpu.dma_semaphore, #tpu.memory_space<semaphore_mem>>)
    %dma_start3A_211 = arith.constant 6 : i32
    %dma_start3A_212 = arith.constant 96 : i32
    %dma_start3A_213 = arith.constant 0 : i32
    %dma_start3A_214 = tpu.memref_slice %arg11[%dma_start3A_212, %dma_start3A_213] : memref<128x128xf32, #tpu.memory_space<vmem>> -> memref<16x128xf32, #tpu.memory_space<vmem>>
    %dma_start3A_215 = arith.constant 96 : i32
    %dma_start3A_216 = tpu.memref_slice %arg8[%dma_start3A_215] : memref<128xi32, #tpu.memory_space<vmem>> -> memref<16xi32, #tpu.memory_space<vmem>>
    %dma_start3A_217 = arith.constant 0 : i32
    %dma_start3A_218 = arith.constant 0 : i32
    %dma_start3A_219 = tpu.memref_slice %arg5[%dma_start3A_217, %dma_start3A_218] : memref<100000x128xf32, #tpu.memory_space<hbm>> -> memref<100000x128xf32, #tpu.memory_space<hbm>>
    %dma_start3A_220 = tpu.memref_slice %arg18[%dma_start3A_211] : memref<8x!tpu.dma_semaphore, #tpu.memory_space<semaphore_mem>> -> memref<1x!tpu.dma_semaphore, #tpu.memory_space<semaphore_mem>>
    %dma_start3A_221 = tpu.memref_squeeze %dma_start3A_220 : memref<1x!tpu.dma_semaphore, #tpu.memory_space<semaphore_mem>> -> memref<!tpu.dma_semaphore, #tpu.memory_space<semaphore_mem>>
    tpu.enqueue_indirect_dma source(%dma_start3A_219 : memref<100000x128xf32, #tpu.memory_space<hbm>>) target(%dma_start3A_214 : memref<16x128xf32, #tpu.memory_space<vmem>>) offsets(%dma_start3A_216 : memref<16xi32, #tpu.memory_space<vmem>>) semaphore(%dma_start3A_221 : memref<!tpu.dma_semaphore, #tpu.memory_space<semaphore_mem>>)
    %dma_start3A_222 = arith.constant 6 : i32
    %dma_start3A_223 = arith.constant 96 : i32
    %dma_start3A_224 = arith.constant 0 : i32
    %dma_start3A_225 = tpu.memref_slice %arg12[%dma_start3A_223, %dma_start3A_224] : memref<128x128xf32, #tpu.memory_space<vmem>> -> memref<16x128xf32, #tpu.memory_space<vmem>>
    %dma_start3A_226 = arith.constant 96 : i32
    %dma_start3A_227 = tpu.memref_slice %arg9[%dma_start3A_226] : memref<128xi32, #tpu.memory_space<vmem>> -> memref<16xi32, #tpu.memory_space<vmem>>
    %dma_start3A_228 = arith.constant 0 : i32
    %dma_start3A_229 = arith.constant 0 : i32
    %dma_start3A_230 = tpu.memref_slice %arg6[%dma_start3A_228, %dma_start3A_229] : memref<100000x128xf32, #tpu.memory_space<hbm>> -> memref<100000x128xf32, #tpu.memory_space<hbm>>
    %dma_start3A_231 = tpu.memref_slice %arg19[%dma_start3A_222] : memref<8x!tpu.dma_semaphore, #tpu.memory_space<semaphore_mem>> -> memref<1x!tpu.dma_semaphore, #tpu.memory_space<semaphore_mem>>
    %dma_start3A_232 = tpu.memref_squeeze %dma_start3A_231 : memref<1x!tpu.dma_semaphore, #tpu.memory_space<semaphore_mem>> -> memref<!tpu.dma_semaphore, #tpu.memory_space<semaphore_mem>>
    tpu.enqueue_indirect_dma source(%dma_start3A_230 : memref<100000x128xf32, #tpu.memory_space<hbm>>) target(%dma_start3A_225 : memref<16x128xf32, #tpu.memory_space<vmem>>) offsets(%dma_start3A_227 : memref<16xi32, #tpu.memory_space<vmem>>) semaphore(%dma_start3A_232 : memref<!tpu.dma_semaphore, #tpu.memory_space<semaphore_mem>>)
    %dma_start3A_233 = arith.constant 7 : i32
    %dma_start3A_234 = arith.constant 112 : i32
    %dma_start3A_235 = arith.constant 0 : i32
    %dma_start3A_236 = tpu.memref_slice %arg11[%dma_start3A_234, %dma_start3A_235] : memref<128x128xf32, #tpu.memory_space<vmem>> -> memref<16x128xf32, #tpu.memory_space<vmem>>
    %dma_start3A_237 = arith.constant 112 : i32
    %dma_start3A_238 = tpu.memref_slice %arg8[%dma_start3A_237] : memref<128xi32, #tpu.memory_space<vmem>> -> memref<16xi32, #tpu.memory_space<vmem>>
    %dma_start3A_239 = arith.constant 0 : i32
    %dma_start3A_240 = arith.constant 0 : i32
    %dma_start3A_241 = tpu.memref_slice %arg5[%dma_start3A_239, %dma_start3A_240] : memref<100000x128xf32, #tpu.memory_space<hbm>> -> memref<100000x128xf32, #tpu.memory_space<hbm>>
    %dma_start3A_242 = tpu.memref_slice %arg18[%dma_start3A_233] : memref<8x!tpu.dma_semaphore, #tpu.memory_space<semaphore_mem>> -> memref<1x!tpu.dma_semaphore, #tpu.memory_space<semaphore_mem>>
    %dma_start3A_243 = tpu.memref_squeeze %dma_start3A_242 : memref<1x!tpu.dma_semaphore, #tpu.memory_space<semaphore_mem>> -> memref<!tpu.dma_semaphore, #tpu.memory_space<semaphore_mem>>
    tpu.enqueue_indirect_dma source(%dma_start3A_241 : memref<100000x128xf32, #tpu.memory_space<hbm>>) target(%dma_start3A_236 : memref<16x128xf32, #tpu.memory_space<vmem>>) offsets(%dma_start3A_238 : memref<16xi32, #tpu.memory_space<vmem>>) semaphore(%dma_start3A_243 : memref<!tpu.dma_semaphore, #tpu.memory_space<semaphore_mem>>)
    %dma_start3A_244 = arith.constant 7 : i32
    %dma_start3A_245 = arith.constant 112 : i32
    %dma_start3A_246 = arith.constant 0 : i32
    %dma_start3A_247 = tpu.memref_slice %arg12[%dma_start3A_245, %dma_start3A_246] : memref<128x128xf32, #tpu.memory_space<vmem>> -> memref<16x128xf32, #tpu.memory_space<vmem>>
    %dma_start3A_248 = arith.constant 112 : i32
    %dma_start3A_249 = tpu.memref_slice %arg9[%dma_start3A_248] : memref<128xi32, #tpu.memory_space<vmem>> -> memref<16xi32, #tpu.memory_space<vmem>>
    %dma_start3A_250 = arith.constant 0 : i32
    %dma_start3A_251 = arith.constant 0 : i32
    %dma_start3A_252 = tpu.memref_slice %arg6[%dma_start3A_250, %dma_start3A_251] : memref<100000x128xf32, #tpu.memory_space<hbm>> -> memref<100000x128xf32, #tpu.memory_space<hbm>>
    %dma_start3A_253 = tpu.memref_slice %arg19[%dma_start3A_244] : memref<8x!tpu.dma_semaphore, #tpu.memory_space<semaphore_mem>> -> memref<1x!tpu.dma_semaphore, #tpu.memory_space<semaphore_mem>>
    %dma_start3A_254 = tpu.memref_squeeze %dma_start3A_253 : memref<1x!tpu.dma_semaphore, #tpu.memory_space<semaphore_mem>> -> memref<!tpu.dma_semaphore, #tpu.memory_space<semaphore_mem>>
    tpu.enqueue_indirect_dma source(%dma_start3A_252 : memref<100000x128xf32, #tpu.memory_space<hbm>>) target(%dma_start3A_247 : memref<16x128xf32, #tpu.memory_space<vmem>>) offsets(%dma_start3A_249 : memref<16xi32, #tpu.memory_space<vmem>>) semaphore(%dma_start3A_254 : memref<!tpu.dma_semaphore, #tpu.memory_space<semaphore_mem>>)
    %iota3A = tpu.iota {dimensions = array<i32: 0>} : vector<16xi32>
    %scan3A = arith.constant 0 : i32
    %scan3A_255 = arith.constant 0 : i32
    %scan3A_256 = arith.constant 32 : i32
    %scan3A_257 = arith.addi %scan3A_255, %scan3A_256 : i32
    %scan3A_258 = arith.constant 1 : i32
    scf.for %scan3A_320 = %scan3A_255 to %scan3A_257 step %scan3A_258  : i32 {
      %and3A = arith.constant 3 : i32
      %and3A_321 = arith.andi %scan3A_320, %and3A : i32
      %eq3A = arith.constant 0 : i32
      %eq3A_322 = arith.cmpi eq, %and3A_321, %eq3A : i32
      %convert_element_type3A = arith.extui %eq3A_322 : i1 to i32
      %cond3A = arith.constant 0 : i32
      %cond3A_323 = arith.cmpi ne, %convert_element_type3A, %cond3A : i32
      scf.if %cond3A_323 {
        %shift_right_arithmetic3A = arith.constant 2 : i32
        %shift_right_arithmetic3A_359 = arith.shrsi %scan3A_320, %shift_right_arithmetic3A : i32
        %mul3A_360 = arith.constant 16 : i32
        %mul3A_361 = arith.muli %shift_right_arithmetic3A_359, %mul3A_360 : i32
        %dma_wait3A_362 = arith.constant 0 : i32
        %dma_wait3A_363 = tpu.memref_slice %arg11[%mul3A_361, %dma_wait3A_362] : memref<128x128xf32, #tpu.memory_space<vmem>> -> memref<16x128xf32, #tpu.memory_space<vmem>>
        %dma_wait3A_364 = arith.constant 0 : i32
        %dma_wait3A_365 = arith.constant 0 : i32
        %dma_wait3A_366 = tpu.memref_slice %arg5[%dma_wait3A_364, %dma_wait3A_365] : memref<100000x128xf32, #tpu.memory_space<hbm>> -> memref<16x128xf32, #tpu.memory_space<hbm>>
        %dma_wait3A_367 = tpu.memref_slice %arg18[%shift_right_arithmetic3A_359] : memref<8x!tpu.dma_semaphore, #tpu.memory_space<semaphore_mem>> -> memref<1x!tpu.dma_semaphore, #tpu.memory_space<semaphore_mem>>
        %dma_wait3A_368 = tpu.memref_squeeze %dma_wait3A_367 : memref<1x!tpu.dma_semaphore, #tpu.memory_space<semaphore_mem>> -> memref<!tpu.dma_semaphore, #tpu.memory_space<semaphore_mem>>
        %dma_wait3A_369 = arith.constant 0 : i32
        %dma_wait3A_370 = tpu.memref_slice %arg11[%mul3A_361, %dma_wait3A_369] : memref<128x128xf32, #tpu.memory_space<vmem>> -> memref<16x128xf32, #tpu.memory_space<vmem>>
        %dma_wait3A_371 = arith.constant 0 : i32
        %dma_wait3A_372 = arith.constant 0 : i32
        %dma_wait3A_373 = tpu.memref_slice %arg5[%dma_wait3A_371, %dma_wait3A_372] : memref<100000x128xf32, #tpu.memory_space<hbm>> -> memref<16x128xf32, #tpu.memory_space<hbm>>
        tpu.wait_dma2 semaphore(%dma_wait3A_368 : memref<!tpu.dma_semaphore, #tpu.memory_space<semaphore_mem>>) src(%dma_wait3A_373 : memref<16x128xf32, #tpu.memory_space<hbm>>) dst(%dma_wait3A_370 : memref<16x128xf32, #tpu.memory_space<vmem>>)
        %mul3A_374 = arith.constant 16 : i32
        %mul3A_375 = arith.muli %shift_right_arithmetic3A_359, %mul3A_374 : i32
        %dma_wait3A_376 = arith.constant 0 : i32
        %dma_wait3A_377 = tpu.memref_slice %arg12[%mul3A_375, %dma_wait3A_376] : memref<128x128xf32, #tpu.memory_space<vmem>> -> memref<16x128xf32, #tpu.memory_space<vmem>>
        %dma_wait3A_378 = arith.constant 0 : i32
        %dma_wait3A_379 = arith.constant 0 : i32
        %dma_wait3A_380 = tpu.memref_slice %arg6[%dma_wait3A_378, %dma_wait3A_379] : memref<100000x128xf32, #tpu.memory_space<hbm>> -> memref<16x128xf32, #tpu.memory_space<hbm>>
        %dma_wait3A_381 = tpu.memref_slice %arg19[%shift_right_arithmetic3A_359] : memref<8x!tpu.dma_semaphore, #tpu.memory_space<semaphore_mem>> -> memref<1x!tpu.dma_semaphore, #tpu.memory_space<semaphore_mem>>
        %dma_wait3A_382 = tpu.memref_squeeze %dma_wait3A_381 : memref<1x!tpu.dma_semaphore, #tpu.memory_space<semaphore_mem>> -> memref<!tpu.dma_semaphore, #tpu.memory_space<semaphore_mem>>
        %dma_wait3A_383 = arith.constant 0 : i32
        %dma_wait3A_384 = tpu.memref_slice %arg12[%mul3A_375, %dma_wait3A_383] : memref<128x128xf32, #tpu.memory_space<vmem>> -> memref<16x128xf32, #tpu.memory_space<vmem>>
        %dma_wait3A_385 = arith.constant 0 : i32
        %dma_wait3A_386 = arith.constant 0 : i32
        %dma_wait3A_387 = tpu.memref_slice %arg6[%dma_wait3A_385, %dma_wait3A_386] : memref<100000x128xf32, #tpu.memory_space<hbm>> -> memref<16x128xf32, #tpu.memory_space<hbm>>
        tpu.wait_dma2 semaphore(%dma_wait3A_382 : memref<!tpu.dma_semaphore, #tpu.memory_space<semaphore_mem>>) src(%dma_wait3A_387 : memref<16x128xf32, #tpu.memory_space<hbm>>) dst(%dma_wait3A_384 : memref<16x128xf32, #tpu.memory_space<vmem>>)
      } else {
      }
      %dma_wait3A_324 = arith.constant 0 : i32
      %dma_wait3A_325 = arith.constant 0 : i32
      %dma_wait3A_326 = tpu.memref_slice %arg13[%and3A_321, %dma_wait3A_324, %dma_wait3A_325] : memref<4x80x128xf32, #tpu.memory_space<vmem>> -> memref<1x80x128xf32, #tpu.memory_space<vmem>>
      %dma_wait3A_327 = tpu.memref_squeeze %dma_wait3A_326 : memref<1x80x128xf32, #tpu.memory_space<vmem>> -> memref<80x128xf32, #tpu.memory_space<vmem>>
      %dma_wait3A_328 = arith.constant 0 : i32
      %dma_wait3A_329 = arith.constant 0 : i32
      %dma_wait3A_330 = tpu.memref_slice %arg6[%dma_wait3A_328, %dma_wait3A_329] : memref<100000x128xf32, #tpu.memory_space<hbm>> -> memref<80x128xf32, #tpu.memory_space<hbm>>
      %dma_wait3A_331 = tpu.memref_slice %arg20[%and3A_321] : memref<4x!tpu.dma_semaphore, #tpu.memory_space<semaphore_mem>> -> memref<1x!tpu.dma_semaphore, #tpu.memory_space<semaphore_mem>>
      %dma_wait3A_332 = tpu.memref_squeeze %dma_wait3A_331 : memref<1x!tpu.dma_semaphore, #tpu.memory_space<semaphore_mem>> -> memref<!tpu.dma_semaphore, #tpu.memory_space<semaphore_mem>>
      %dma_wait3A_333 = arith.constant 0 : i32
      %dma_wait3A_334 = arith.constant 0 : i32
      %dma_wait3A_335 = tpu.memref_slice %arg13[%and3A_321, %dma_wait3A_333, %dma_wait3A_334] : memref<4x80x128xf32, #tpu.memory_space<vmem>> -> memref<1x80x128xf32, #tpu.memory_space<vmem>>
      %dma_wait3A_336 = tpu.memref_squeeze %dma_wait3A_335 : memref<1x80x128xf32, #tpu.memory_space<vmem>> -> memref<80x128xf32, #tpu.memory_space<vmem>>
      %dma_wait3A_337 = arith.constant 0 : i32
      %dma_wait3A_338 = arith.constant 0 : i32
      %dma_wait3A_339 = tpu.memref_slice %arg6[%dma_wait3A_337, %dma_wait3A_338] : memref<100000x128xf32, #tpu.memory_space<hbm>> -> memref<80x128xf32, #tpu.memory_space<hbm>>
      tpu.wait_dma2 semaphore(%dma_wait3A_332 : memref<!tpu.dma_semaphore, #tpu.memory_space<semaphore_mem>>) src(%dma_wait3A_339 : memref<80x128xf32, #tpu.memory_space<hbm>>) dst(%dma_wait3A_336 : memref<80x128xf32, #tpu.memory_space<vmem>>)
      %scan3A_340 = arith.constant 0 : i32
      %scan3A_341 = arith.constant 0 : i32
      %scan3A_342 = arith.constant 4 : i32
      %scan3A_343 = arith.addi %scan3A_341, %scan3A_342 : i32
      %scan3A_344 = arith.constant 1 : i32
      scf.for %scan3A_359 = %scan3A_341 to %scan3A_343 step %scan3A_344  : i32 {
        %mul3A_360 = arith.constant 4 : i32
        %mul3A_361 = arith.muli %scan3A_320, %mul3A_360 : i32
        %add3A_362 = arith.addi %mul3A_361, %scan3A_359 : i32
        %get3A = arith.index_cast %add3A_362 : i32 to index
        %get3A_363 = arith.constant 0 : index
        %get3A_364 = tpu.vector_load %arg11[%get3A, %get3A_363] {strides = array<i32>} : memref<128x128xf32, #tpu.memory_space<vmem>>, vector<16xf32>,
        %get3A_365 = arith.index_cast %add3A_362 : i32 to index
        %get3A_366 = arith.constant 16 : index
        %get3A_367 = tpu.vector_load %arg11[%get3A_365, %get3A_366] {strides = array<i32>} : memref<128x128xf32, #tpu.memory_space<vmem>>, vector<16xf32>,
        %get3A_368 = arith.index_cast %add3A_362 : i32 to index
        %get3A_369 = arith.constant 32 : index
        %get3A_370 = tpu.vector_load %arg11[%get3A_368, %get3A_369] {strides = array<i32>} : memref<128x128xf32, #tpu.memory_space<vmem>>, vector<16xf32>,
        %get3A_371 = arith.index_cast %add3A_362 : i32 to index
        %get3A_372 = arith.constant 48 : index
        %get3A_373 = tpu.vector_load %arg11[%get3A_371, %get3A_372] {strides = array<i32>} : memref<128x128xf32, #tpu.memory_space<vmem>>, vector<16xf32>,
        %get3A_374 = arith.index_cast %add3A_362 : i32 to index
        %get3A_375 = arith.constant 64 : index
        %get3A_376 = tpu.vector_load %arg11[%get3A_374, %get3A_375] {strides = array<i32>} : memref<128x128xf32, #tpu.memory_space<vmem>>, vector<16xf32>,
        %get3A_377 = arith.index_cast %add3A_362 : i32 to index
        %get3A_378 = arith.constant 80 : index
        %get3A_379 = tpu.vector_load %arg11[%get3A_377, %get3A_378] {strides = array<i32>} : memref<128x128xf32, #tpu.memory_space<vmem>>, vector<16xf32>,
        %get3A_380 = arith.index_cast %add3A_362 : i32 to index
        %get3A_381 = arith.constant 96 : index
        %get3A_382 = tpu.vector_load %arg11[%get3A_380, %get3A_381] {strides = array<i32>} : memref<128x128xf32, #tpu.memory_space<vmem>>, vector<16xf32>,
        %get3A_383 = arith.index_cast %add3A_362 : i32 to index
        %get3A_384 = arith.constant 112 : index
        %get3A_385 = tpu.vector_load %arg11[%get3A_383, %get3A_384] {strides = array<i32>} : memref<128x128xf32, #tpu.memory_space<vmem>>, vector<16xf32>,
        %get3A_386 = arith.index_cast %add3A_362 : i32 to index
        %get3A_387 = arith.constant 0 : index
        %get3A_388 = tpu.vector_load %arg12[%get3A_386, %get3A_387] {strides = array<i32>} : memref<128x128xf32, #tpu.memory_space<vmem>>, vector<16xf32>,
        %mul3A_389 = arith.mulf %get3A_364, %get3A_388 : vector<16xf32>
        %get3A_390 = arith.index_cast %add3A_362 : i32 to index
        %get3A_391 = arith.constant 16 : index
        %get3A_392 = tpu.vector_load %arg12[%get3A_390, %get3A_391] {strides = array<i32>} : memref<128x128xf32, #tpu.memory_space<vmem>>, vector<16xf32>,
        %mul3A_393 = arith.mulf %get3A_367, %get3A_392 : vector<16xf32>
        %add3A_394 = arith.addf %mul3A_389, %mul3A_393 : vector<16xf32>
        %get3A_395 = arith.index_cast %add3A_362 : i32 to index
        %get3A_396 = arith.constant 32 : index
        %get3A_397 = tpu.vector_load %arg12[%get3A_395, %get3A_396] {strides = array<i32>} : memref<128x128xf32, #tpu.memory_space<vmem>>, vector<16xf32>,
        %mul3A_398 = arith.mulf %get3A_370, %get3A_397 : vector<16xf32>
        %add3A_399 = arith.addf %add3A_394, %mul3A_398 : vector<16xf32>
        %get3A_400 = arith.index_cast %add3A_362 : i32 to index
        %get3A_401 = arith.constant 48 : index
        %get3A_402 = tpu.vector_load %arg12[%get3A_400, %get3A_401] {strides = array<i32>} : memref<128x128xf32, #tpu.memory_space<vmem>>, vector<16xf32>,
        %mul3A_403 = arith.mulf %get3A_373, %get3A_402 : vector<16xf32>
        %add3A_404 = arith.addf %add3A_399, %mul3A_403 : vector<16xf32>
        %get3A_405 = arith.index_cast %add3A_362 : i32 to index
        %get3A_406 = arith.constant 64 : index
        %get3A_407 = tpu.vector_load %arg12[%get3A_405, %get3A_406] {strides = array<i32>} : memref<128x128xf32, #tpu.memory_space<vmem>>, vector<16xf32>,
        %mul3A_408 = arith.mulf %get3A_376, %get3A_407 : vector<16xf32>
        %add3A_409 = arith.addf %add3A_404, %mul3A_408 : vector<16xf32>
        %get3A_410 = arith.index_cast %add3A_362 : i32 to index
        %get3A_411 = arith.constant 80 : index
        %get3A_412 = tpu.vector_load %arg12[%get3A_410, %get3A_411] {strides = array<i32>} : memref<128x128xf32, #tpu.memory_space<vmem>>, vector<16xf32>,
        %mul3A_413 = arith.mulf %get3A_379, %get3A_412 : vector<16xf32>
        %add3A_414 = arith.addf %add3A_409, %mul3A_413 : vector<16xf32>
        %get3A_415 = arith.index_cast %add3A_362 : i32 to index
        %get3A_416 = arith.constant 96 : index
        %get3A_417 = tpu.vector_load %arg12[%get3A_415, %get3A_416] {strides = array<i32>} : memref<128x128xf32, #tpu.memory_space<vmem>>, vector<16xf32>,
        %mul3A_418 = arith.mulf %get3A_382, %get3A_417 : vector<16xf32>
        %add3A_419 = arith.addf %add3A_414, %mul3A_418 : vector<16xf32>
        %get3A_420 = arith.index_cast %add3A_362 : i32 to index
        %get3A_421 = arith.constant 112 : index
        %get3A_422 = tpu.vector_load %arg12[%get3A_420, %get3A_421] {strides = array<i32>} : memref<128x128xf32, #tpu.memory_space<vmem>>, vector<16xf32>,
        %mul3A_423 = arith.mulf %get3A_385, %get3A_422 : vector<16xf32>
        %add3A_424 = arith.addf %add3A_419, %mul3A_423 : vector<16xf32>
        %mul3A_425 = arith.constant 20 : i32
        %mul3A_426 = arith.muli %scan3A_359, %mul3A_425 : i32
        %add3A_427 = arith.constant 0 : i32
        %add3A_428 = arith.addi %mul3A_426, %add3A_427 : i32
        %get3A_429 = arith.constant 0 : i32
        %get3A_430 = arith.constant 0 : i32
        %get3A_431 = tpu.memref_slice %arg13[%and3A_321, %get3A_429, %get3A_430] : memref<4x80x128xf32, #tpu.memory_space<vmem>> -> memref<1x80x128xf32, #tpu.memory_space<vmem>>
        %get3A_432 = tpu.memref_squeeze %get3A_431 : memref<1x80x128xf32, #tpu.memory_space<vmem>> -> memref<80x128xf32, #tpu.memory_space<vmem>>
        %get3A_433 = arith.index_cast %add3A_428 : i32 to index
        %get3A_434 = arith.constant 0 : index
        %get3A_435 = tpu.vector_load %get3A_432[%get3A_433, %get3A_434] {strides = array<i32>} : memref<80x128xf32, #tpu.memory_space<vmem>>, vector<16xf32>,
        %mul3A_436 = arith.mulf %get3A_364, %get3A_435 : vector<16xf32>
        %get3A_437 = arith.constant 0 : i32
        %get3A_438 = arith.constant 0 : i32
        %get3A_439 = tpu.memref_slice %arg13[%and3A_321, %get3A_437, %get3A_438] : memref<4x80x128xf32, #tpu.memory_space<vmem>> -> memref<1x80x128xf32, #tpu.memory_space<vmem>>
        %get3A_440 = tpu.memref_squeeze %get3A_439 : memref<1x80x128xf32, #tpu.memory_space<vmem>> -> memref<80x128xf32, #tpu.memory_space<vmem>>
        %get3A_441 = arith.index_cast %add3A_428 : i32 to index
        %get3A_442 = arith.constant 16 : index
        %get3A_443 = tpu.vector_load %get3A_440[%get3A_441, %get3A_442] {strides = array<i32>} : memref<80x128xf32, #tpu.memory_space<vmem>>, vector<16xf32>,
        %mul3A_444 = arith.mulf %get3A_367, %get3A_443 : vector<16xf32>
        %add3A_445 = arith.addf %mul3A_436, %mul3A_444 : vector<16xf32>
        %get3A_446 = arith.constant 0 : i32
        %get3A_447 = arith.constant 0 : i32
        %get3A_448 = tpu.memref_slice %arg13[%and3A_321, %get3A_446, %get3A_447] : memref<4x80x128xf32, #tpu.memory_space<vmem>> -> memref<1x80x128xf32, #tpu.memory_space<vmem>>
        %get3A_449 = tpu.memref_squeeze %get3A_448 : memref<1x80x128xf32, #tpu.memory_space<vmem>> -> memref<80x128xf32, #tpu.memory_space<vmem>>
        %get3A_450 = arith.index_cast %add3A_428 : i32 to index
        %get3A_451 = arith.constant 32 : index
        %get3A_452 = tpu.vector_load %get3A_449[%get3A_450, %get3A_451] {strides = array<i32>} : memref<80x128xf32, #tpu.memory_space<vmem>>, vector<16xf32>,
        %mul3A_453 = arith.mulf %get3A_370, %get3A_452 : vector<16xf32>
        %add3A_454 = arith.addf %add3A_445, %mul3A_453 : vector<16xf32>
        %get3A_455 = arith.constant 0 : i32
        %get3A_456 = arith.constant 0 : i32
        %get3A_457 = tpu.memref_slice %arg13[%and3A_321, %get3A_455, %get3A_456] : memref<4x80x128xf32, #tpu.memory_space<vmem>> -> memref<1x80x128xf32, #tpu.memory_space<vmem>>
        %get3A_458 = tpu.memref_squeeze %get3A_457 : memref<1x80x128xf32, #tpu.memory_space<vmem>> -> memref<80x128xf32, #tpu.memory_space<vmem>>
        %get3A_459 = arith.index_cast %add3A_428 : i32 to index
        %get3A_460 = arith.constant 48 : index
        %get3A_461 = tpu.vector_load %get3A_458[%get3A_459, %get3A_460] {strides = array<i32>} : memref<80x128xf32, #tpu.memory_space<vmem>>, vector<16xf32>,
        %mul3A_462 = arith.mulf %get3A_373, %get3A_461 : vector<16xf32>
        %add3A_463 = arith.addf %add3A_454, %mul3A_462 : vector<16xf32>
        %get3A_464 = arith.constant 0 : i32
        %get3A_465 = arith.constant 0 : i32
        %get3A_466 = tpu.memref_slice %arg13[%and3A_321, %get3A_464, %get3A_465] : memref<4x80x128xf32, #tpu.memory_space<vmem>> -> memref<1x80x128xf32, #tpu.memory_space<vmem>>
        %get3A_467 = tpu.memref_squeeze %get3A_466 : memref<1x80x128xf32, #tpu.memory_space<vmem>> -> memref<80x128xf32, #tpu.memory_space<vmem>>
        %get3A_468 = arith.index_cast %add3A_428 : i32 to index
        %get3A_469 = arith.constant 64 : index
        %get3A_470 = tpu.vector_load %get3A_467[%get3A_468, %get3A_469] {strides = array<i32>} : memref<80x128xf32, #tpu.memory_space<vmem>>, vector<16xf32>,
        %mul3A_471 = arith.mulf %get3A_376, %get3A_470 : vector<16xf32>
        %add3A_472 = arith.addf %add3A_463, %mul3A_471 : vector<16xf32>
        %get3A_473 = arith.constant 0 : i32
        %get3A_474 = arith.constant 0 : i32
        %get3A_475 = tpu.memref_slice %arg13[%and3A_321, %get3A_473, %get3A_474] : memref<4x80x128xf32, #tpu.memory_space<vmem>> -> memref<1x80x128xf32, #tpu.memory_space<vmem>>
        %get3A_476 = tpu.memref_squeeze %get3A_475 : memref<1x80x128xf32, #tpu.memory_space<vmem>> -> memref<80x128xf32, #tpu.memory_space<vmem>>
        %get3A_477 = arith.index_cast %add3A_428 : i32 to index
        %get3A_478 = arith.constant 80 : index
        %get3A_479 = tpu.vector_load %get3A_476[%get3A_477, %get3A_478] {strides = array<i32>} : memref<80x128xf32, #tpu.memory_space<vmem>>, vector<16xf32>,
        %mul3A_480 = arith.mulf %get3A_379, %get3A_479 : vector<16xf32>
        %add3A_481 = arith.addf %add3A_472, %mul3A_480 : vector<16xf32>
        %get3A_482 = arith.constant 0 : i32
        %get3A_483 = arith.constant 0 : i32
        %get3A_484 = tpu.memref_slice %arg13[%and3A_321, %get3A_482, %get3A_483] : memref<4x80x128xf32, #tpu.memory_space<vmem>> -> memref<1x80x128xf32, #tpu.memory_space<vmem>>
        %get3A_485 = tpu.memref_squeeze %get3A_484 : memref<1x80x128xf32, #tpu.memory_space<vmem>> -> memref<80x128xf32, #tpu.memory_space<vmem>>
        %get3A_486 = arith.index_cast %add3A_428 : i32 to index
        %get3A_487 = arith.constant 96 : index
        %get3A_488 = tpu.vector_load %get3A_485[%get3A_486, %get3A_487] {strides = array<i32>} : memref<80x128xf32, #tpu.memory_space<vmem>>, vector<16xf32>,
        %mul3A_489 = arith.mulf %get3A_382, %get3A_488 : vector<16xf32>
        %add3A_490 = arith.addf %add3A_481, %mul3A_489 : vector<16xf32>
        %get3A_491 = arith.constant 0 : i32
        %get3A_492 = arith.constant 0 : i32
        %get3A_493 = tpu.memref_slice %arg13[%and3A_321, %get3A_491, %get3A_492] : memref<4x80x128xf32, #tpu.memory_space<vmem>> -> memref<1x80x128xf32, #tpu.memory_space<vmem>>
        %get3A_494 = tpu.memref_squeeze %get3A_493 : memref<1x80x128xf32, #tpu.memory_space<vmem>> -> memref<80x128xf32, #tpu.memory_space<vmem>>
        %get3A_495 = arith.index_cast %add3A_428 : i32 to index
        %get3A_496 = arith.constant 112 : index
        %get3A_497 = tpu.vector_load %get3A_494[%get3A_495, %get3A_496] {strides = array<i32>} : memref<80x128xf32, #tpu.memory_space<vmem>>, vector<16xf32>,
        %mul3A_498 = arith.mulf %get3A_385, %get3A_497 : vector<16xf32>
        %add3A_499 = arith.addf %add3A_490, %mul3A_498 : vector<16xf32>
        %mul3A_500 = arith.constant 20 : i32
        %mul3A_501 = arith.muli %scan3A_359, %mul3A_500 : i32
        %add3A_502 = arith.constant 1 : i32
        %add3A_503 = arith.addi %mul3A_501, %add3A_502 : i32
        %get3A_504 = arith.constant 0 : i32
        %get3A_505 = arith.constant 0 : i32
        %get3A_506 = tpu.memref_slice %arg13[%and3A_321, %get3A_504, %get3A_505] : memref<4x80x128xf32, #tpu.memory_space<vmem>> -> memref<1x80x128xf32, #tpu.memory_space<vmem>>
        %get3A_507 = tpu.memref_squeeze %get3A_506 : memref<1x80x128xf32, #tpu.memory_space<vmem>> -> memref<80x128xf32, #tpu.memory_space<vmem>>
        %get3A_508 = arith.index_cast %add3A_503 : i32 to index
        %get3A_509 = arith.constant 0 : index
        %get3A_510 = tpu.vector_load %get3A_507[%get3A_508, %get3A_509] {strides = array<i32>} : memref<80x128xf32, #tpu.memory_space<vmem>>, vector<16xf32>,
        %mul3A_511 = arith.mulf %get3A_364, %get3A_510 : vector<16xf32>
        %get3A_512 = arith.constant 0 : i32
        %get3A_513 = arith.constant 0 : i32
        %get3A_514 = tpu.memref_slice %arg13[%and3A_321, %get3A_512, %get3A_513] : memref<4x80x128xf32, #tpu.memory_space<vmem>> -> memref<1x80x128xf32, #tpu.memory_space<vmem>>
        %get3A_515 = tpu.memref_squeeze %get3A_514 : memref<1x80x128xf32, #tpu.memory_space<vmem>> -> memref<80x128xf32, #tpu.memory_space<vmem>>
        %get3A_516 = arith.index_cast %add3A_503 : i32 to index
        %get3A_517 = arith.constant 16 : index
        %get3A_518 = tpu.vector_load %get3A_515[%get3A_516, %get3A_517] {strides = array<i32>} : memref<80x128xf32, #tpu.memory_space<vmem>>, vector<16xf32>,
        %mul3A_519 = arith.mulf %get3A_367, %get3A_518 : vector<16xf32>
        %add3A_520 = arith.addf %mul3A_511, %mul3A_519 : vector<16xf32>
        %get3A_521 = arith.constant 0 : i32
        %get3A_522 = arith.constant 0 : i32
        %get3A_523 = tpu.memref_slice %arg13[%and3A_321, %get3A_521, %get3A_522] : memref<4x80x128xf32, #tpu.memory_space<vmem>> -> memref<1x80x128xf32, #tpu.memory_space<vmem>>
        %get3A_524 = tpu.memref_squeeze %get3A_523 : memref<1x80x128xf32, #tpu.memory_space<vmem>> -> memref<80x128xf32, #tpu.memory_space<vmem>>
        %get3A_525 = arith.index_cast %add3A_503 : i32 to index
        %get3A_526 = arith.constant 32 : index
        %get3A_527 = tpu.vector_load %get3A_524[%get3A_525, %get3A_526] {strides = array<i32>} : memref<80x128xf32, #tpu.memory_space<vmem>>, vector<16xf32>,
        %mul3A_528 = arith.mulf %get3A_370, %get3A_527 : vector<16xf32>
        %add3A_529 = arith.addf %add3A_520, %mul3A_528 : vector<16xf32>
        %get3A_530 = arith.constant 0 : i32
        %get3A_531 = arith.constant 0 : i32
        %get3A_532 = tpu.memref_slice %arg13[%and3A_321, %get3A_530, %get3A_531] : memref<4x80x128xf32, #tpu.memory_space<vmem>> -> memref<1x80x128xf32, #tpu.memory_space<vmem>>
        %get3A_533 = tpu.memref_squeeze %get3A_532 : memref<1x80x128xf32, #tpu.memory_space<vmem>> -> memref<80x128xf32, #tpu.memory_space<vmem>>
        %get3A_534 = arith.index_cast %add3A_503 : i32 to index
        %get3A_535 = arith.constant 48 : index
        %get3A_536 = tpu.vector_load %get3A_533[%get3A_534, %get3A_535] {strides = array<i32>} : memref<80x128xf32, #tpu.memory_space<vmem>>, vector<16xf32>,
        %mul3A_537 = arith.mulf %get3A_373, %get3A_536 : vector<16xf32>
        %add3A_538 = arith.addf %add3A_529, %mul3A_537 : vector<16xf32>
        %get3A_539 = arith.constant 0 : i32
        %get3A_540 = arith.constant 0 : i32
        %get3A_541 = tpu.memref_slice %arg13[%and3A_321, %get3A_539, %get3A_540] : memref<4x80x128xf32, #tpu.memory_space<vmem>> -> memref<1x80x128xf32, #tpu.memory_space<vmem>>
        %get3A_542 = tpu.memref_squeeze %get3A_541 : memref<1x80x128xf32, #tpu.memory_space<vmem>> -> memref<80x128xf32, #tpu.memory_space<vmem>>
        %get3A_543 = arith.index_cast %add3A_503 : i32 to index
        %get3A_544 = arith.constant 64 : index
        %get3A_545 = tpu.vector_load %get3A_542[%get3A_543, %get3A_544] {strides = array<i32>} : memref<80x128xf32, #tpu.memory_space<vmem>>, vector<16xf32>,
        %mul3A_546 = arith.mulf %get3A_376, %get3A_545 : vector<16xf32>
        %add3A_547 = arith.addf %add3A_538, %mul3A_546 : vector<16xf32>
        %get3A_548 = arith.constant 0 : i32
        %get3A_549 = arith.constant 0 : i32
        %get3A_550 = tpu.memref_slice %arg13[%and3A_321, %get3A_548, %get3A_549] : memref<4x80x128xf32, #tpu.memory_space<vmem>> -> memref<1x80x128xf32, #tpu.memory_space<vmem>>
        %get3A_551 = tpu.memref_squeeze %get3A_550 : memref<1x80x128xf32, #tpu.memory_space<vmem>> -> memref<80x128xf32, #tpu.memory_space<vmem>>
        %get3A_552 = arith.index_cast %add3A_503 : i32 to index
        %get3A_553 = arith.constant 80 : index
        %get3A_554 = tpu.vector_load %get3A_551[%get3A_552, %get3A_553] {strides = array<i32>} : memref<80x128xf32, #tpu.memory_space<vmem>>, vector<16xf32>,
        %mul3A_555 = arith.mulf %get3A_379, %get3A_554 : vector<16xf32>
        %add3A_556 = arith.addf %add3A_547, %mul3A_555 : vector<16xf32>
        %get3A_557 = arith.constant 0 : i32
        %get3A_558 = arith.constant 0 : i32
        %get3A_559 = tpu.memref_slice %arg13[%and3A_321, %get3A_557, %get3A_558] : memref<4x80x128xf32, #tpu.memory_space<vmem>> -> memref<1x80x128xf32, #tpu.memory_space<vmem>>
        %get3A_560 = tpu.memref_squeeze %get3A_559 : memref<1x80x128xf32, #tpu.memory_space<vmem>> -> memref<80x128xf32, #tpu.memory_space<vmem>>
        %get3A_561 = arith.index_cast %add3A_503 : i32 to index
        %get3A_562 = arith.constant 96 : index
        %get3A_563 = tpu.vector_load %get3A_560[%get3A_561, %get3A_562] {strides = array<i32>} : memref<80x128xf32, #tpu.memory_space<vmem>>, vector<16xf32>,
        %mul3A_564 = arith.mulf %get3A_382, %get3A_563 : vector<16xf32>
        %add3A_565 = arith.addf %add3A_556, %mul3A_564 : vector<16xf32>
        %get3A_566 = arith.constant 0 : i32
        %get3A_567 = arith.constant 0 : i32
        %get3A_568 = tpu.memref_slice %arg13[%and3A_321, %get3A_566, %get3A_567] : memref<4x80x128xf32, #tpu.memory_space<vmem>> -> memref<1x80x128xf32, #tpu.memory_space<vmem>>
        %get3A_569 = tpu.memref_squeeze %get3A_568 : memref<1x80x128xf32, #tpu.memory_space<vmem>> -> memref<80x128xf32, #tpu.memory_space<vmem>>
        %get3A_570 = arith.index_cast %add3A_503 : i32 to index
        %get3A_571 = arith.constant 112 : index
        %get3A_572 = tpu.vector_load %get3A_569[%get3A_570, %get3A_571] {strides = array<i32>} : memref<80x128xf32, #tpu.memory_space<vmem>>, vector<16xf32>,
        %mul3A_573 = arith.mulf %get3A_385, %get3A_572 : vector<16xf32>
        %add3A_574 = arith.addf %add3A_565, %mul3A_573 : vector<16xf32>
        %mul3A_575 = arith.constant 20 : i32
        %mul3A_576 = arith.muli %scan3A_359, %mul3A_575 : i32
        %add3A_577 = arith.constant 2 : i32
        %add3A_578 = arith.addi %mul3A_576, %add3A_577 : i32
        %get3A_579 = arith.constant 0 : i32
        %get3A_580 = arith.constant 0 : i32
        %get3A_581 = tpu.memref_slice %arg13[%and3A_321, %get3A_579, %get3A_580] : memref<4x80x128xf32, #tpu.memory_space<vmem>> -> memref<1x80x128xf32, #tpu.memory_space<vmem>>
        %get3A_582 = tpu.memref_squeeze %get3A_581 : memref<1x80x128xf32, #tpu.memory_space<vmem>> -> memref<80x128xf32, #tpu.memory_space<vmem>>
        %get3A_583 = arith.index_cast %add3A_578 : i32 to index
        %get3A_584 = arith.constant 0 : index
        %get3A_585 = tpu.vector_load %get3A_582[%get3A_583, %get3A_584] {strides = array<i32>} : memref<80x128xf32, #tpu.memory_space<vmem>>, vector<16xf32>,
        %mul3A_586 = arith.mulf %get3A_364, %get3A_585 : vector<16xf32>
        %get3A_587 = arith.constant 0 : i32
        %get3A_588 = arith.constant 0 : i32
        %get3A_589 = tpu.memref_slice %arg13[%and3A_321, %get3A_587, %get3A_588] : memref<4x80x128xf32, #tpu.memory_space<vmem>> -> memref<1x80x128xf32, #tpu.memory_space<vmem>>
        %get3A_590 = tpu.memref_squeeze %get3A_589 : memref<1x80x128xf32, #tpu.memory_space<vmem>> -> memref<80x128xf32, #tpu.memory_space<vmem>>
        %get3A_591 = arith.index_cast %add3A_578 : i32 to index
        %get3A_592 = arith.constant 16 : index
        %get3A_593 = tpu.vector_load %get3A_590[%get3A_591, %get3A_592] {strides = array<i32>} : memref<80x128xf32, #tpu.memory_space<vmem>>, vector<16xf32>,
        %mul3A_594 = arith.mulf %get3A_367, %get3A_593 : vector<16xf32>
        %add3A_595 = arith.addf %mul3A_586, %mul3A_594 : vector<16xf32>
        %get3A_596 = arith.constant 0 : i32
        %get3A_597 = arith.constant 0 : i32
        %get3A_598 = tpu.memref_slice %arg13[%and3A_321, %get3A_596, %get3A_597] : memref<4x80x128xf32, #tpu.memory_space<vmem>> -> memref<1x80x128xf32, #tpu.memory_space<vmem>>
        %get3A_599 = tpu.memref_squeeze %get3A_598 : memref<1x80x128xf32, #tpu.memory_space<vmem>> -> memref<80x128xf32, #tpu.memory_space<vmem>>
        %get3A_600 = arith.index_cast %add3A_578 : i32 to index
        %get3A_601 = arith.constant 32 : index
        %get3A_602 = tpu.vector_load %get3A_599[%get3A_600, %get3A_601] {strides = array<i32>} : memref<80x128xf32, #tpu.memory_space<vmem>>, vector<16xf32>,
        %mul3A_603 = arith.mulf %get3A_370, %get3A_602 : vector<16xf32>
        %add3A_604 = arith.addf %add3A_595, %mul3A_603 : vector<16xf32>
        %get3A_605 = arith.constant 0 : i32
        %get3A_606 = arith.constant 0 : i32
        %get3A_607 = tpu.memref_slice %arg13[%and3A_321, %get3A_605, %get3A_606] : memref<4x80x128xf32, #tpu.memory_space<vmem>> -> memref<1x80x128xf32, #tpu.memory_space<vmem>>
        %get3A_608 = tpu.memref_squeeze %get3A_607 : memref<1x80x128xf32, #tpu.memory_space<vmem>> -> memref<80x128xf32, #tpu.memory_space<vmem>>
        %get3A_609 = arith.index_cast %add3A_578 : i32 to index
        %get3A_610 = arith.constant 48 : index
        %get3A_611 = tpu.vector_load %get3A_608[%get3A_609, %get3A_610] {strides = array<i32>} : memref<80x128xf32, #tpu.memory_space<vmem>>, vector<16xf32>,
        %mul3A_612 = arith.mulf %get3A_373, %get3A_611 : vector<16xf32>
        %add3A_613 = arith.addf %add3A_604, %mul3A_612 : vector<16xf32>
        %get3A_614 = arith.constant 0 : i32
        %get3A_615 = arith.constant 0 : i32
        %get3A_616 = tpu.memref_slice %arg13[%and3A_321, %get3A_614, %get3A_615] : memref<4x80x128xf32, #tpu.memory_space<vmem>> -> memref<1x80x128xf32, #tpu.memory_space<vmem>>
        %get3A_617 = tpu.memref_squeeze %get3A_616 : memref<1x80x128xf32, #tpu.memory_space<vmem>> -> memref<80x128xf32, #tpu.memory_space<vmem>>
        %get3A_618 = arith.index_cast %add3A_578 : i32 to index
        %get3A_619 = arith.constant 64 : index
        %get3A_620 = tpu.vector_load %get3A_617[%get3A_618, %get3A_619] {strides = array<i32>} : memref<80x128xf32, #tpu.memory_space<vmem>>, vector<16xf32>,
        %mul3A_621 = arith.mulf %get3A_376, %get3A_620 : vector<16xf32>
        %add3A_622 = arith.addf %add3A_613, %mul3A_621 : vector<16xf32>
        %get3A_623 = arith.constant 0 : i32
        %get3A_624 = arith.constant 0 : i32
        %get3A_625 = tpu.memref_slice %arg13[%and3A_321, %get3A_623, %get3A_624] : memref<4x80x128xf32, #tpu.memory_space<vmem>> -> memref<1x80x128xf32, #tpu.memory_space<vmem>>
        %get3A_626 = tpu.memref_squeeze %get3A_625 : memref<1x80x128xf32, #tpu.memory_space<vmem>> -> memref<80x128xf32, #tpu.memory_space<vmem>>
        %get3A_627 = arith.index_cast %add3A_578 : i32 to index
        %get3A_628 = arith.constant 80 : index
        %get3A_629 = tpu.vector_load %get3A_626[%get3A_627, %get3A_628] {strides = array<i32>} : memref<80x128xf32, #tpu.memory_space<vmem>>, vector<16xf32>,
        %mul3A_630 = arith.mulf %get3A_379, %get3A_629 : vector<16xf32>
        %add3A_631 = arith.addf %add3A_622, %mul3A_630 : vector<16xf32>
        %get3A_632 = arith.constant 0 : i32
        %get3A_633 = arith.constant 0 : i32
        %get3A_634 = tpu.memref_slice %arg13[%and3A_321, %get3A_632, %get3A_633] : memref<4x80x128xf32, #tpu.memory_space<vmem>> -> memref<1x80x128xf32, #tpu.memory_space<vmem>>
        %get3A_635 = tpu.memref_squeeze %get3A_634 : memref<1x80x128xf32, #tpu.memory_space<vmem>> -> memref<80x128xf32, #tpu.memory_space<vmem>>
        %get3A_636 = arith.index_cast %add3A_578 : i32 to index
        %get3A_637 = arith.constant 96 : index
        %get3A_638 = tpu.vector_load %get3A_635[%get3A_636, %get3A_637] {strides = array<i32>} : memref<80x128xf32, #tpu.memory_space<vmem>>, vector<16xf32>,
        %mul3A_639 = arith.mulf %get3A_382, %get3A_638 : vector<16xf32>
        %add3A_640 = arith.addf %add3A_631, %mul3A_639 : vector<16xf32>
        %get3A_641 = arith.constant 0 : i32
        %get3A_642 = arith.constant 0 : i32
        %get3A_643 = tpu.memref_slice %arg13[%and3A_321, %get3A_641, %get3A_642] : memref<4x80x128xf32, #tpu.memory_space<vmem>> -> memref<1x80x128xf32, #tpu.memory_space<vmem>>
        %get3A_644 = tpu.memref_squeeze %get3A_643 : memref<1x80x128xf32, #tpu.memory_space<vmem>> -> memref<80x128xf32, #tpu.memory_space<vmem>>
        %get3A_645 = arith.index_cast %add3A_578 : i32 to index
        %get3A_646 = arith.constant 112 : index
        %get3A_647 = tpu.vector_load %get3A_644[%get3A_645, %get3A_646] {strides = array<i32>} : memref<80x128xf32, #tpu.memory_space<vmem>>, vector<16xf32>,
        %mul3A_648 = arith.mulf %get3A_385, %get3A_647 : vector<16xf32>
        %add3A_649 = arith.addf %add3A_640, %mul3A_648 : vector<16xf32>
        %mul3A_650 = arith.constant 20 : i32
        %mul3A_651 = arith.muli %scan3A_359, %mul3A_650 : i32
        %add3A_652 = arith.constant 3 : i32
        %add3A_653 = arith.addi %mul3A_651, %add3A_652 : i32
        %get3A_654 = arith.constant 0 : i32
        %get3A_655 = arith.constant 0 : i32
        %get3A_656 = tpu.memref_slice %arg13[%and3A_321, %get3A_654, %get3A_655] : memref<4x80x128xf32, #tpu.memory_space<vmem>> -> memref<1x80x128xf32, #tpu.memory_space<vmem>>
        %get3A_657 = tpu.memref_squeeze %get3A_656 : memref<1x80x128xf32, #tpu.memory_space<vmem>> -> memref<80x128xf32, #tpu.memory_space<vmem>>
        %get3A_658 = arith.index_cast %add3A_653 : i32 to index
        %get3A_659 = arith.constant 0 : index
        %get3A_660 = tpu.vector_load %get3A_657[%get3A_658, %get3A_659] {strides = array<i32>} : memref<80x128xf32, #tpu.memory_space<vmem>>, vector<16xf32>,
        %mul3A_661 = arith.mulf %get3A_364, %get3A_660 : vector<16xf32>
        %get3A_662 = arith.constant 0 : i32
        %get3A_663 = arith.constant 0 : i32
        %get3A_664 = tpu.memref_slice %arg13[%and3A_321, %get3A_662, %get3A_663] : memref<4x80x128xf32, #tpu.memory_space<vmem>> -> memref<1x80x128xf32, #tpu.memory_space<vmem>>
        %get3A_665 = tpu.memref_squeeze %get3A_664 : memref<1x80x128xf32, #tpu.memory_space<vmem>> -> memref<80x128xf32, #tpu.memory_space<vmem>>
        %get3A_666 = arith.index_cast %add3A_653 : i32 to index
        %get3A_667 = arith.constant 16 : index
        %get3A_668 = tpu.vector_load %get3A_665[%get3A_666, %get3A_667] {strides = array<i32>} : memref<80x128xf32, #tpu.memory_space<vmem>>, vector<16xf32>,
        %mul3A_669 = arith.mulf %get3A_367, %get3A_668 : vector<16xf32>
        %add3A_670 = arith.addf %mul3A_661, %mul3A_669 : vector<16xf32>
        %get3A_671 = arith.constant 0 : i32
        %get3A_672 = arith.constant 0 : i32
        %get3A_673 = tpu.memref_slice %arg13[%and3A_321, %get3A_671, %get3A_672] : memref<4x80x128xf32, #tpu.memory_space<vmem>> -> memref<1x80x128xf32, #tpu.memory_space<vmem>>
        %get3A_674 = tpu.memref_squeeze %get3A_673 : memref<1x80x128xf32, #tpu.memory_space<vmem>> -> memref<80x128xf32, #tpu.memory_space<vmem>>
        %get3A_675 = arith.index_cast %add3A_653 : i32 to index
        %get3A_676 = arith.constant 32 : index
        %get3A_677 = tpu.vector_load %get3A_674[%get3A_675, %get3A_676] {strides = array<i32>} : memref<80x128xf32, #tpu.memory_space<vmem>>, vector<16xf32>,
        %mul3A_678 = arith.mulf %get3A_370, %get3A_677 : vector<16xf32>
        %add3A_679 = arith.addf %add3A_670, %mul3A_678 : vector<16xf32>
        %get3A_680 = arith.constant 0 : i32
        %get3A_681 = arith.constant 0 : i32
        %get3A_682 = tpu.memref_slice %arg13[%and3A_321, %get3A_680, %get3A_681] : memref<4x80x128xf32, #tpu.memory_space<vmem>> -> memref<1x80x128xf32, #tpu.memory_space<vmem>>
        %get3A_683 = tpu.memref_squeeze %get3A_682 : memref<1x80x128xf32, #tpu.memory_space<vmem>> -> memref<80x128xf32, #tpu.memory_space<vmem>>
        %get3A_684 = arith.index_cast %add3A_653 : i32 to index
        %get3A_685 = arith.constant 48 : index
        %get3A_686 = tpu.vector_load %get3A_683[%get3A_684, %get3A_685] {strides = array<i32>} : memref<80x128xf32, #tpu.memory_space<vmem>>, vector<16xf32>,
        %mul3A_687 = arith.mulf %get3A_373, %get3A_686 : vector<16xf32>
        %add3A_688 = arith.addf %add3A_679, %mul3A_687 : vector<16xf32>
        %get3A_689 = arith.constant 0 : i32
        %get3A_690 = arith.constant 0 : i32
        %get3A_691 = tpu.memref_slice %arg13[%and3A_321, %get3A_689, %get3A_690] : memref<4x80x128xf32, #tpu.memory_space<vmem>> -> memref<1x80x128xf32, #tpu.memory_space<vmem>>
        %get3A_692 = tpu.memref_squeeze %get3A_691 : memref<1x80x128xf32, #tpu.memory_space<vmem>> -> memref<80x128xf32, #tpu.memory_space<vmem>>
        %get3A_693 = arith.index_cast %add3A_653 : i32 to index
        %get3A_694 = arith.constant 64 : index
        %get3A_695 = tpu.vector_load %get3A_692[%get3A_693, %get3A_694] {strides = array<i32>} : memref<80x128xf32, #tpu.memory_space<vmem>>, vector<16xf32>,
        %mul3A_696 = arith.mulf %get3A_376, %get3A_695 : vector<16xf32>
        %add3A_697 = arith.addf %add3A_688, %mul3A_696 : vector<16xf32>
        %get3A_698 = arith.constant 0 : i32
        %get3A_699 = arith.constant 0 : i32
        %get3A_700 = tpu.memref_slice %arg13[%and3A_321, %get3A_698, %get3A_699] : memref<4x80x128xf32, #tpu.memory_space<vmem>> -> memref<1x80x128xf32, #tpu.memory_space<vmem>>
        %get3A_701 = tpu.memref_squeeze %get3A_700 : memref<1x80x128xf32, #tpu.memory_space<vmem>> -> memref<80x128xf32, #tpu.memory_space<vmem>>
        %get3A_702 = arith.index_cast %add3A_653 : i32 to index
        %get3A_703 = arith.constant 80 : index
        %get3A_704 = tpu.vector_load %get3A_701[%get3A_702, %get3A_703] {strides = array<i32>} : memref<80x128xf32, #tpu.memory_space<vmem>>, vector<16xf32>,
        %mul3A_705 = arith.mulf %get3A_379, %get3A_704 : vector<16xf32>
        %add3A_706 = arith.addf %add3A_697, %mul3A_705 : vector<16xf32>
        %get3A_707 = arith.constant 0 : i32
        %get3A_708 = arith.constant 0 : i32
        %get3A_709 = tpu.memref_slice %arg13[%and3A_321, %get3A_707, %get3A_708] : memref<4x80x128xf32, #tpu.memory_space<vmem>> -> memref<1x80x128xf32, #tpu.memory_space<vmem>>
        %get3A_710 = tpu.memref_squeeze %get3A_709 : memref<1x80x128xf32, #tpu.memory_space<vmem>> -> memref<80x128xf32, #tpu.memory_space<vmem>>
        %get3A_711 = arith.index_cast %add3A_653 : i32 to index
        %get3A_712 = arith.constant 96 : index
        %get3A_713 = tpu.vector_load %get3A_710[%get3A_711, %get3A_712] {strides = array<i32>} : memref<80x128xf32, #tpu.memory_space<vmem>>, vector<16xf32>,
        %mul3A_714 = arith.mulf %get3A_382, %get3A_713 : vector<16xf32>
        %add3A_715 = arith.addf %add3A_706, %mul3A_714 : vector<16xf32>
        %get3A_716 = arith.constant 0 : i32
        %get3A_717 = arith.constant 0 : i32
        %get3A_718 = tpu.memref_slice %arg13[%and3A_321, %get3A_716, %get3A_717] : memref<4x80x128xf32, #tpu.memory_space<vmem>> -> memref<1x80x128xf32, #tpu.memory_space<vmem>>
        %get3A_719 = tpu.memref_squeeze %get3A_718 : memref<1x80x128xf32, #tpu.memory_space<vmem>> -> memref<80x128xf32, #tpu.memory_space<vmem>>
        %get3A_720 = arith.index_cast %add3A_653 : i32 to index
        %get3A_721 = arith.constant 112 : index
        %get3A_722 = tpu.vector_load %get3A_719[%get3A_720, %get3A_721] {strides = array<i32>} : memref<80x128xf32, #tpu.memory_space<vmem>>, vector<16xf32>,
        %mul3A_723 = arith.mulf %get3A_385, %get3A_722 : vector<16xf32>
        %add3A_724 = arith.addf %add3A_715, %mul3A_723 : vector<16xf32>
        %mul3A_725 = arith.constant 20 : i32
        %mul3A_726 = arith.muli %scan3A_359, %mul3A_725 : i32
        %add3A_727 = arith.constant 4 : i32
        %add3A_728 = arith.addi %mul3A_726, %add3A_727 : i32
        %get3A_729 = arith.constant 0 : i32
        %get3A_730 = arith.constant 0 : i32
        %get3A_731 = tpu.memref_slice %arg13[%and3A_321, %get3A_729, %get3A_730] : memref<4x80x128xf32, #tpu.memory_space<vmem>> -> memref<1x80x128xf32, #tpu.memory_space<vmem>>
        %get3A_732 = tpu.memref_squeeze %get3A_731 : memref<1x80x128xf32, #tpu.memory_space<vmem>> -> memref<80x128xf32, #tpu.memory_space<vmem>>
        %get3A_733 = arith.index_cast %add3A_728 : i32 to index
        %get3A_734 = arith.constant 0 : index
        %get3A_735 = tpu.vector_load %get3A_732[%get3A_733, %get3A_734] {strides = array<i32>} : memref<80x128xf32, #tpu.memory_space<vmem>>, vector<16xf32>,
        %mul3A_736 = arith.mulf %get3A_364, %get3A_735 : vector<16xf32>
        %get3A_737 = arith.constant 0 : i32
        %get3A_738 = arith.constant 0 : i32
        %get3A_739 = tpu.memref_slice %arg13[%and3A_321, %get3A_737, %get3A_738] : memref<4x80x128xf32, #tpu.memory_space<vmem>> -> memref<1x80x128xf32, #tpu.memory_space<vmem>>
        %get3A_740 = tpu.memref_squeeze %get3A_739 : memref<1x80x128xf32, #tpu.memory_space<vmem>> -> memref<80x128xf32, #tpu.memory_space<vmem>>
        %get3A_741 = arith.index_cast %add3A_728 : i32 to index
        %get3A_742 = arith.constant 16 : index
        %get3A_743 = tpu.vector_load %get3A_740[%get3A_741, %get3A_742] {strides = array<i32>} : memref<80x128xf32, #tpu.memory_space<vmem>>, vector<16xf32>,
        %mul3A_744 = arith.mulf %get3A_367, %get3A_743 : vector<16xf32>
        %add3A_745 = arith.addf %mul3A_736, %mul3A_744 : vector<16xf32>
        %get3A_746 = arith.constant 0 : i32
        %get3A_747 = arith.constant 0 : i32
        %get3A_748 = tpu.memref_slice %arg13[%and3A_321, %get3A_746, %get3A_747] : memref<4x80x128xf32, #tpu.memory_space<vmem>> -> memref<1x80x128xf32, #tpu.memory_space<vmem>>
        %get3A_749 = tpu.memref_squeeze %get3A_748 : memref<1x80x128xf32, #tpu.memory_space<vmem>> -> memref<80x128xf32, #tpu.memory_space<vmem>>
        %get3A_750 = arith.index_cast %add3A_728 : i32 to index
        %get3A_751 = arith.constant 32 : index
        %get3A_752 = tpu.vector_load %get3A_749[%get3A_750, %get3A_751] {strides = array<i32>} : memref<80x128xf32, #tpu.memory_space<vmem>>, vector<16xf32>,
        %mul3A_753 = arith.mulf %get3A_370, %get3A_752 : vector<16xf32>
        %add3A_754 = arith.addf %add3A_745, %mul3A_753 : vector<16xf32>
        %get3A_755 = arith.constant 0 : i32
        %get3A_756 = arith.constant 0 : i32
        %get3A_757 = tpu.memref_slice %arg13[%and3A_321, %get3A_755, %get3A_756] : memref<4x80x128xf32, #tpu.memory_space<vmem>> -> memref<1x80x128xf32, #tpu.memory_space<vmem>>
        %get3A_758 = tpu.memref_squeeze %get3A_757 : memref<1x80x128xf32, #tpu.memory_space<vmem>> -> memref<80x128xf32, #tpu.memory_space<vmem>>
        %get3A_759 = arith.index_cast %add3A_728 : i32 to index
        %get3A_760 = arith.constant 48 : index
        %get3A_761 = tpu.vector_load %get3A_758[%get3A_759, %get3A_760] {strides = array<i32>} : memref<80x128xf32, #tpu.memory_space<vmem>>, vector<16xf32>,
        %mul3A_762 = arith.mulf %get3A_373, %get3A_761 : vector<16xf32>
        %add3A_763 = arith.addf %add3A_754, %mul3A_762 : vector<16xf32>
        %get3A_764 = arith.constant 0 : i32
        %get3A_765 = arith.constant 0 : i32
        %get3A_766 = tpu.memref_slice %arg13[%and3A_321, %get3A_764, %get3A_765] : memref<4x80x128xf32, #tpu.memory_space<vmem>> -> memref<1x80x128xf32, #tpu.memory_space<vmem>>
        %get3A_767 = tpu.memref_squeeze %get3A_766 : memref<1x80x128xf32, #tpu.memory_space<vmem>> -> memref<80x128xf32, #tpu.memory_space<vmem>>
        %get3A_768 = arith.index_cast %add3A_728 : i32 to index
        %get3A_769 = arith.constant 64 : index
        %get3A_770 = tpu.vector_load %get3A_767[%get3A_768, %get3A_769] {strides = array<i32>} : memref<80x128xf32, #tpu.memory_space<vmem>>, vector<16xf32>,
        %mul3A_771 = arith.mulf %get3A_376, %get3A_770 : vector<16xf32>
        %add3A_772 = arith.addf %add3A_763, %mul3A_771 : vector<16xf32>
        %get3A_773 = arith.constant 0 : i32
        %get3A_774 = arith.constant 0 : i32
        %get3A_775 = tpu.memref_slice %arg13[%and3A_321, %get3A_773, %get3A_774] : memref<4x80x128xf32, #tpu.memory_space<vmem>> -> memref<1x80x128xf32, #tpu.memory_space<vmem>>
        %get3A_776 = tpu.memref_squeeze %get3A_775 : memref<1x80x128xf32, #tpu.memory_space<vmem>> -> memref<80x128xf32, #tpu.memory_space<vmem>>
        %get3A_777 = arith.index_cast %add3A_728 : i32 to index
        %get3A_778 = arith.constant 80 : index
        %get3A_779 = tpu.vector_load %get3A_776[%get3A_777, %get3A_778] {strides = array<i32>} : memref<80x128xf32, #tpu.memory_space<vmem>>, vector<16xf32>,
        %mul3A_780 = arith.mulf %get3A_379, %get3A_779 : vector<16xf32>
        %add3A_781 = arith.addf %add3A_772, %mul3A_780 : vector<16xf32>
        %get3A_782 = arith.constant 0 : i32
        %get3A_783 = arith.constant 0 : i32
        %get3A_784 = tpu.memref_slice %arg13[%and3A_321, %get3A_782, %get3A_783] : memref<4x80x128xf32, #tpu.memory_space<vmem>> -> memref<1x80x128xf32, #tpu.memory_space<vmem>>
        %get3A_785 = tpu.memref_squeeze %get3A_784 : memref<1x80x128xf32, #tpu.memory_space<vmem>> -> memref<80x128xf32, #tpu.memory_space<vmem>>
        %get3A_786 = arith.index_cast %add3A_728 : i32 to index
        %get3A_787 = arith.constant 96 : index
        %get3A_788 = tpu.vector_load %get3A_785[%get3A_786, %get3A_787] {strides = array<i32>} : memref<80x128xf32, #tpu.memory_space<vmem>>, vector<16xf32>,
        %mul3A_789 = arith.mulf %get3A_382, %get3A_788 : vector<16xf32>
        %add3A_790 = arith.addf %add3A_781, %mul3A_789 : vector<16xf32>
        %get3A_791 = arith.constant 0 : i32
        %get3A_792 = arith.constant 0 : i32
        %get3A_793 = tpu.memref_slice %arg13[%and3A_321, %get3A_791, %get3A_792] : memref<4x80x128xf32, #tpu.memory_space<vmem>> -> memref<1x80x128xf32, #tpu.memory_space<vmem>>
        %get3A_794 = tpu.memref_squeeze %get3A_793 : memref<1x80x128xf32, #tpu.memory_space<vmem>> -> memref<80x128xf32, #tpu.memory_space<vmem>>
        %get3A_795 = arith.index_cast %add3A_728 : i32 to index
        %get3A_796 = arith.constant 112 : index
        %get3A_797 = tpu.vector_load %get3A_794[%get3A_795, %get3A_796] {strides = array<i32>} : memref<80x128xf32, #tpu.memory_space<vmem>>, vector<16xf32>,
        %mul3A_798 = arith.mulf %get3A_385, %get3A_797 : vector<16xf32>
        %add3A_799 = arith.addf %add3A_790, %mul3A_798 : vector<16xf32>
        %mul3A_800 = arith.constant 20 : i32
        %mul3A_801 = arith.muli %scan3A_359, %mul3A_800 : i32
        %add3A_802 = arith.constant 5 : i32
        %add3A_803 = arith.addi %mul3A_801, %add3A_802 : i32
        %get3A_804 = arith.constant 0 : i32
        %get3A_805 = arith.constant 0 : i32
        %get3A_806 = tpu.memref_slice %arg13[%and3A_321, %get3A_804, %get3A_805] : memref<4x80x128xf32, #tpu.memory_space<vmem>> -> memref<1x80x128xf32, #tpu.memory_space<vmem>>
        %get3A_807 = tpu.memref_squeeze %get3A_806 : memref<1x80x128xf32, #tpu.memory_space<vmem>> -> memref<80x128xf32, #tpu.memory_space<vmem>>
        %get3A_808 = arith.index_cast %add3A_803 : i32 to index
        %get3A_809 = arith.constant 0 : index
        %get3A_810 = tpu.vector_load %get3A_807[%get3A_808, %get3A_809] {strides = array<i32>} : memref<80x128xf32, #tpu.memory_space<vmem>>, vector<16xf32>,
        %mul3A_811 = arith.mulf %get3A_364, %get3A_810 : vector<16xf32>
        %get3A_812 = arith.constant 0 : i32
        %get3A_813 = arith.constant 0 : i32
        %get3A_814 = tpu.memref_slice %arg13[%and3A_321, %get3A_812, %get3A_813] : memref<4x80x128xf32, #tpu.memory_space<vmem>> -> memref<1x80x128xf32, #tpu.memory_space<vmem>>
        %get3A_815 = tpu.memref_squeeze %get3A_814 : memref<1x80x128xf32, #tpu.memory_space<vmem>> -> memref<80x128xf32, #tpu.memory_space<vmem>>
        %get3A_816 = arith.index_cast %add3A_803 : i32 to index
        %get3A_817 = arith.constant 16 : index
        %get3A_818 = tpu.vector_load %get3A_815[%get3A_816, %get3A_817] {strides = array<i32>} : memref<80x128xf32, #tpu.memory_space<vmem>>, vector<16xf32>,
        %mul3A_819 = arith.mulf %get3A_367, %get3A_818 : vector<16xf32>
        %add3A_820 = arith.addf %mul3A_811, %mul3A_819 : vector<16xf32>
        %get3A_821 = arith.constant 0 : i32
        %get3A_822 = arith.constant 0 : i32
        %get3A_823 = tpu.memref_slice %arg13[%and3A_321, %get3A_821, %get3A_822] : memref<4x80x128xf32, #tpu.memory_space<vmem>> -> memref<1x80x128xf32, #tpu.memory_space<vmem>>
        %get3A_824 = tpu.memref_squeeze %get3A_823 : memref<1x80x128xf32, #tpu.memory_space<vmem>> -> memref<80x128xf32, #tpu.memory_space<vmem>>
        %get3A_825 = arith.index_cast %add3A_803 : i32 to index
        %get3A_826 = arith.constant 32 : index
        %get3A_827 = tpu.vector_load %get3A_824[%get3A_825, %get3A_826] {strides = array<i32>} : memref<80x128xf32, #tpu.memory_space<vmem>>, vector<16xf32>,
        %mul3A_828 = arith.mulf %get3A_370, %get3A_827 : vector<16xf32>
        %add3A_829 = arith.addf %add3A_820, %mul3A_828 : vector<16xf32>
        %get3A_830 = arith.constant 0 : i32
        %get3A_831 = arith.constant 0 : i32
        %get3A_832 = tpu.memref_slice %arg13[%and3A_321, %get3A_830, %get3A_831] : memref<4x80x128xf32, #tpu.memory_space<vmem>> -> memref<1x80x128xf32, #tpu.memory_space<vmem>>
        %get3A_833 = tpu.memref_squeeze %get3A_832 : memref<1x80x128xf32, #tpu.memory_space<vmem>> -> memref<80x128xf32, #tpu.memory_space<vmem>>
        %get3A_834 = arith.index_cast %add3A_803 : i32 to index
        %get3A_835 = arith.constant 48 : index
        %get3A_836 = tpu.vector_load %get3A_833[%get3A_834, %get3A_835] {strides = array<i32>} : memref<80x128xf32, #tpu.memory_space<vmem>>, vector<16xf32>,
        %mul3A_837 = arith.mulf %get3A_373, %get3A_836 : vector<16xf32>
        %add3A_838 = arith.addf %add3A_829, %mul3A_837 : vector<16xf32>
        %get3A_839 = arith.constant 0 : i32
        %get3A_840 = arith.constant 0 : i32
        %get3A_841 = tpu.memref_slice %arg13[%and3A_321, %get3A_839, %get3A_840] : memref<4x80x128xf32, #tpu.memory_space<vmem>> -> memref<1x80x128xf32, #tpu.memory_space<vmem>>
        %get3A_842 = tpu.memref_squeeze %get3A_841 : memref<1x80x128xf32, #tpu.memory_space<vmem>> -> memref<80x128xf32, #tpu.memory_space<vmem>>
        %get3A_843 = arith.index_cast %add3A_803 : i32 to index
        %get3A_844 = arith.constant 64 : index
        %get3A_845 = tpu.vector_load %get3A_842[%get3A_843, %get3A_844] {strides = array<i32>} : memref<80x128xf32, #tpu.memory_space<vmem>>, vector<16xf32>,
        %mul3A_846 = arith.mulf %get3A_376, %get3A_845 : vector<16xf32>
        %add3A_847 = arith.addf %add3A_838, %mul3A_846 : vector<16xf32>
        %get3A_848 = arith.constant 0 : i32
        %get3A_849 = arith.constant 0 : i32
        %get3A_850 = tpu.memref_slice %arg13[%and3A_321, %get3A_848, %get3A_849] : memref<4x80x128xf32, #tpu.memory_space<vmem>> -> memref<1x80x128xf32, #tpu.memory_space<vmem>>
        %get3A_851 = tpu.memref_squeeze %get3A_850 : memref<1x80x128xf32, #tpu.memory_space<vmem>> -> memref<80x128xf32, #tpu.memory_space<vmem>>
        %get3A_852 = arith.index_cast %add3A_803 : i32 to index
        %get3A_853 = arith.constant 80 : index
        %get3A_854 = tpu.vector_load %get3A_851[%get3A_852, %get3A_853] {strides = array<i32>} : memref<80x128xf32, #tpu.memory_space<vmem>>, vector<16xf32>,
        %mul3A_855 = arith.mulf %get3A_379, %get3A_854 : vector<16xf32>
        %add3A_856 = arith.addf %add3A_847, %mul3A_855 : vector<16xf32>
        %get3A_857 = arith.constant 0 : i32
        %get3A_858 = arith.constant 0 : i32
        %get3A_859 = tpu.memref_slice %arg13[%and3A_321, %get3A_857, %get3A_858] : memref<4x80x128xf32, #tpu.memory_space<vmem>> -> memref<1x80x128xf32, #tpu.memory_space<vmem>>
        %get3A_860 = tpu.memref_squeeze %get3A_859 : memref<1x80x128xf32, #tpu.memory_space<vmem>> -> memref<80x128xf32, #tpu.memory_space<vmem>>
        %get3A_861 = arith.index_cast %add3A_803 : i32 to index
        %get3A_862 = arith.constant 96 : index
        %get3A_863 = tpu.vector_load %get3A_860[%get3A_861, %get3A_862] {strides = array<i32>} : memref<80x128xf32, #tpu.memory_space<vmem>>, vector<16xf32>,
        %mul3A_864 = arith.mulf %get3A_382, %get3A_863 : vector<16xf32>
        %add3A_865 = arith.addf %add3A_856, %mul3A_864 : vector<16xf32>
        %get3A_866 = arith.constant 0 : i32
        %get3A_867 = arith.constant 0 : i32
        %get3A_868 = tpu.memref_slice %arg13[%and3A_321, %get3A_866, %get3A_867] : memref<4x80x128xf32, #tpu.memory_space<vmem>> -> memref<1x80x128xf32, #tpu.memory_space<vmem>>
        %get3A_869 = tpu.memref_squeeze %get3A_868 : memref<1x80x128xf32, #tpu.memory_space<vmem>> -> memref<80x128xf32, #tpu.memory_space<vmem>>
        %get3A_870 = arith.index_cast %add3A_803 : i32 to index
        %get3A_871 = arith.constant 112 : index
        %get3A_872 = tpu.vector_load %get3A_869[%get3A_870, %get3A_871] {strides = array<i32>} : memref<80x128xf32, #tpu.memory_space<vmem>>, vector<16xf32>,
        %mul3A_873 = arith.mulf %get3A_385, %get3A_872 : vector<16xf32>
        %add3A_874 = arith.addf %add3A_865, %mul3A_873 : vector<16xf32>
        %mul3A_875 = arith.constant 20 : i32
        %mul3A_876 = arith.muli %scan3A_359, %mul3A_875 : i32
        %add3A_877 = arith.constant 6 : i32
        %add3A_878 = arith.addi %mul3A_876, %add3A_877 : i32
        %get3A_879 = arith.constant 0 : i32
        %get3A_880 = arith.constant 0 : i32
        %get3A_881 = tpu.memref_slice %arg13[%and3A_321, %get3A_879, %get3A_880] : memref<4x80x128xf32, #tpu.memory_space<vmem>> -> memref<1x80x128xf32, #tpu.memory_space<vmem>>
        %get3A_882 = tpu.memref_squeeze %get3A_881 : memref<1x80x128xf32, #tpu.memory_space<vmem>> -> memref<80x128xf32, #tpu.memory_space<vmem>>
        %get3A_883 = arith.index_cast %add3A_878 : i32 to index
        %get3A_884 = arith.constant 0 : index
        %get3A_885 = tpu.vector_load %get3A_882[%get3A_883, %get3A_884] {strides = array<i32>} : memref<80x128xf32, #tpu.memory_space<vmem>>, vector<16xf32>,
        %mul3A_886 = arith.mulf %get3A_364, %get3A_885 : vector<16xf32>
        %get3A_887 = arith.constant 0 : i32
        %get3A_888 = arith.constant 0 : i32
        %get3A_889 = tpu.memref_slice %arg13[%and3A_321, %get3A_887, %get3A_888] : memref<4x80x128xf32, #tpu.memory_space<vmem>> -> memref<1x80x128xf32, #tpu.memory_space<vmem>>
        %get3A_890 = tpu.memref_squeeze %get3A_889 : memref<1x80x128xf32, #tpu.memory_space<vmem>> -> memref<80x128xf32, #tpu.memory_space<vmem>>
        %get3A_891 = arith.index_cast %add3A_878 : i32 to index
        %get3A_892 = arith.constant 16 : index
        %get3A_893 = tpu.vector_load %get3A_890[%get3A_891, %get3A_892] {strides = array<i32>} : memref<80x128xf32, #tpu.memory_space<vmem>>, vector<16xf32>,
        %mul3A_894 = arith.mulf %get3A_367, %get3A_893 : vector<16xf32>
        %add3A_895 = arith.addf %mul3A_886, %mul3A_894 : vector<16xf32>
        %get3A_896 = arith.constant 0 : i32
        %get3A_897 = arith.constant 0 : i32
        %get3A_898 = tpu.memref_slice %arg13[%and3A_321, %get3A_896, %get3A_897] : memref<4x80x128xf32, #tpu.memory_space<vmem>> -> memref<1x80x128xf32, #tpu.memory_space<vmem>>
        %get3A_899 = tpu.memref_squeeze %get3A_898 : memref<1x80x128xf32, #tpu.memory_space<vmem>> -> memref<80x128xf32, #tpu.memory_space<vmem>>
        %get3A_900 = arith.index_cast %add3A_878 : i32 to index
        %get3A_901 = arith.constant 32 : index
        %get3A_902 = tpu.vector_load %get3A_899[%get3A_900, %get3A_901] {strides = array<i32>} : memref<80x128xf32, #tpu.memory_space<vmem>>, vector<16xf32>,
        %mul3A_903 = arith.mulf %get3A_370, %get3A_902 : vector<16xf32>
        %add3A_904 = arith.addf %add3A_895, %mul3A_903 : vector<16xf32>
        %get3A_905 = arith.constant 0 : i32
        %get3A_906 = arith.constant 0 : i32
        %get3A_907 = tpu.memref_slice %arg13[%and3A_321, %get3A_905, %get3A_906] : memref<4x80x128xf32, #tpu.memory_space<vmem>> -> memref<1x80x128xf32, #tpu.memory_space<vmem>>
        %get3A_908 = tpu.memref_squeeze %get3A_907 : memref<1x80x128xf32, #tpu.memory_space<vmem>> -> memref<80x128xf32, #tpu.memory_space<vmem>>
        %get3A_909 = arith.index_cast %add3A_878 : i32 to index
        %get3A_910 = arith.constant 48 : index
        %get3A_911 = tpu.vector_load %get3A_908[%get3A_909, %get3A_910] {strides = array<i32>} : memref<80x128xf32, #tpu.memory_space<vmem>>, vector<16xf32>,
        %mul3A_912 = arith.mulf %get3A_373, %get3A_911 : vector<16xf32>
        %add3A_913 = arith.addf %add3A_904, %mul3A_912 : vector<16xf32>
        %get3A_914 = arith.constant 0 : i32
        %get3A_915 = arith.constant 0 : i32
        %get3A_916 = tpu.memref_slice %arg13[%and3A_321, %get3A_914, %get3A_915] : memref<4x80x128xf32, #tpu.memory_space<vmem>> -> memref<1x80x128xf32, #tpu.memory_space<vmem>>
        %get3A_917 = tpu.memref_squeeze %get3A_916 : memref<1x80x128xf32, #tpu.memory_space<vmem>> -> memref<80x128xf32, #tpu.memory_space<vmem>>
        %get3A_918 = arith.index_cast %add3A_878 : i32 to index
        %get3A_919 = arith.constant 64 : index
        %get3A_920 = tpu.vector_load %get3A_917[%get3A_918, %get3A_919] {strides = array<i32>} : memref<80x128xf32, #tpu.memory_space<vmem>>, vector<16xf32>,
        %mul3A_921 = arith.mulf %get3A_376, %get3A_920 : vector<16xf32>
        %add3A_922 = arith.addf %add3A_913, %mul3A_921 : vector<16xf32>
        %get3A_923 = arith.constant 0 : i32
        %get3A_924 = arith.constant 0 : i32
        %get3A_925 = tpu.memref_slice %arg13[%and3A_321, %get3A_923, %get3A_924] : memref<4x80x128xf32, #tpu.memory_space<vmem>> -> memref<1x80x128xf32, #tpu.memory_space<vmem>>
        %get3A_926 = tpu.memref_squeeze %get3A_925 : memref<1x80x128xf32, #tpu.memory_space<vmem>> -> memref<80x128xf32, #tpu.memory_space<vmem>>
        %get3A_927 = arith.index_cast %add3A_878 : i32 to index
        %get3A_928 = arith.constant 80 : index
        %get3A_929 = tpu.vector_load %get3A_926[%get3A_927, %get3A_928] {strides = array<i32>} : memref<80x128xf32, #tpu.memory_space<vmem>>, vector<16xf32>,
        %mul3A_930 = arith.mulf %get3A_379, %get3A_929 : vector<16xf32>
        %add3A_931 = arith.addf %add3A_922, %mul3A_930 : vector<16xf32>
        %get3A_932 = arith.constant 0 : i32
        %get3A_933 = arith.constant 0 : i32
        %get3A_934 = tpu.memref_slice %arg13[%and3A_321, %get3A_932, %get3A_933] : memref<4x80x128xf32, #tpu.memory_space<vmem>> -> memref<1x80x128xf32, #tpu.memory_space<vmem>>
        %get3A_935 = tpu.memref_squeeze %get3A_934 : memref<1x80x128xf32, #tpu.memory_space<vmem>> -> memref<80x128xf32, #tpu.memory_space<vmem>>
        %get3A_936 = arith.index_cast %add3A_878 : i32 to index
        %get3A_937 = arith.constant 96 : index
        %get3A_938 = tpu.vector_load %get3A_935[%get3A_936, %get3A_937] {strides = array<i32>} : memref<80x128xf32, #tpu.memory_space<vmem>>, vector<16xf32>,
        %mul3A_939 = arith.mulf %get3A_382, %get3A_938 : vector<16xf32>
        %add3A_940 = arith.addf %add3A_931, %mul3A_939 : vector<16xf32>
        %get3A_941 = arith.constant 0 : i32
        %get3A_942 = arith.constant 0 : i32
        %get3A_943 = tpu.memref_slice %arg13[%and3A_321, %get3A_941, %get3A_942] : memref<4x80x128xf32, #tpu.memory_space<vmem>> -> memref<1x80x128xf32, #tpu.memory_space<vmem>>
        %get3A_944 = tpu.memref_squeeze %get3A_943 : memref<1x80x128xf32, #tpu.memory_space<vmem>> -> memref<80x128xf32, #tpu.memory_space<vmem>>
        %get3A_945 = arith.index_cast %add3A_878 : i32 to index
        %get3A_946 = arith.constant 112 : index
        %get3A_947 = tpu.vector_load %get3A_944[%get3A_945, %get3A_946] {strides = array<i32>} : memref<80x128xf32, #tpu.memory_space<vmem>>, vector<16xf32>,
        %mul3A_948 = arith.mulf %get3A_385, %get3A_947 : vector<16xf32>
        %add3A_949 = arith.addf %add3A_940, %mul3A_948 : vector<16xf32>
        %mul3A_950 = arith.constant 20 : i32
        %mul3A_951 = arith.muli %scan3A_359, %mul3A_950 : i32
        %add3A_952 = arith.constant 7 : i32
        %add3A_953 = arith.addi %mul3A_951, %add3A_952 : i32
        %get3A_954 = arith.constant 0 : i32
        %get3A_955 = arith.constant 0 : i32
        %get3A_956 = tpu.memref_slice %arg13[%and3A_321, %get3A_954, %get3A_955] : memref<4x80x128xf32, #tpu.memory_space<vmem>> -> memref<1x80x128xf32, #tpu.memory_space<vmem>>
        %get3A_957 = tpu.memref_squeeze %get3A_956 : memref<1x80x128xf32, #tpu.memory_space<vmem>> -> memref<80x128xf32, #tpu.memory_space<vmem>>
        %get3A_958 = arith.index_cast %add3A_953 : i32 to index
        %get3A_959 = arith.constant 0 : index
        %get3A_960 = tpu.vector_load %get3A_957[%get3A_958, %get3A_959] {strides = array<i32>} : memref<80x128xf32, #tpu.memory_space<vmem>>, vector<16xf32>,
        %mul3A_961 = arith.mulf %get3A_364, %get3A_960 : vector<16xf32>
        %get3A_962 = arith.constant 0 : i32
        %get3A_963 = arith.constant 0 : i32
        %get3A_964 = tpu.memref_slice %arg13[%and3A_321, %get3A_962, %get3A_963] : memref<4x80x128xf32, #tpu.memory_space<vmem>> -> memref<1x80x128xf32, #tpu.memory_space<vmem>>
        %get3A_965 = tpu.memref_squeeze %get3A_964 : memref<1x80x128xf32, #tpu.memory_space<vmem>> -> memref<80x128xf32, #tpu.memory_space<vmem>>
        %get3A_966 = arith.index_cast %add3A_953 : i32 to index
        %get3A_967 = arith.constant 16 : index
        %get3A_968 = tpu.vector_load %get3A_965[%get3A_966, %get3A_967] {strides = array<i32>} : memref<80x128xf32, #tpu.memory_space<vmem>>, vector<16xf32>,
        %mul3A_969 = arith.mulf %get3A_367, %get3A_968 : vector<16xf32>
        %add3A_970 = arith.addf %mul3A_961, %mul3A_969 : vector<16xf32>
        %get3A_971 = arith.constant 0 : i32
        %get3A_972 = arith.constant 0 : i32
        %get3A_973 = tpu.memref_slice %arg13[%and3A_321, %get3A_971, %get3A_972] : memref<4x80x128xf32, #tpu.memory_space<vmem>> -> memref<1x80x128xf32, #tpu.memory_space<vmem>>
        %get3A_974 = tpu.memref_squeeze %get3A_973 : memref<1x80x128xf32, #tpu.memory_space<vmem>> -> memref<80x128xf32, #tpu.memory_space<vmem>>
        %get3A_975 = arith.index_cast %add3A_953 : i32 to index
        %get3A_976 = arith.constant 32 : index
        %get3A_977 = tpu.vector_load %get3A_974[%get3A_975, %get3A_976] {strides = array<i32>} : memref<80x128xf32, #tpu.memory_space<vmem>>, vector<16xf32>,
        %mul3A_978 = arith.mulf %get3A_370, %get3A_977 : vector<16xf32>
        %add3A_979 = arith.addf %add3A_970, %mul3A_978 : vector<16xf32>
        %get3A_980 = arith.constant 0 : i32
        %get3A_981 = arith.constant 0 : i32
        %get3A_982 = tpu.memref_slice %arg13[%and3A_321, %get3A_980, %get3A_981] : memref<4x80x128xf32, #tpu.memory_space<vmem>> -> memref<1x80x128xf32, #tpu.memory_space<vmem>>
        %get3A_983 = tpu.memref_squeeze %get3A_982 : memref<1x80x128xf32, #tpu.memory_space<vmem>> -> memref<80x128xf32, #tpu.memory_space<vmem>>
        %get3A_984 = arith.index_cast %add3A_953 : i32 to index
        %get3A_985 = arith.constant 48 : index
        %get3A_986 = tpu.vector_load %get3A_983[%get3A_984, %get3A_985] {strides = array<i32>} : memref<80x128xf32, #tpu.memory_space<vmem>>, vector<16xf32>,
        %mul3A_987 = arith.mulf %get3A_373, %get3A_986 : vector<16xf32>
        %add3A_988 = arith.addf %add3A_979, %mul3A_987 : vector<16xf32>
        %get3A_989 = arith.constant 0 : i32
        %get3A_990 = arith.constant 0 : i32
        %get3A_991 = tpu.memref_slice %arg13[%and3A_321, %get3A_989, %get3A_990] : memref<4x80x128xf32, #tpu.memory_space<vmem>> -> memref<1x80x128xf32, #tpu.memory_space<vmem>>
        %get3A_992 = tpu.memref_squeeze %get3A_991 : memref<1x80x128xf32, #tpu.memory_space<vmem>> -> memref<80x128xf32, #tpu.memory_space<vmem>>
        %get3A_993 = arith.index_cast %add3A_953 : i32 to index
        %get3A_994 = arith.constant 64 : index
        %get3A_995 = tpu.vector_load %get3A_992[%get3A_993, %get3A_994] {strides = array<i32>} : memref<80x128xf32, #tpu.memory_space<vmem>>, vector<16xf32>,
        %mul3A_996 = arith.mulf %get3A_376, %get3A_995 : vector<16xf32>
        %add3A_997 = arith.addf %add3A_988, %mul3A_996 : vector<16xf32>
        %get3A_998 = arith.constant 0 : i32
        %get3A_999 = arith.constant 0 : i32
        %get3A_1000 = tpu.memref_slice %arg13[%and3A_321, %get3A_998, %get3A_999] : memref<4x80x128xf32, #tpu.memory_space<vmem>> -> memref<1x80x128xf32, #tpu.memory_space<vmem>>
        %get3A_1001 = tpu.memref_squeeze %get3A_1000 : memref<1x80x128xf32, #tpu.memory_space<vmem>> -> memref<80x128xf32, #tpu.memory_space<vmem>>
        %get3A_1002 = arith.index_cast %add3A_953 : i32 to index
        %get3A_1003 = arith.constant 80 : index
        %get3A_1004 = tpu.vector_load %get3A_1001[%get3A_1002, %get3A_1003] {strides = array<i32>} : memref<80x128xf32, #tpu.memory_space<vmem>>, vector<16xf32>,
        %mul3A_1005 = arith.mulf %get3A_379, %get3A_1004 : vector<16xf32>
        %add3A_1006 = arith.addf %add3A_997, %mul3A_1005 : vector<16xf32>
        %get3A_1007 = arith.constant 0 : i32
        %get3A_1008 = arith.constant 0 : i32
        %get3A_1009 = tpu.memref_slice %arg13[%and3A_321, %get3A_1007, %get3A_1008] : memref<4x80x128xf32, #tpu.memory_space<vmem>> -> memref<1x80x128xf32, #tpu.memory_space<vmem>>
        %get3A_1010 = tpu.memref_squeeze %get3A_1009 : memref<1x80x128xf32, #tpu.memory_space<vmem>> -> memref<80x128xf32, #tpu.memory_space<vmem>>
        %get3A_1011 = arith.index_cast %add3A_953 : i32 to index
        %get3A_1012 = arith.constant 96 : index
        %get3A_1013 = tpu.vector_load %get3A_1010[%get3A_1011, %get3A_1012] {strides = array<i32>} : memref<80x128xf32, #tpu.memory_space<vmem>>, vector<16xf32>,
        %mul3A_1014 = arith.mulf %get3A_382, %get3A_1013 : vector<16xf32>
        %add3A_1015 = arith.addf %add3A_1006, %mul3A_1014 : vector<16xf32>
        %get3A_1016 = arith.constant 0 : i32
        %get3A_1017 = arith.constant 0 : i32
        %get3A_1018 = tpu.memref_slice %arg13[%and3A_321, %get3A_1016, %get3A_1017] : memref<4x80x128xf32, #tpu.memory_space<vmem>> -> memref<1x80x128xf32, #tpu.memory_space<vmem>>
        %get3A_1019 = tpu.memref_squeeze %get3A_1018 : memref<1x80x128xf32, #tpu.memory_space<vmem>> -> memref<80x128xf32, #tpu.memory_space<vmem>>
        %get3A_1020 = arith.index_cast %add3A_953 : i32 to index
        %get3A_1021 = arith.constant 112 : index
        %get3A_1022 = tpu.vector_load %get3A_1019[%get3A_1020, %get3A_1021] {strides = array<i32>} : memref<80x128xf32, #tpu.memory_space<vmem>>, vector<16xf32>,
        %mul3A_1023 = arith.mulf %get3A_385, %get3A_1022 : vector<16xf32>
        %add3A_1024 = arith.addf %add3A_1015, %mul3A_1023 : vector<16xf32>
        %mul3A_1025 = arith.constant 20 : i32
        %mul3A_1026 = arith.muli %scan3A_359, %mul3A_1025 : i32
        %add3A_1027 = arith.constant 8 : i32
        %add3A_1028 = arith.addi %mul3A_1026, %add3A_1027 : i32
        %get3A_1029 = arith.constant 0 : i32
        %get3A_1030 = arith.constant 0 : i32
        %get3A_1031 = tpu.memref_slice %arg13[%and3A_321, %get3A_1029, %get3A_1030] : memref<4x80x128xf32, #tpu.memory_space<vmem>> -> memref<1x80x128xf32, #tpu.memory_space<vmem>>
        %get3A_1032 = tpu.memref_squeeze %get3A_1031 : memref<1x80x128xf32, #tpu.memory_space<vmem>> -> memref<80x128xf32, #tpu.memory_space<vmem>>
        %get3A_1033 = arith.index_cast %add3A_1028 : i32 to index
        %get3A_1034 = arith.constant 0 : index
        %get3A_1035 = tpu.vector_load %get3A_1032[%get3A_1033, %get3A_1034] {strides = array<i32>} : memref<80x128xf32, #tpu.memory_space<vmem>>, vector<16xf32>,
        %mul3A_1036 = arith.mulf %get3A_364, %get3A_1035 : vector<16xf32>
        %get3A_1037 = arith.constant 0 : i32
        %get3A_1038 = arith.constant 0 : i32
        %get3A_1039 = tpu.memref_slice %arg13[%and3A_321, %get3A_1037, %get3A_1038] : memref<4x80x128xf32, #tpu.memory_space<vmem>> -> memref<1x80x128xf32, #tpu.memory_space<vmem>>
        %get3A_1040 = tpu.memref_squeeze %get3A_1039 : memref<1x80x128xf32, #tpu.memory_space<vmem>> -> memref<80x128xf32, #tpu.memory_space<vmem>>
        %get3A_1041 = arith.index_cast %add3A_1028 : i32 to index
        %get3A_1042 = arith.constant 16 : index
        %get3A_1043 = tpu.vector_load %get3A_1040[%get3A_1041, %get3A_1042] {strides = array<i32>} : memref<80x128xf32, #tpu.memory_space<vmem>>, vector<16xf32>,
        %mul3A_1044 = arith.mulf %get3A_367, %get3A_1043 : vector<16xf32>
        %add3A_1045 = arith.addf %mul3A_1036, %mul3A_1044 : vector<16xf32>
        %get3A_1046 = arith.constant 0 : i32
        %get3A_1047 = arith.constant 0 : i32
        %get3A_1048 = tpu.memref_slice %arg13[%and3A_321, %get3A_1046, %get3A_1047] : memref<4x80x128xf32, #tpu.memory_space<vmem>> -> memref<1x80x128xf32, #tpu.memory_space<vmem>>
        %get3A_1049 = tpu.memref_squeeze %get3A_1048 : memref<1x80x128xf32, #tpu.memory_space<vmem>> -> memref<80x128xf32, #tpu.memory_space<vmem>>
        %get3A_1050 = arith.index_cast %add3A_1028 : i32 to index
        %get3A_1051 = arith.constant 32 : index
        %get3A_1052 = tpu.vector_load %get3A_1049[%get3A_1050, %get3A_1051] {strides = array<i32>} : memref<80x128xf32, #tpu.memory_space<vmem>>, vector<16xf32>,
        %mul3A_1053 = arith.mulf %get3A_370, %get3A_1052 : vector<16xf32>
        %add3A_1054 = arith.addf %add3A_1045, %mul3A_1053 : vector<16xf32>
        %get3A_1055 = arith.constant 0 : i32
        %get3A_1056 = arith.constant 0 : i32
        %get3A_1057 = tpu.memref_slice %arg13[%and3A_321, %get3A_1055, %get3A_1056] : memref<4x80x128xf32, #tpu.memory_space<vmem>> -> memref<1x80x128xf32, #tpu.memory_space<vmem>>
        %get3A_1058 = tpu.memref_squeeze %get3A_1057 : memref<1x80x128xf32, #tpu.memory_space<vmem>> -> memref<80x128xf32, #tpu.memory_space<vmem>>
        %get3A_1059 = arith.index_cast %add3A_1028 : i32 to index
        %get3A_1060 = arith.constant 48 : index
        %get3A_1061 = tpu.vector_load %get3A_1058[%get3A_1059, %get3A_1060] {strides = array<i32>} : memref<80x128xf32, #tpu.memory_space<vmem>>, vector<16xf32>,
        %mul3A_1062 = arith.mulf %get3A_373, %get3A_1061 : vector<16xf32>
        %add3A_1063 = arith.addf %add3A_1054, %mul3A_1062 : vector<16xf32>
        %get3A_1064 = arith.constant 0 : i32
        %get3A_1065 = arith.constant 0 : i32
        %get3A_1066 = tpu.memref_slice %arg13[%and3A_321, %get3A_1064, %get3A_1065] : memref<4x80x128xf32, #tpu.memory_space<vmem>> -> memref<1x80x128xf32, #tpu.memory_space<vmem>>
        %get3A_1067 = tpu.memref_squeeze %get3A_1066 : memref<1x80x128xf32, #tpu.memory_space<vmem>> -> memref<80x128xf32, #tpu.memory_space<vmem>>
        %get3A_1068 = arith.index_cast %add3A_1028 : i32 to index
        %get3A_1069 = arith.constant 64 : index
        %get3A_1070 = tpu.vector_load %get3A_1067[%get3A_1068, %get3A_1069] {strides = array<i32>} : memref<80x128xf32, #tpu.memory_space<vmem>>, vector<16xf32>,
        %mul3A_1071 = arith.mulf %get3A_376, %get3A_1070 : vector<16xf32>
        %add3A_1072 = arith.addf %add3A_1063, %mul3A_1071 : vector<16xf32>
        %get3A_1073 = arith.constant 0 : i32
        %get3A_1074 = arith.constant 0 : i32
        %get3A_1075 = tpu.memref_slice %arg13[%and3A_321, %get3A_1073, %get3A_1074] : memref<4x80x128xf32, #tpu.memory_space<vmem>> -> memref<1x80x128xf32, #tpu.memory_space<vmem>>
        %get3A_1076 = tpu.memref_squeeze %get3A_1075 : memref<1x80x128xf32, #tpu.memory_space<vmem>> -> memref<80x128xf32, #tpu.memory_space<vmem>>
        %get3A_1077 = arith.index_cast %add3A_1028 : i32 to index
        %get3A_1078 = arith.constant 80 : index
        %get3A_1079 = tpu.vector_load %get3A_1076[%get3A_1077, %get3A_1078] {strides = array<i32>} : memref<80x128xf32, #tpu.memory_space<vmem>>, vector<16xf32>,
        %mul3A_1080 = arith.mulf %get3A_379, %get3A_1079 : vector<16xf32>
        %add3A_1081 = arith.addf %add3A_1072, %mul3A_1080 : vector<16xf32>
        %get3A_1082 = arith.constant 0 : i32
        %get3A_1083 = arith.constant 0 : i32
        %get3A_1084 = tpu.memref_slice %arg13[%and3A_321, %get3A_1082, %get3A_1083] : memref<4x80x128xf32, #tpu.memory_space<vmem>> -> memref<1x80x128xf32, #tpu.memory_space<vmem>>
        %get3A_1085 = tpu.memref_squeeze %get3A_1084 : memref<1x80x128xf32, #tpu.memory_space<vmem>> -> memref<80x128xf32, #tpu.memory_space<vmem>>
        %get3A_1086 = arith.index_cast %add3A_1028 : i32 to index
        %get3A_1087 = arith.constant 96 : index
        %get3A_1088 = tpu.vector_load %get3A_1085[%get3A_1086, %get3A_1087] {strides = array<i32>} : memref<80x128xf32, #tpu.memory_space<vmem>>, vector<16xf32>,
        %mul3A_1089 = arith.mulf %get3A_382, %get3A_1088 : vector<16xf32>
        %add3A_1090 = arith.addf %add3A_1081, %mul3A_1089 : vector<16xf32>
        %get3A_1091 = arith.constant 0 : i32
        %get3A_1092 = arith.constant 0 : i32
        %get3A_1093 = tpu.memref_slice %arg13[%and3A_321, %get3A_1091, %get3A_1092] : memref<4x80x128xf32, #tpu.memory_space<vmem>> -> memref<1x80x128xf32, #tpu.memory_space<vmem>>
        %get3A_1094 = tpu.memref_squeeze %get3A_1093 : memref<1x80x128xf32, #tpu.memory_space<vmem>> -> memref<80x128xf32, #tpu.memory_space<vmem>>
        %get3A_1095 = arith.index_cast %add3A_1028 : i32 to index
        %get3A_1096 = arith.constant 112 : index
        %get3A_1097 = tpu.vector_load %get3A_1094[%get3A_1095, %get3A_1096] {strides = array<i32>} : memref<80x128xf32, #tpu.memory_space<vmem>>, vector<16xf32>,
        %mul3A_1098 = arith.mulf %get3A_385, %get3A_1097 : vector<16xf32>
        %add3A_1099 = arith.addf %add3A_1090, %mul3A_1098 : vector<16xf32>
        %mul3A_1100 = arith.constant 20 : i32
        %mul3A_1101 = arith.muli %scan3A_359, %mul3A_1100 : i32
        %add3A_1102 = arith.constant 9 : i32
        %add3A_1103 = arith.addi %mul3A_1101, %add3A_1102 : i32
        %get3A_1104 = arith.constant 0 : i32
        %get3A_1105 = arith.constant 0 : i32
        %get3A_1106 = tpu.memref_slice %arg13[%and3A_321, %get3A_1104, %get3A_1105] : memref<4x80x128xf32, #tpu.memory_space<vmem>> -> memref<1x80x128xf32, #tpu.memory_space<vmem>>
        %get3A_1107 = tpu.memref_squeeze %get3A_1106 : memref<1x80x128xf32, #tpu.memory_space<vmem>> -> memref<80x128xf32, #tpu.memory_space<vmem>>
        %get3A_1108 = arith.index_cast %add3A_1103 : i32 to index
        %get3A_1109 = arith.constant 0 : index
        %get3A_1110 = tpu.vector_load %get3A_1107[%get3A_1108, %get3A_1109] {strides = array<i32>} : memref<80x128xf32, #tpu.memory_space<vmem>>, vector<16xf32>,
        %mul3A_1111 = arith.mulf %get3A_364, %get3A_1110 : vector<16xf32>
        %get3A_1112 = arith.constant 0 : i32
        %get3A_1113 = arith.constant 0 : i32
        %get3A_1114 = tpu.memref_slice %arg13[%and3A_321, %get3A_1112, %get3A_1113] : memref<4x80x128xf32, #tpu.memory_space<vmem>> -> memref<1x80x128xf32, #tpu.memory_space<vmem>>
        %get3A_1115 = tpu.memref_squeeze %get3A_1114 : memref<1x80x128xf32, #tpu.memory_space<vmem>> -> memref<80x128xf32, #tpu.memory_space<vmem>>
        %get3A_1116 = arith.index_cast %add3A_1103 : i32 to index
        %get3A_1117 = arith.constant 16 : index
        %get3A_1118 = tpu.vector_load %get3A_1115[%get3A_1116, %get3A_1117] {strides = array<i32>} : memref<80x128xf32, #tpu.memory_space<vmem>>, vector<16xf32>,
        %mul3A_1119 = arith.mulf %get3A_367, %get3A_1118 : vector<16xf32>
        %add3A_1120 = arith.addf %mul3A_1111, %mul3A_1119 : vector<16xf32>
        %get3A_1121 = arith.constant 0 : i32
        %get3A_1122 = arith.constant 0 : i32
        %get3A_1123 = tpu.memref_slice %arg13[%and3A_321, %get3A_1121, %get3A_1122] : memref<4x80x128xf32, #tpu.memory_space<vmem>> -> memref<1x80x128xf32, #tpu.memory_space<vmem>>
        %get3A_1124 = tpu.memref_squeeze %get3A_1123 : memref<1x80x128xf32, #tpu.memory_space<vmem>> -> memref<80x128xf32, #tpu.memory_space<vmem>>
        %get3A_1125 = arith.index_cast %add3A_1103 : i32 to index
        %get3A_1126 = arith.constant 32 : index
        %get3A_1127 = tpu.vector_load %get3A_1124[%get3A_1125, %get3A_1126] {strides = array<i32>} : memref<80x128xf32, #tpu.memory_space<vmem>>, vector<16xf32>,
        %mul3A_1128 = arith.mulf %get3A_370, %get3A_1127 : vector<16xf32>
        %add3A_1129 = arith.addf %add3A_1120, %mul3A_1128 : vector<16xf32>
        %get3A_1130 = arith.constant 0 : i32
        %get3A_1131 = arith.constant 0 : i32
        %get3A_1132 = tpu.memref_slice %arg13[%and3A_321, %get3A_1130, %get3A_1131] : memref<4x80x128xf32, #tpu.memory_space<vmem>> -> memref<1x80x128xf32, #tpu.memory_space<vmem>>
        %get3A_1133 = tpu.memref_squeeze %get3A_1132 : memref<1x80x128xf32, #tpu.memory_space<vmem>> -> memref<80x128xf32, #tpu.memory_space<vmem>>
        %get3A_1134 = arith.index_cast %add3A_1103 : i32 to index
        %get3A_1135 = arith.constant 48 : index
        %get3A_1136 = tpu.vector_load %get3A_1133[%get3A_1134, %get3A_1135] {strides = array<i32>} : memref<80x128xf32, #tpu.memory_space<vmem>>, vector<16xf32>,
        %mul3A_1137 = arith.mulf %get3A_373, %get3A_1136 : vector<16xf32>
        %add3A_1138 = arith.addf %add3A_1129, %mul3A_1137 : vector<16xf32>
        %get3A_1139 = arith.constant 0 : i32
        %get3A_1140 = arith.constant 0 : i32
        %get3A_1141 = tpu.memref_slice %arg13[%and3A_321, %get3A_1139, %get3A_1140] : memref<4x80x128xf32, #tpu.memory_space<vmem>> -> memref<1x80x128xf32, #tpu.memory_space<vmem>>
        %get3A_1142 = tpu.memref_squeeze %get3A_1141 : memref<1x80x128xf32, #tpu.memory_space<vmem>> -> memref<80x128xf32, #tpu.memory_space<vmem>>
        %get3A_1143 = arith.index_cast %add3A_1103 : i32 to index
        %get3A_1144 = arith.constant 64 : index
        %get3A_1145 = tpu.vector_load %get3A_1142[%get3A_1143, %get3A_1144] {strides = array<i32>} : memref<80x128xf32, #tpu.memory_space<vmem>>, vector<16xf32>,
        %mul3A_1146 = arith.mulf %get3A_376, %get3A_1145 : vector<16xf32>
        %add3A_1147 = arith.addf %add3A_1138, %mul3A_1146 : vector<16xf32>
        %get3A_1148 = arith.constant 0 : i32
        %get3A_1149 = arith.constant 0 : i32
        %get3A_1150 = tpu.memref_slice %arg13[%and3A_321, %get3A_1148, %get3A_1149] : memref<4x80x128xf32, #tpu.memory_space<vmem>> -> memref<1x80x128xf32, #tpu.memory_space<vmem>>
        %get3A_1151 = tpu.memref_squeeze %get3A_1150 : memref<1x80x128xf32, #tpu.memory_space<vmem>> -> memref<80x128xf32, #tpu.memory_space<vmem>>
        %get3A_1152 = arith.index_cast %add3A_1103 : i32 to index
        %get3A_1153 = arith.constant 80 : index
        %get3A_1154 = tpu.vector_load %get3A_1151[%get3A_1152, %get3A_1153] {strides = array<i32>} : memref<80x128xf32, #tpu.memory_space<vmem>>, vector<16xf32>,
        %mul3A_1155 = arith.mulf %get3A_379, %get3A_1154 : vector<16xf32>
        %add3A_1156 = arith.addf %add3A_1147, %mul3A_1155 : vector<16xf32>
        %get3A_1157 = arith.constant 0 : i32
        %get3A_1158 = arith.constant 0 : i32
        %get3A_1159 = tpu.memref_slice %arg13[%and3A_321, %get3A_1157, %get3A_1158] : memref<4x80x128xf32, #tpu.memory_space<vmem>> -> memref<1x80x128xf32, #tpu.memory_space<vmem>>
        %get3A_1160 = tpu.memref_squeeze %get3A_1159 : memref<1x80x128xf32, #tpu.memory_space<vmem>> -> memref<80x128xf32, #tpu.memory_space<vmem>>
        %get3A_1161 = arith.index_cast %add3A_1103 : i32 to index
        %get3A_1162 = arith.constant 96 : index
        %get3A_1163 = tpu.vector_load %get3A_1160[%get3A_1161, %get3A_1162] {strides = array<i32>} : memref<80x128xf32, #tpu.memory_space<vmem>>, vector<16xf32>,
        %mul3A_1164 = arith.mulf %get3A_382, %get3A_1163 : vector<16xf32>
        %add3A_1165 = arith.addf %add3A_1156, %mul3A_1164 : vector<16xf32>
        %get3A_1166 = arith.constant 0 : i32
        %get3A_1167 = arith.constant 0 : i32
        %get3A_1168 = tpu.memref_slice %arg13[%and3A_321, %get3A_1166, %get3A_1167] : memref<4x80x128xf32, #tpu.memory_space<vmem>> -> memref<1x80x128xf32, #tpu.memory_space<vmem>>
        %get3A_1169 = tpu.memref_squeeze %get3A_1168 : memref<1x80x128xf32, #tpu.memory_space<vmem>> -> memref<80x128xf32, #tpu.memory_space<vmem>>
        %get3A_1170 = arith.index_cast %add3A_1103 : i32 to index
        %get3A_1171 = arith.constant 112 : index
        %get3A_1172 = tpu.vector_load %get3A_1169[%get3A_1170, %get3A_1171] {strides = array<i32>} : memref<80x128xf32, #tpu.memory_space<vmem>>, vector<16xf32>,
        %mul3A_1173 = arith.mulf %get3A_385, %get3A_1172 : vector<16xf32>
        %add3A_1174 = arith.addf %add3A_1165, %mul3A_1173 : vector<16xf32>
        %mul3A_1175 = arith.constant 20 : i32
        %mul3A_1176 = arith.muli %scan3A_359, %mul3A_1175 : i32
        %add3A_1177 = arith.constant 10 : i32
        %add3A_1178 = arith.addi %mul3A_1176, %add3A_1177 : i32
        %get3A_1179 = arith.constant 0 : i32
        %get3A_1180 = arith.constant 0 : i32
        %get3A_1181 = tpu.memref_slice %arg13[%and3A_321, %get3A_1179, %get3A_1180] : memref<4x80x128xf32, #tpu.memory_space<vmem>> -> memref<1x80x128xf32, #tpu.memory_space<vmem>>
        %get3A_1182 = tpu.memref_squeeze %get3A_1181 : memref<1x80x128xf32, #tpu.memory_space<vmem>> -> memref<80x128xf32, #tpu.memory_space<vmem>>
        %get3A_1183 = arith.index_cast %add3A_1178 : i32 to index
        %get3A_1184 = arith.constant 0 : index
        %get3A_1185 = tpu.vector_load %get3A_1182[%get3A_1183, %get3A_1184] {strides = array<i32>} : memref<80x128xf32, #tpu.memory_space<vmem>>, vector<16xf32>,
        %mul3A_1186 = arith.mulf %get3A_364, %get3A_1185 : vector<16xf32>
        %get3A_1187 = arith.constant 0 : i32
        %get3A_1188 = arith.constant 0 : i32
        %get3A_1189 = tpu.memref_slice %arg13[%and3A_321, %get3A_1187, %get3A_1188] : memref<4x80x128xf32, #tpu.memory_space<vmem>> -> memref<1x80x128xf32, #tpu.memory_space<vmem>>
        %get3A_1190 = tpu.memref_squeeze %get3A_1189 : memref<1x80x128xf32, #tpu.memory_space<vmem>> -> memref<80x128xf32, #tpu.memory_space<vmem>>
        %get3A_1191 = arith.index_cast %add3A_1178 : i32 to index
        %get3A_1192 = arith.constant 16 : index
        %get3A_1193 = tpu.vector_load %get3A_1190[%get3A_1191, %get3A_1192] {strides = array<i32>} : memref<80x128xf32, #tpu.memory_space<vmem>>, vector<16xf32>,
        %mul3A_1194 = arith.mulf %get3A_367, %get3A_1193 : vector<16xf32>
        %add3A_1195 = arith.addf %mul3A_1186, %mul3A_1194 : vector<16xf32>
        %get3A_1196 = arith.constant 0 : i32
        %get3A_1197 = arith.constant 0 : i32
        %get3A_1198 = tpu.memref_slice %arg13[%and3A_321, %get3A_1196, %get3A_1197] : memref<4x80x128xf32, #tpu.memory_space<vmem>> -> memref<1x80x128xf32, #tpu.memory_space<vmem>>
        %get3A_1199 = tpu.memref_squeeze %get3A_1198 : memref<1x80x128xf32, #tpu.memory_space<vmem>> -> memref<80x128xf32, #tpu.memory_space<vmem>>
        %get3A_1200 = arith.index_cast %add3A_1178 : i32 to index
        %get3A_1201 = arith.constant 32 : index
        %get3A_1202 = tpu.vector_load %get3A_1199[%get3A_1200, %get3A_1201] {strides = array<i32>} : memref<80x128xf32, #tpu.memory_space<vmem>>, vector<16xf32>,
        %mul3A_1203 = arith.mulf %get3A_370, %get3A_1202 : vector<16xf32>
        %add3A_1204 = arith.addf %add3A_1195, %mul3A_1203 : vector<16xf32>
        %get3A_1205 = arith.constant 0 : i32
        %get3A_1206 = arith.constant 0 : i32
        %get3A_1207 = tpu.memref_slice %arg13[%and3A_321, %get3A_1205, %get3A_1206] : memref<4x80x128xf32, #tpu.memory_space<vmem>> -> memref<1x80x128xf32, #tpu.memory_space<vmem>>
        %get3A_1208 = tpu.memref_squeeze %get3A_1207 : memref<1x80x128xf32, #tpu.memory_space<vmem>> -> memref<80x128xf32, #tpu.memory_space<vmem>>
        %get3A_1209 = arith.index_cast %add3A_1178 : i32 to index
        %get3A_1210 = arith.constant 48 : index
        %get3A_1211 = tpu.vector_load %get3A_1208[%get3A_1209, %get3A_1210] {strides = array<i32>} : memref<80x128xf32, #tpu.memory_space<vmem>>, vector<16xf32>,
        %mul3A_1212 = arith.mulf %get3A_373, %get3A_1211 : vector<16xf32>
        %add3A_1213 = arith.addf %add3A_1204, %mul3A_1212 : vector<16xf32>
        %get3A_1214 = arith.constant 0 : i32
        %get3A_1215 = arith.constant 0 : i32
        %get3A_1216 = tpu.memref_slice %arg13[%and3A_321, %get3A_1214, %get3A_1215] : memref<4x80x128xf32, #tpu.memory_space<vmem>> -> memref<1x80x128xf32, #tpu.memory_space<vmem>>
        %get3A_1217 = tpu.memref_squeeze %get3A_1216 : memref<1x80x128xf32, #tpu.memory_space<vmem>> -> memref<80x128xf32, #tpu.memory_space<vmem>>
        %get3A_1218 = arith.index_cast %add3A_1178 : i32 to index
        %get3A_1219 = arith.constant 64 : index
        %get3A_1220 = tpu.vector_load %get3A_1217[%get3A_1218, %get3A_1219] {strides = array<i32>} : memref<80x128xf32, #tpu.memory_space<vmem>>, vector<16xf32>,
        %mul3A_1221 = arith.mulf %get3A_376, %get3A_1220 : vector<16xf32>
        %add3A_1222 = arith.addf %add3A_1213, %mul3A_1221 : vector<16xf32>
        %get3A_1223 = arith.constant 0 : i32
        %get3A_1224 = arith.constant 0 : i32
        %get3A_1225 = tpu.memref_slice %arg13[%and3A_321, %get3A_1223, %get3A_1224] : memref<4x80x128xf32, #tpu.memory_space<vmem>> -> memref<1x80x128xf32, #tpu.memory_space<vmem>>
        %get3A_1226 = tpu.memref_squeeze %get3A_1225 : memref<1x80x128xf32, #tpu.memory_space<vmem>> -> memref<80x128xf32, #tpu.memory_space<vmem>>
        %get3A_1227 = arith.index_cast %add3A_1178 : i32 to index
        %get3A_1228 = arith.constant 80 : index
        %get3A_1229 = tpu.vector_load %get3A_1226[%get3A_1227, %get3A_1228] {strides = array<i32>} : memref<80x128xf32, #tpu.memory_space<vmem>>, vector<16xf32>,
        %mul3A_1230 = arith.mulf %get3A_379, %get3A_1229 : vector<16xf32>
        %add3A_1231 = arith.addf %add3A_1222, %mul3A_1230 : vector<16xf32>
        %get3A_1232 = arith.constant 0 : i32
        %get3A_1233 = arith.constant 0 : i32
        %get3A_1234 = tpu.memref_slice %arg13[%and3A_321, %get3A_1232, %get3A_1233] : memref<4x80x128xf32, #tpu.memory_space<vmem>> -> memref<1x80x128xf32, #tpu.memory_space<vmem>>
        %get3A_1235 = tpu.memref_squeeze %get3A_1234 : memref<1x80x128xf32, #tpu.memory_space<vmem>> -> memref<80x128xf32, #tpu.memory_space<vmem>>
        %get3A_1236 = arith.index_cast %add3A_1178 : i32 to index
        %get3A_1237 = arith.constant 96 : index
        %get3A_1238 = tpu.vector_load %get3A_1235[%get3A_1236, %get3A_1237] {strides = array<i32>} : memref<80x128xf32, #tpu.memory_space<vmem>>, vector<16xf32>,
        %mul3A_1239 = arith.mulf %get3A_382, %get3A_1238 : vector<16xf32>
        %add3A_1240 = arith.addf %add3A_1231, %mul3A_1239 : vector<16xf32>
        %get3A_1241 = arith.constant 0 : i32
        %get3A_1242 = arith.constant 0 : i32
        %get3A_1243 = tpu.memref_slice %arg13[%and3A_321, %get3A_1241, %get3A_1242] : memref<4x80x128xf32, #tpu.memory_space<vmem>> -> memref<1x80x128xf32, #tpu.memory_space<vmem>>
        %get3A_1244 = tpu.memref_squeeze %get3A_1243 : memref<1x80x128xf32, #tpu.memory_space<vmem>> -> memref<80x128xf32, #tpu.memory_space<vmem>>
        %get3A_1245 = arith.index_cast %add3A_1178 : i32 to index
        %get3A_1246 = arith.constant 112 : index
        %get3A_1247 = tpu.vector_load %get3A_1244[%get3A_1245, %get3A_1246] {strides = array<i32>} : memref<80x128xf32, #tpu.memory_space<vmem>>, vector<16xf32>,
        %mul3A_1248 = arith.mulf %get3A_385, %get3A_1247 : vector<16xf32>
        %add3A_1249 = arith.addf %add3A_1240, %mul3A_1248 : vector<16xf32>
        %mul3A_1250 = arith.constant 20 : i32
        %mul3A_1251 = arith.muli %scan3A_359, %mul3A_1250 : i32
        %add3A_1252 = arith.constant 11 : i32
        %add3A_1253 = arith.addi %mul3A_1251, %add3A_1252 : i32
        %get3A_1254 = arith.constant 0 : i32
        %get3A_1255 = arith.constant 0 : i32
        %get3A_1256 = tpu.memref_slice %arg13[%and3A_321, %get3A_1254, %get3A_1255] : memref<4x80x128xf32, #tpu.memory_space<vmem>> -> memref<1x80x128xf32, #tpu.memory_space<vmem>>
        %get3A_1257 = tpu.memref_squeeze %get3A_1256 : memref<1x80x128xf32, #tpu.memory_space<vmem>> -> memref<80x128xf32, #tpu.memory_space<vmem>>
        %get3A_1258 = arith.index_cast %add3A_1253 : i32 to index
        %get3A_1259 = arith.constant 0 : index
        %get3A_1260 = tpu.vector_load %get3A_1257[%get3A_1258, %get3A_1259] {strides = array<i32>} : memref<80x128xf32, #tpu.memory_space<vmem>>, vector<16xf32>,
        %mul3A_1261 = arith.mulf %get3A_364, %get3A_1260 : vector<16xf32>
        %get3A_1262 = arith.constant 0 : i32
        %get3A_1263 = arith.constant 0 : i32
        %get3A_1264 = tpu.memref_slice %arg13[%and3A_321, %get3A_1262, %get3A_1263] : memref<4x80x128xf32, #tpu.memory_space<vmem>> -> memref<1x80x128xf32, #tpu.memory_space<vmem>>
        %get3A_1265 = tpu.memref_squeeze %get3A_1264 : memref<1x80x128xf32, #tpu.memory_space<vmem>> -> memref<80x128xf32, #tpu.memory_space<vmem>>
        %get3A_1266 = arith.index_cast %add3A_1253 : i32 to index
        %get3A_1267 = arith.constant 16 : index
        %get3A_1268 = tpu.vector_load %get3A_1265[%get3A_1266, %get3A_1267] {strides = array<i32>} : memref<80x128xf32, #tpu.memory_space<vmem>>, vector<16xf32>,
        %mul3A_1269 = arith.mulf %get3A_367, %get3A_1268 : vector<16xf32>
        %add3A_1270 = arith.addf %mul3A_1261, %mul3A_1269 : vector<16xf32>
        %get3A_1271 = arith.constant 0 : i32
        %get3A_1272 = arith.constant 0 : i32
        %get3A_1273 = tpu.memref_slice %arg13[%and3A_321, %get3A_1271, %get3A_1272] : memref<4x80x128xf32, #tpu.memory_space<vmem>> -> memref<1x80x128xf32, #tpu.memory_space<vmem>>
        %get3A_1274 = tpu.memref_squeeze %get3A_1273 : memref<1x80x128xf32, #tpu.memory_space<vmem>> -> memref<80x128xf32, #tpu.memory_space<vmem>>
        %get3A_1275 = arith.index_cast %add3A_1253 : i32 to index
        %get3A_1276 = arith.constant 32 : index
        %get3A_1277 = tpu.vector_load %get3A_1274[%get3A_1275, %get3A_1276] {strides = array<i32>} : memref<80x128xf32, #tpu.memory_space<vmem>>, vector<16xf32>,
        %mul3A_1278 = arith.mulf %get3A_370, %get3A_1277 : vector<16xf32>
        %add3A_1279 = arith.addf %add3A_1270, %mul3A_1278 : vector<16xf32>
        %get3A_1280 = arith.constant 0 : i32
        %get3A_1281 = arith.constant 0 : i32
        %get3A_1282 = tpu.memref_slice %arg13[%and3A_321, %get3A_1280, %get3A_1281] : memref<4x80x128xf32, #tpu.memory_space<vmem>> -> memref<1x80x128xf32, #tpu.memory_space<vmem>>
        %get3A_1283 = tpu.memref_squeeze %get3A_1282 : memref<1x80x128xf32, #tpu.memory_space<vmem>> -> memref<80x128xf32, #tpu.memory_space<vmem>>
        %get3A_1284 = arith.index_cast %add3A_1253 : i32 to index
        %get3A_1285 = arith.constant 48 : index
        %get3A_1286 = tpu.vector_load %get3A_1283[%get3A_1284, %get3A_1285] {strides = array<i32>} : memref<80x128xf32, #tpu.memory_space<vmem>>, vector<16xf32>,
        %mul3A_1287 = arith.mulf %get3A_373, %get3A_1286 : vector<16xf32>
        %add3A_1288 = arith.addf %add3A_1279, %mul3A_1287 : vector<16xf32>
        %get3A_1289 = arith.constant 0 : i32
        %get3A_1290 = arith.constant 0 : i32
        %get3A_1291 = tpu.memref_slice %arg13[%and3A_321, %get3A_1289, %get3A_1290] : memref<4x80x128xf32, #tpu.memory_space<vmem>> -> memref<1x80x128xf32, #tpu.memory_space<vmem>>
        %get3A_1292 = tpu.memref_squeeze %get3A_1291 : memref<1x80x128xf32, #tpu.memory_space<vmem>> -> memref<80x128xf32, #tpu.memory_space<vmem>>
        %get3A_1293 = arith.index_cast %add3A_1253 : i32 to index
        %get3A_1294 = arith.constant 64 : index
        %get3A_1295 = tpu.vector_load %get3A_1292[%get3A_1293, %get3A_1294] {strides = array<i32>} : memref<80x128xf32, #tpu.memory_space<vmem>>, vector<16xf32>,
        %mul3A_1296 = arith.mulf %get3A_376, %get3A_1295 : vector<16xf32>
        %add3A_1297 = arith.addf %add3A_1288, %mul3A_1296 : vector<16xf32>
        %get3A_1298 = arith.constant 0 : i32
        %get3A_1299 = arith.constant 0 : i32
        %get3A_1300 = tpu.memref_slice %arg13[%and3A_321, %get3A_1298, %get3A_1299] : memref<4x80x128xf32, #tpu.memory_space<vmem>> -> memref<1x80x128xf32, #tpu.memory_space<vmem>>
        %get3A_1301 = tpu.memref_squeeze %get3A_1300 : memref<1x80x128xf32, #tpu.memory_space<vmem>> -> memref<80x128xf32, #tpu.memory_space<vmem>>
        %get3A_1302 = arith.index_cast %add3A_1253 : i32 to index
        %get3A_1303 = arith.constant 80 : index
        %get3A_1304 = tpu.vector_load %get3A_1301[%get3A_1302, %get3A_1303] {strides = array<i32>} : memref<80x128xf32, #tpu.memory_space<vmem>>, vector<16xf32>,
        %mul3A_1305 = arith.mulf %get3A_379, %get3A_1304 : vector<16xf32>
        %add3A_1306 = arith.addf %add3A_1297, %mul3A_1305 : vector<16xf32>
        %get3A_1307 = arith.constant 0 : i32
        %get3A_1308 = arith.constant 0 : i32
        %get3A_1309 = tpu.memref_slice %arg13[%and3A_321, %get3A_1307, %get3A_1308] : memref<4x80x128xf32, #tpu.memory_space<vmem>> -> memref<1x80x128xf32, #tpu.memory_space<vmem>>
        %get3A_1310 = tpu.memref_squeeze %get3A_1309 : memref<1x80x128xf32, #tpu.memory_space<vmem>> -> memref<80x128xf32, #tpu.memory_space<vmem>>
        %get3A_1311 = arith.index_cast %add3A_1253 : i32 to index
        %get3A_1312 = arith.constant 96 : index
        %get3A_1313 = tpu.vector_load %get3A_1310[%get3A_1311, %get3A_1312] {strides = array<i32>} : memref<80x128xf32, #tpu.memory_space<vmem>>, vector<16xf32>,
        %mul3A_1314 = arith.mulf %get3A_382, %get3A_1313 : vector<16xf32>
        %add3A_1315 = arith.addf %add3A_1306, %mul3A_1314 : vector<16xf32>
        %get3A_1316 = arith.constant 0 : i32
        %get3A_1317 = arith.constant 0 : i32
        %get3A_1318 = tpu.memref_slice %arg13[%and3A_321, %get3A_1316, %get3A_1317] : memref<4x80x128xf32, #tpu.memory_space<vmem>> -> memref<1x80x128xf32, #tpu.memory_space<vmem>>
        %get3A_1319 = tpu.memref_squeeze %get3A_1318 : memref<1x80x128xf32, #tpu.memory_space<vmem>> -> memref<80x128xf32, #tpu.memory_space<vmem>>
        %get3A_1320 = arith.index_cast %add3A_1253 : i32 to index
        %get3A_1321 = arith.constant 112 : index
        %get3A_1322 = tpu.vector_load %get3A_1319[%get3A_1320, %get3A_1321] {strides = array<i32>} : memref<80x128xf32, #tpu.memory_space<vmem>>, vector<16xf32>,
        %mul3A_1323 = arith.mulf %get3A_385, %get3A_1322 : vector<16xf32>
        %add3A_1324 = arith.addf %add3A_1315, %mul3A_1323 : vector<16xf32>
        %mul3A_1325 = arith.constant 20 : i32
        %mul3A_1326 = arith.muli %scan3A_359, %mul3A_1325 : i32
        %add3A_1327 = arith.constant 12 : i32
        %add3A_1328 = arith.addi %mul3A_1326, %add3A_1327 : i32
        %get3A_1329 = arith.constant 0 : i32
        %get3A_1330 = arith.constant 0 : i32
        %get3A_1331 = tpu.memref_slice %arg13[%and3A_321, %get3A_1329, %get3A_1330] : memref<4x80x128xf32, #tpu.memory_space<vmem>> -> memref<1x80x128xf32, #tpu.memory_space<vmem>>
        %get3A_1332 = tpu.memref_squeeze %get3A_1331 : memref<1x80x128xf32, #tpu.memory_space<vmem>> -> memref<80x128xf32, #tpu.memory_space<vmem>>
        %get3A_1333 = arith.index_cast %add3A_1328 : i32 to index
        %get3A_1334 = arith.constant 0 : index
        %get3A_1335 = tpu.vector_load %get3A_1332[%get3A_1333, %get3A_1334] {strides = array<i32>} : memref<80x128xf32, #tpu.memory_space<vmem>>, vector<16xf32>,
        %mul3A_1336 = arith.mulf %get3A_364, %get3A_1335 : vector<16xf32>
        %get3A_1337 = arith.constant 0 : i32
        %get3A_1338 = arith.constant 0 : i32
        %get3A_1339 = tpu.memref_slice %arg13[%and3A_321, %get3A_1337, %get3A_1338] : memref<4x80x128xf32, #tpu.memory_space<vmem>> -> memref<1x80x128xf32, #tpu.memory_space<vmem>>
        %get3A_1340 = tpu.memref_squeeze %get3A_1339 : memref<1x80x128xf32, #tpu.memory_space<vmem>> -> memref<80x128xf32, #tpu.memory_space<vmem>>
        %get3A_1341 = arith.index_cast %add3A_1328 : i32 to index
        %get3A_1342 = arith.constant 16 : index
        %get3A_1343 = tpu.vector_load %get3A_1340[%get3A_1341, %get3A_1342] {strides = array<i32>} : memref<80x128xf32, #tpu.memory_space<vmem>>, vector<16xf32>,
        %mul3A_1344 = arith.mulf %get3A_367, %get3A_1343 : vector<16xf32>
        %add3A_1345 = arith.addf %mul3A_1336, %mul3A_1344 : vector<16xf32>
        %get3A_1346 = arith.constant 0 : i32
        %get3A_1347 = arith.constant 0 : i32
        %get3A_1348 = tpu.memref_slice %arg13[%and3A_321, %get3A_1346, %get3A_1347] : memref<4x80x128xf32, #tpu.memory_space<vmem>> -> memref<1x80x128xf32, #tpu.memory_space<vmem>>
        %get3A_1349 = tpu.memref_squeeze %get3A_1348 : memref<1x80x128xf32, #tpu.memory_space<vmem>> -> memref<80x128xf32, #tpu.memory_space<vmem>>
        %get3A_1350 = arith.index_cast %add3A_1328 : i32 to index
        %get3A_1351 = arith.constant 32 : index
        %get3A_1352 = tpu.vector_load %get3A_1349[%get3A_1350, %get3A_1351] {strides = array<i32>} : memref<80x128xf32, #tpu.memory_space<vmem>>, vector<16xf32>,
        %mul3A_1353 = arith.mulf %get3A_370, %get3A_1352 : vector<16xf32>
        %add3A_1354 = arith.addf %add3A_1345, %mul3A_1353 : vector<16xf32>
        %get3A_1355 = arith.constant 0 : i32
        %get3A_1356 = arith.constant 0 : i32
        %get3A_1357 = tpu.memref_slice %arg13[%and3A_321, %get3A_1355, %get3A_1356] : memref<4x80x128xf32, #tpu.memory_space<vmem>> -> memref<1x80x128xf32, #tpu.memory_space<vmem>>
        %get3A_1358 = tpu.memref_squeeze %get3A_1357 : memref<1x80x128xf32, #tpu.memory_space<vmem>> -> memref<80x128xf32, #tpu.memory_space<vmem>>
        %get3A_1359 = arith.index_cast %add3A_1328 : i32 to index
        %get3A_1360 = arith.constant 48 : index
        %get3A_1361 = tpu.vector_load %get3A_1358[%get3A_1359, %get3A_1360] {strides = array<i32>} : memref<80x128xf32, #tpu.memory_space<vmem>>, vector<16xf32>,
        %mul3A_1362 = arith.mulf %get3A_373, %get3A_1361 : vector<16xf32>
        %add3A_1363 = arith.addf %add3A_1354, %mul3A_1362 : vector<16xf32>
        %get3A_1364 = arith.constant 0 : i32
        %get3A_1365 = arith.constant 0 : i32
        %get3A_1366 = tpu.memref_slice %arg13[%and3A_321, %get3A_1364, %get3A_1365] : memref<4x80x128xf32, #tpu.memory_space<vmem>> -> memref<1x80x128xf32, #tpu.memory_space<vmem>>
        %get3A_1367 = tpu.memref_squeeze %get3A_1366 : memref<1x80x128xf32, #tpu.memory_space<vmem>> -> memref<80x128xf32, #tpu.memory_space<vmem>>
        %get3A_1368 = arith.index_cast %add3A_1328 : i32 to index
        %get3A_1369 = arith.constant 64 : index
        %get3A_1370 = tpu.vector_load %get3A_1367[%get3A_1368, %get3A_1369] {strides = array<i32>} : memref<80x128xf32, #tpu.memory_space<vmem>>, vector<16xf32>,
        %mul3A_1371 = arith.mulf %get3A_376, %get3A_1370 : vector<16xf32>
        %add3A_1372 = arith.addf %add3A_1363, %mul3A_1371 : vector<16xf32>
        %get3A_1373 = arith.constant 0 : i32
        %get3A_1374 = arith.constant 0 : i32
        %get3A_1375 = tpu.memref_slice %arg13[%and3A_321, %get3A_1373, %get3A_1374] : memref<4x80x128xf32, #tpu.memory_space<vmem>> -> memref<1x80x128xf32, #tpu.memory_space<vmem>>
        %get3A_1376 = tpu.memref_squeeze %get3A_1375 : memref<1x80x128xf32, #tpu.memory_space<vmem>> -> memref<80x128xf32, #tpu.memory_space<vmem>>
        %get3A_1377 = arith.index_cast %add3A_1328 : i32 to index
        %get3A_1378 = arith.constant 80 : index
        %get3A_1379 = tpu.vector_load %get3A_1376[%get3A_1377, %get3A_1378] {strides = array<i32>} : memref<80x128xf32, #tpu.memory_space<vmem>>, vector<16xf32>,
        %mul3A_1380 = arith.mulf %get3A_379, %get3A_1379 : vector<16xf32>
        %add3A_1381 = arith.addf %add3A_1372, %mul3A_1380 : vector<16xf32>
        %get3A_1382 = arith.constant 0 : i32
        %get3A_1383 = arith.constant 0 : i32
        %get3A_1384 = tpu.memref_slice %arg13[%and3A_321, %get3A_1382, %get3A_1383] : memref<4x80x128xf32, #tpu.memory_space<vmem>> -> memref<1x80x128xf32, #tpu.memory_space<vmem>>
        %get3A_1385 = tpu.memref_squeeze %get3A_1384 : memref<1x80x128xf32, #tpu.memory_space<vmem>> -> memref<80x128xf32, #tpu.memory_space<vmem>>
        %get3A_1386 = arith.index_cast %add3A_1328 : i32 to index
        %get3A_1387 = arith.constant 96 : index
        %get3A_1388 = tpu.vector_load %get3A_1385[%get3A_1386, %get3A_1387] {strides = array<i32>} : memref<80x128xf32, #tpu.memory_space<vmem>>, vector<16xf32>,
        %mul3A_1389 = arith.mulf %get3A_382, %get3A_1388 : vector<16xf32>
        %add3A_1390 = arith.addf %add3A_1381, %mul3A_1389 : vector<16xf32>
        %get3A_1391 = arith.constant 0 : i32
        %get3A_1392 = arith.constant 0 : i32
        %get3A_1393 = tpu.memref_slice %arg13[%and3A_321, %get3A_1391, %get3A_1392] : memref<4x80x128xf32, #tpu.memory_space<vmem>> -> memref<1x80x128xf32, #tpu.memory_space<vmem>>
        %get3A_1394 = tpu.memref_squeeze %get3A_1393 : memref<1x80x128xf32, #tpu.memory_space<vmem>> -> memref<80x128xf32, #tpu.memory_space<vmem>>
        %get3A_1395 = arith.index_cast %add3A_1328 : i32 to index
        %get3A_1396 = arith.constant 112 : index
        %get3A_1397 = tpu.vector_load %get3A_1394[%get3A_1395, %get3A_1396] {strides = array<i32>} : memref<80x128xf32, #tpu.memory_space<vmem>>, vector<16xf32>,
        %mul3A_1398 = arith.mulf %get3A_385, %get3A_1397 : vector<16xf32>
        %add3A_1399 = arith.addf %add3A_1390, %mul3A_1398 : vector<16xf32>
        %mul3A_1400 = arith.constant 20 : i32
        %mul3A_1401 = arith.muli %scan3A_359, %mul3A_1400 : i32
        %add3A_1402 = arith.constant 13 : i32
        %add3A_1403 = arith.addi %mul3A_1401, %add3A_1402 : i32
        %get3A_1404 = arith.constant 0 : i32
        %get3A_1405 = arith.constant 0 : i32
        %get3A_1406 = tpu.memref_slice %arg13[%and3A_321, %get3A_1404, %get3A_1405] : memref<4x80x128xf32, #tpu.memory_space<vmem>> -> memref<1x80x128xf32, #tpu.memory_space<vmem>>
        %get3A_1407 = tpu.memref_squeeze %get3A_1406 : memref<1x80x128xf32, #tpu.memory_space<vmem>> -> memref<80x128xf32, #tpu.memory_space<vmem>>
        %get3A_1408 = arith.index_cast %add3A_1403 : i32 to index
        %get3A_1409 = arith.constant 0 : index
        %get3A_1410 = tpu.vector_load %get3A_1407[%get3A_1408, %get3A_1409] {strides = array<i32>} : memref<80x128xf32, #tpu.memory_space<vmem>>, vector<16xf32>,
        %mul3A_1411 = arith.mulf %get3A_364, %get3A_1410 : vector<16xf32>
        %get3A_1412 = arith.constant 0 : i32
        %get3A_1413 = arith.constant 0 : i32
        %get3A_1414 = tpu.memref_slice %arg13[%and3A_321, %get3A_1412, %get3A_1413] : memref<4x80x128xf32, #tpu.memory_space<vmem>> -> memref<1x80x128xf32, #tpu.memory_space<vmem>>
        %get3A_1415 = tpu.memref_squeeze %get3A_1414 : memref<1x80x128xf32, #tpu.memory_space<vmem>> -> memref<80x128xf32, #tpu.memory_space<vmem>>
        %get3A_1416 = arith.index_cast %add3A_1403 : i32 to index
        %get3A_1417 = arith.constant 16 : index
        %get3A_1418 = tpu.vector_load %get3A_1415[%get3A_1416, %get3A_1417] {strides = array<i32>} : memref<80x128xf32, #tpu.memory_space<vmem>>, vector<16xf32>,
        %mul3A_1419 = arith.mulf %get3A_367, %get3A_1418 : vector<16xf32>
        %add3A_1420 = arith.addf %mul3A_1411, %mul3A_1419 : vector<16xf32>
        %get3A_1421 = arith.constant 0 : i32
        %get3A_1422 = arith.constant 0 : i32
        %get3A_1423 = tpu.memref_slice %arg13[%and3A_321, %get3A_1421, %get3A_1422] : memref<4x80x128xf32, #tpu.memory_space<vmem>> -> memref<1x80x128xf32, #tpu.memory_space<vmem>>
        %get3A_1424 = tpu.memref_squeeze %get3A_1423 : memref<1x80x128xf32, #tpu.memory_space<vmem>> -> memref<80x128xf32, #tpu.memory_space<vmem>>
        %get3A_1425 = arith.index_cast %add3A_1403 : i32 to index
        %get3A_1426 = arith.constant 32 : index
        %get3A_1427 = tpu.vector_load %get3A_1424[%get3A_1425, %get3A_1426] {strides = array<i32>} : memref<80x128xf32, #tpu.memory_space<vmem>>, vector<16xf32>,
        %mul3A_1428 = arith.mulf %get3A_370, %get3A_1427 : vector<16xf32>
        %add3A_1429 = arith.addf %add3A_1420, %mul3A_1428 : vector<16xf32>
        %get3A_1430 = arith.constant 0 : i32
        %get3A_1431 = arith.constant 0 : i32
        %get3A_1432 = tpu.memref_slice %arg13[%and3A_321, %get3A_1430, %get3A_1431] : memref<4x80x128xf32, #tpu.memory_space<vmem>> -> memref<1x80x128xf32, #tpu.memory_space<vmem>>
        %get3A_1433 = tpu.memref_squeeze %get3A_1432 : memref<1x80x128xf32, #tpu.memory_space<vmem>> -> memref<80x128xf32, #tpu.memory_space<vmem>>
        %get3A_1434 = arith.index_cast %add3A_1403 : i32 to index
        %get3A_1435 = arith.constant 48 : index
        %get3A_1436 = tpu.vector_load %get3A_1433[%get3A_1434, %get3A_1435] {strides = array<i32>} : memref<80x128xf32, #tpu.memory_space<vmem>>, vector<16xf32>,
        %mul3A_1437 = arith.mulf %get3A_373, %get3A_1436 : vector<16xf32>
        %add3A_1438 = arith.addf %add3A_1429, %mul3A_1437 : vector<16xf32>
        %get3A_1439 = arith.constant 0 : i32
        %get3A_1440 = arith.constant 0 : i32
        %get3A_1441 = tpu.memref_slice %arg13[%and3A_321, %get3A_1439, %get3A_1440] : memref<4x80x128xf32, #tpu.memory_space<vmem>> -> memref<1x80x128xf32, #tpu.memory_space<vmem>>
        %get3A_1442 = tpu.memref_squeeze %get3A_1441 : memref<1x80x128xf32, #tpu.memory_space<vmem>> -> memref<80x128xf32, #tpu.memory_space<vmem>>
        %get3A_1443 = arith.index_cast %add3A_1403 : i32 to index
        %get3A_1444 = arith.constant 64 : index
        %get3A_1445 = tpu.vector_load %get3A_1442[%get3A_1443, %get3A_1444] {strides = array<i32>} : memref<80x128xf32, #tpu.memory_space<vmem>>, vector<16xf32>,
        %mul3A_1446 = arith.mulf %get3A_376, %get3A_1445 : vector<16xf32>
        %add3A_1447 = arith.addf %add3A_1438, %mul3A_1446 : vector<16xf32>
        %get3A_1448 = arith.constant 0 : i32
        %get3A_1449 = arith.constant 0 : i32
        %get3A_1450 = tpu.memref_slice %arg13[%and3A_321, %get3A_1448, %get3A_1449] : memref<4x80x128xf32, #tpu.memory_space<vmem>> -> memref<1x80x128xf32, #tpu.memory_space<vmem>>
        %get3A_1451 = tpu.memref_squeeze %get3A_1450 : memref<1x80x128xf32, #tpu.memory_space<vmem>> -> memref<80x128xf32, #tpu.memory_space<vmem>>
        %get3A_1452 = arith.index_cast %add3A_1403 : i32 to index
        %get3A_1453 = arith.constant 80 : index
        %get3A_1454 = tpu.vector_load %get3A_1451[%get3A_1452, %get3A_1453] {strides = array<i32>} : memref<80x128xf32, #tpu.memory_space<vmem>>, vector<16xf32>,
        %mul3A_1455 = arith.mulf %get3A_379, %get3A_1454 : vector<16xf32>
        %add3A_1456 = arith.addf %add3A_1447, %mul3A_1455 : vector<16xf32>
        %get3A_1457 = arith.constant 0 : i32
        %get3A_1458 = arith.constant 0 : i32
        %get3A_1459 = tpu.memref_slice %arg13[%and3A_321, %get3A_1457, %get3A_1458] : memref<4x80x128xf32, #tpu.memory_space<vmem>> -> memref<1x80x128xf32, #tpu.memory_space<vmem>>
        %get3A_1460 = tpu.memref_squeeze %get3A_1459 : memref<1x80x128xf32, #tpu.memory_space<vmem>> -> memref<80x128xf32, #tpu.memory_space<vmem>>
        %get3A_1461 = arith.index_cast %add3A_1403 : i32 to index
        %get3A_1462 = arith.constant 96 : index
        %get3A_1463 = tpu.vector_load %get3A_1460[%get3A_1461, %get3A_1462] {strides = array<i32>} : memref<80x128xf32, #tpu.memory_space<vmem>>, vector<16xf32>,
        %mul3A_1464 = arith.mulf %get3A_382, %get3A_1463 : vector<16xf32>
        %add3A_1465 = arith.addf %add3A_1456, %mul3A_1464 : vector<16xf32>
        %get3A_1466 = arith.constant 0 : i32
        %get3A_1467 = arith.constant 0 : i32
        %get3A_1468 = tpu.memref_slice %arg13[%and3A_321, %get3A_1466, %get3A_1467] : memref<4x80x128xf32, #tpu.memory_space<vmem>> -> memref<1x80x128xf32, #tpu.memory_space<vmem>>
        %get3A_1469 = tpu.memref_squeeze %get3A_1468 : memref<1x80x128xf32, #tpu.memory_space<vmem>> -> memref<80x128xf32, #tpu.memory_space<vmem>>
        %get3A_1470 = arith.index_cast %add3A_1403 : i32 to index
        %get3A_1471 = arith.constant 112 : index
        %get3A_1472 = tpu.vector_load %get3A_1469[%get3A_1470, %get3A_1471] {strides = array<i32>} : memref<80x128xf32, #tpu.memory_space<vmem>>, vector<16xf32>,
        %mul3A_1473 = arith.mulf %get3A_385, %get3A_1472 : vector<16xf32>
        %add3A_1474 = arith.addf %add3A_1465, %mul3A_1473 : vector<16xf32>
        %mul3A_1475 = arith.constant 20 : i32
        %mul3A_1476 = arith.muli %scan3A_359, %mul3A_1475 : i32
        %add3A_1477 = arith.constant 14 : i32
        %add3A_1478 = arith.addi %mul3A_1476, %add3A_1477 : i32
        %get3A_1479 = arith.constant 0 : i32
        %get3A_1480 = arith.constant 0 : i32
        %get3A_1481 = tpu.memref_slice %arg13[%and3A_321, %get3A_1479, %get3A_1480] : memref<4x80x128xf32, #tpu.memory_space<vmem>> -> memref<1x80x128xf32, #tpu.memory_space<vmem>>
        %get3A_1482 = tpu.memref_squeeze %get3A_1481 : memref<1x80x128xf32, #tpu.memory_space<vmem>> -> memref<80x128xf32, #tpu.memory_space<vmem>>
        %get3A_1483 = arith.index_cast %add3A_1478 : i32 to index
        %get3A_1484 = arith.constant 0 : index
        %get3A_1485 = tpu.vector_load %get3A_1482[%get3A_1483, %get3A_1484] {strides = array<i32>} : memref<80x128xf32, #tpu.memory_space<vmem>>, vector<16xf32>,
        %mul3A_1486 = arith.mulf %get3A_364, %get3A_1485 : vector<16xf32>
        %get3A_1487 = arith.constant 0 : i32
        %get3A_1488 = arith.constant 0 : i32
        %get3A_1489 = tpu.memref_slice %arg13[%and3A_321, %get3A_1487, %get3A_1488] : memref<4x80x128xf32, #tpu.memory_space<vmem>> -> memref<1x80x128xf32, #tpu.memory_space<vmem>>
        %get3A_1490 = tpu.memref_squeeze %get3A_1489 : memref<1x80x128xf32, #tpu.memory_space<vmem>> -> memref<80x128xf32, #tpu.memory_space<vmem>>
        %get3A_1491 = arith.index_cast %add3A_1478 : i32 to index
        %get3A_1492 = arith.constant 16 : index
        %get3A_1493 = tpu.vector_load %get3A_1490[%get3A_1491, %get3A_1492] {strides = array<i32>} : memref<80x128xf32, #tpu.memory_space<vmem>>, vector<16xf32>,
        %mul3A_1494 = arith.mulf %get3A_367, %get3A_1493 : vector<16xf32>
        %add3A_1495 = arith.addf %mul3A_1486, %mul3A_1494 : vector<16xf32>
        %get3A_1496 = arith.constant 0 : i32
        %get3A_1497 = arith.constant 0 : i32
        %get3A_1498 = tpu.memref_slice %arg13[%and3A_321, %get3A_1496, %get3A_1497] : memref<4x80x128xf32, #tpu.memory_space<vmem>> -> memref<1x80x128xf32, #tpu.memory_space<vmem>>
        %get3A_1499 = tpu.memref_squeeze %get3A_1498 : memref<1x80x128xf32, #tpu.memory_space<vmem>> -> memref<80x128xf32, #tpu.memory_space<vmem>>
        %get3A_1500 = arith.index_cast %add3A_1478 : i32 to index
        %get3A_1501 = arith.constant 32 : index
        %get3A_1502 = tpu.vector_load %get3A_1499[%get3A_1500, %get3A_1501] {strides = array<i32>} : memref<80x128xf32, #tpu.memory_space<vmem>>, vector<16xf32>,
        %mul3A_1503 = arith.mulf %get3A_370, %get3A_1502 : vector<16xf32>
        %add3A_1504 = arith.addf %add3A_1495, %mul3A_1503 : vector<16xf32>
        %get3A_1505 = arith.constant 0 : i32
        %get3A_1506 = arith.constant 0 : i32
        %get3A_1507 = tpu.memref_slice %arg13[%and3A_321, %get3A_1505, %get3A_1506] : memref<4x80x128xf32, #tpu.memory_space<vmem>> -> memref<1x80x128xf32, #tpu.memory_space<vmem>>
        %get3A_1508 = tpu.memref_squeeze %get3A_1507 : memref<1x80x128xf32, #tpu.memory_space<vmem>> -> memref<80x128xf32, #tpu.memory_space<vmem>>
        %get3A_1509 = arith.index_cast %add3A_1478 : i32 to index
        %get3A_1510 = arith.constant 48 : index
        %get3A_1511 = tpu.vector_load %get3A_1508[%get3A_1509, %get3A_1510] {strides = array<i32>} : memref<80x128xf32, #tpu.memory_space<vmem>>, vector<16xf32>,
        %mul3A_1512 = arith.mulf %get3A_373, %get3A_1511 : vector<16xf32>
        %add3A_1513 = arith.addf %add3A_1504, %mul3A_1512 : vector<16xf32>
        %get3A_1514 = arith.constant 0 : i32
        %get3A_1515 = arith.constant 0 : i32
        %get3A_1516 = tpu.memref_slice %arg13[%and3A_321, %get3A_1514, %get3A_1515] : memref<4x80x128xf32, #tpu.memory_space<vmem>> -> memref<1x80x128xf32, #tpu.memory_space<vmem>>
        %get3A_1517 = tpu.memref_squeeze %get3A_1516 : memref<1x80x128xf32, #tpu.memory_space<vmem>> -> memref<80x128xf32, #tpu.memory_space<vmem>>
        %get3A_1518 = arith.index_cast %add3A_1478 : i32 to index
        %get3A_1519 = arith.constant 64 : index
        %get3A_1520 = tpu.vector_load %get3A_1517[%get3A_1518, %get3A_1519] {strides = array<i32>} : memref<80x128xf32, #tpu.memory_space<vmem>>, vector<16xf32>,
        %mul3A_1521 = arith.mulf %get3A_376, %get3A_1520 : vector<16xf32>
        %add3A_1522 = arith.addf %add3A_1513, %mul3A_1521 : vector<16xf32>
        %get3A_1523 = arith.constant 0 : i32
        %get3A_1524 = arith.constant 0 : i32
        %get3A_1525 = tpu.memref_slice %arg13[%and3A_321, %get3A_1523, %get3A_1524] : memref<4x80x128xf32, #tpu.memory_space<vmem>> -> memref<1x80x128xf32, #tpu.memory_space<vmem>>
        %get3A_1526 = tpu.memref_squeeze %get3A_1525 : memref<1x80x128xf32, #tpu.memory_space<vmem>> -> memref<80x128xf32, #tpu.memory_space<vmem>>
        %get3A_1527 = arith.index_cast %add3A_1478 : i32 to index
        %get3A_1528 = arith.constant 80 : index
        %get3A_1529 = tpu.vector_load %get3A_1526[%get3A_1527, %get3A_1528] {strides = array<i32>} : memref<80x128xf32, #tpu.memory_space<vmem>>, vector<16xf32>,
        %mul3A_1530 = arith.mulf %get3A_379, %get3A_1529 : vector<16xf32>
        %add3A_1531 = arith.addf %add3A_1522, %mul3A_1530 : vector<16xf32>
        %get3A_1532 = arith.constant 0 : i32
        %get3A_1533 = arith.constant 0 : i32
        %get3A_1534 = tpu.memref_slice %arg13[%and3A_321, %get3A_1532, %get3A_1533] : memref<4x80x128xf32, #tpu.memory_space<vmem>> -> memref<1x80x128xf32, #tpu.memory_space<vmem>>
        %get3A_1535 = tpu.memref_squeeze %get3A_1534 : memref<1x80x128xf32, #tpu.memory_space<vmem>> -> memref<80x128xf32, #tpu.memory_space<vmem>>
        %get3A_1536 = arith.index_cast %add3A_1478 : i32 to index
        %get3A_1537 = arith.constant 96 : index
        %get3A_1538 = tpu.vector_load %get3A_1535[%get3A_1536, %get3A_1537] {strides = array<i32>} : memref<80x128xf32, #tpu.memory_space<vmem>>, vector<16xf32>,
        %mul3A_1539 = arith.mulf %get3A_382, %get3A_1538 : vector<16xf32>
        %add3A_1540 = arith.addf %add3A_1531, %mul3A_1539 : vector<16xf32>
        %get3A_1541 = arith.constant 0 : i32
        %get3A_1542 = arith.constant 0 : i32
        %get3A_1543 = tpu.memref_slice %arg13[%and3A_321, %get3A_1541, %get3A_1542] : memref<4x80x128xf32, #tpu.memory_space<vmem>> -> memref<1x80x128xf32, #tpu.memory_space<vmem>>
        %get3A_1544 = tpu.memref_squeeze %get3A_1543 : memref<1x80x128xf32, #tpu.memory_space<vmem>> -> memref<80x128xf32, #tpu.memory_space<vmem>>
        %get3A_1545 = arith.index_cast %add3A_1478 : i32 to index
        %get3A_1546 = arith.constant 112 : index
        %get3A_1547 = tpu.vector_load %get3A_1544[%get3A_1545, %get3A_1546] {strides = array<i32>} : memref<80x128xf32, #tpu.memory_space<vmem>>, vector<16xf32>,
        %mul3A_1548 = arith.mulf %get3A_385, %get3A_1547 : vector<16xf32>
        %add3A_1549 = arith.addf %add3A_1540, %mul3A_1548 : vector<16xf32>
        %mul3A_1550 = arith.constant 20 : i32
        %mul3A_1551 = arith.muli %scan3A_359, %mul3A_1550 : i32
        %add3A_1552 = arith.constant 15 : i32
        %add3A_1553 = arith.addi %mul3A_1551, %add3A_1552 : i32
        %get3A_1554 = arith.constant 0 : i32
        %get3A_1555 = arith.constant 0 : i32
        %get3A_1556 = tpu.memref_slice %arg13[%and3A_321, %get3A_1554, %get3A_1555] : memref<4x80x128xf32, #tpu.memory_space<vmem>> -> memref<1x80x128xf32, #tpu.memory_space<vmem>>
        %get3A_1557 = tpu.memref_squeeze %get3A_1556 : memref<1x80x128xf32, #tpu.memory_space<vmem>> -> memref<80x128xf32, #tpu.memory_space<vmem>>
        %get3A_1558 = arith.index_cast %add3A_1553 : i32 to index
        %get3A_1559 = arith.constant 0 : index
        %get3A_1560 = tpu.vector_load %get3A_1557[%get3A_1558, %get3A_1559] {strides = array<i32>} : memref<80x128xf32, #tpu.memory_space<vmem>>, vector<16xf32>,
        %mul3A_1561 = arith.mulf %get3A_364, %get3A_1560 : vector<16xf32>
        %get3A_1562 = arith.constant 0 : i32
        %get3A_1563 = arith.constant 0 : i32
        %get3A_1564 = tpu.memref_slice %arg13[%and3A_321, %get3A_1562, %get3A_1563] : memref<4x80x128xf32, #tpu.memory_space<vmem>> -> memref<1x80x128xf32, #tpu.memory_space<vmem>>
        %get3A_1565 = tpu.memref_squeeze %get3A_1564 : memref<1x80x128xf32, #tpu.memory_space<vmem>> -> memref<80x128xf32, #tpu.memory_space<vmem>>
        %get3A_1566 = arith.index_cast %add3A_1553 : i32 to index
        %get3A_1567 = arith.constant 16 : index
        %get3A_1568 = tpu.vector_load %get3A_1565[%get3A_1566, %get3A_1567] {strides = array<i32>} : memref<80x128xf32, #tpu.memory_space<vmem>>, vector<16xf32>,
        %mul3A_1569 = arith.mulf %get3A_367, %get3A_1568 : vector<16xf32>
        %add3A_1570 = arith.addf %mul3A_1561, %mul3A_1569 : vector<16xf32>
        %get3A_1571 = arith.constant 0 : i32
        %get3A_1572 = arith.constant 0 : i32
        %get3A_1573 = tpu.memref_slice %arg13[%and3A_321, %get3A_1571, %get3A_1572] : memref<4x80x128xf32, #tpu.memory_space<vmem>> -> memref<1x80x128xf32, #tpu.memory_space<vmem>>
        %get3A_1574 = tpu.memref_squeeze %get3A_1573 : memref<1x80x128xf32, #tpu.memory_space<vmem>> -> memref<80x128xf32, #tpu.memory_space<vmem>>
        %get3A_1575 = arith.index_cast %add3A_1553 : i32 to index
        %get3A_1576 = arith.constant 32 : index
        %get3A_1577 = tpu.vector_load %get3A_1574[%get3A_1575, %get3A_1576] {strides = array<i32>} : memref<80x128xf32, #tpu.memory_space<vmem>>, vector<16xf32>,
        %mul3A_1578 = arith.mulf %get3A_370, %get3A_1577 : vector<16xf32>
        %add3A_1579 = arith.addf %add3A_1570, %mul3A_1578 : vector<16xf32>
        %get3A_1580 = arith.constant 0 : i32
        %get3A_1581 = arith.constant 0 : i32
        %get3A_1582 = tpu.memref_slice %arg13[%and3A_321, %get3A_1580, %get3A_1581] : memref<4x80x128xf32, #tpu.memory_space<vmem>> -> memref<1x80x128xf32, #tpu.memory_space<vmem>>
        %get3A_1583 = tpu.memref_squeeze %get3A_1582 : memref<1x80x128xf32, #tpu.memory_space<vmem>> -> memref<80x128xf32, #tpu.memory_space<vmem>>
        %get3A_1584 = arith.index_cast %add3A_1553 : i32 to index
        %get3A_1585 = arith.constant 48 : index
        %get3A_1586 = tpu.vector_load %get3A_1583[%get3A_1584, %get3A_1585] {strides = array<i32>} : memref<80x128xf32, #tpu.memory_space<vmem>>, vector<16xf32>,
        %mul3A_1587 = arith.mulf %get3A_373, %get3A_1586 : vector<16xf32>
        %add3A_1588 = arith.addf %add3A_1579, %mul3A_1587 : vector<16xf32>
        %get3A_1589 = arith.constant 0 : i32
        %get3A_1590 = arith.constant 0 : i32
        %get3A_1591 = tpu.memref_slice %arg13[%and3A_321, %get3A_1589, %get3A_1590] : memref<4x80x128xf32, #tpu.memory_space<vmem>> -> memref<1x80x128xf32, #tpu.memory_space<vmem>>
        %get3A_1592 = tpu.memref_squeeze %get3A_1591 : memref<1x80x128xf32, #tpu.memory_space<vmem>> -> memref<80x128xf32, #tpu.memory_space<vmem>>
        %get3A_1593 = arith.index_cast %add3A_1553 : i32 to index
        %get3A_1594 = arith.constant 64 : index
        %get3A_1595 = tpu.vector_load %get3A_1592[%get3A_1593, %get3A_1594] {strides = array<i32>} : memref<80x128xf32, #tpu.memory_space<vmem>>, vector<16xf32>,
        %mul3A_1596 = arith.mulf %get3A_376, %get3A_1595 : vector<16xf32>
        %add3A_1597 = arith.addf %add3A_1588, %mul3A_1596 : vector<16xf32>
        %get3A_1598 = arith.constant 0 : i32
        %get3A_1599 = arith.constant 0 : i32
        %get3A_1600 = tpu.memref_slice %arg13[%and3A_321, %get3A_1598, %get3A_1599] : memref<4x80x128xf32, #tpu.memory_space<vmem>> -> memref<1x80x128xf32, #tpu.memory_space<vmem>>
        %get3A_1601 = tpu.memref_squeeze %get3A_1600 : memref<1x80x128xf32, #tpu.memory_space<vmem>> -> memref<80x128xf32, #tpu.memory_space<vmem>>
        %get3A_1602 = arith.index_cast %add3A_1553 : i32 to index
        %get3A_1603 = arith.constant 80 : index
        %get3A_1604 = tpu.vector_load %get3A_1601[%get3A_1602, %get3A_1603] {strides = array<i32>} : memref<80x128xf32, #tpu.memory_space<vmem>>, vector<16xf32>,
        %mul3A_1605 = arith.mulf %get3A_379, %get3A_1604 : vector<16xf32>
        %add3A_1606 = arith.addf %add3A_1597, %mul3A_1605 : vector<16xf32>
        %get3A_1607 = arith.constant 0 : i32
        %get3A_1608 = arith.constant 0 : i32
        %get3A_1609 = tpu.memref_slice %arg13[%and3A_321, %get3A_1607, %get3A_1608] : memref<4x80x128xf32, #tpu.memory_space<vmem>> -> memref<1x80x128xf32, #tpu.memory_space<vmem>>
        %get3A_1610 = tpu.memref_squeeze %get3A_1609 : memref<1x80x128xf32, #tpu.memory_space<vmem>> -> memref<80x128xf32, #tpu.memory_space<vmem>>
        %get3A_1611 = arith.index_cast %add3A_1553 : i32 to index
        %get3A_1612 = arith.constant 96 : index
        %get3A_1613 = tpu.vector_load %get3A_1610[%get3A_1611, %get3A_1612] {strides = array<i32>} : memref<80x128xf32, #tpu.memory_space<vmem>>, vector<16xf32>,
        %mul3A_1614 = arith.mulf %get3A_382, %get3A_1613 : vector<16xf32>
        %add3A_1615 = arith.addf %add3A_1606, %mul3A_1614 : vector<16xf32>
        %get3A_1616 = arith.constant 0 : i32
        %get3A_1617 = arith.constant 0 : i32
        %get3A_1618 = tpu.memref_slice %arg13[%and3A_321, %get3A_1616, %get3A_1617] : memref<4x80x128xf32, #tpu.memory_space<vmem>> -> memref<1x80x128xf32, #tpu.memory_space<vmem>>
        %get3A_1619 = tpu.memref_squeeze %get3A_1618 : memref<1x80x128xf32, #tpu.memory_space<vmem>> -> memref<80x128xf32, #tpu.memory_space<vmem>>
        %get3A_1620 = arith.index_cast %add3A_1553 : i32 to index
        %get3A_1621 = arith.constant 112 : index
        %get3A_1622 = tpu.vector_load %get3A_1619[%get3A_1620, %get3A_1621] {strides = array<i32>} : memref<80x128xf32, #tpu.memory_space<vmem>>, vector<16xf32>,
        %mul3A_1623 = arith.mulf %get3A_385, %get3A_1622 : vector<16xf32>
        %add3A_1624 = arith.addf %add3A_1615, %mul3A_1623 : vector<16xf32>
        %mul3A_1625 = arith.constant 20 : i32
        %mul3A_1626 = arith.muli %scan3A_359, %mul3A_1625 : i32
        %add3A_1627 = arith.constant 16 : i32
        %add3A_1628 = arith.addi %mul3A_1626, %add3A_1627 : i32
        %get3A_1629 = arith.constant 0 : i32
        %get3A_1630 = arith.constant 0 : i32
        %get3A_1631 = tpu.memref_slice %arg13[%and3A_321, %get3A_1629, %get3A_1630] : memref<4x80x128xf32, #tpu.memory_space<vmem>> -> memref<1x80x128xf32, #tpu.memory_space<vmem>>
        %get3A_1632 = tpu.memref_squeeze %get3A_1631 : memref<1x80x128xf32, #tpu.memory_space<vmem>> -> memref<80x128xf32, #tpu.memory_space<vmem>>
        %get3A_1633 = arith.index_cast %add3A_1628 : i32 to index
        %get3A_1634 = arith.constant 0 : index
        %get3A_1635 = tpu.vector_load %get3A_1632[%get3A_1633, %get3A_1634] {strides = array<i32>} : memref<80x128xf32, #tpu.memory_space<vmem>>, vector<16xf32>,
        %mul3A_1636 = arith.mulf %get3A_364, %get3A_1635 : vector<16xf32>
        %get3A_1637 = arith.constant 0 : i32
        %get3A_1638 = arith.constant 0 : i32
        %get3A_1639 = tpu.memref_slice %arg13[%and3A_321, %get3A_1637, %get3A_1638] : memref<4x80x128xf32, #tpu.memory_space<vmem>> -> memref<1x80x128xf32, #tpu.memory_space<vmem>>
        %get3A_1640 = tpu.memref_squeeze %get3A_1639 : memref<1x80x128xf32, #tpu.memory_space<vmem>> -> memref<80x128xf32, #tpu.memory_space<vmem>>
        %get3A_1641 = arith.index_cast %add3A_1628 : i32 to index
        %get3A_1642 = arith.constant 16 : index
        %get3A_1643 = tpu.vector_load %get3A_1640[%get3A_1641, %get3A_1642] {strides = array<i32>} : memref<80x128xf32, #tpu.memory_space<vmem>>, vector<16xf32>,
        %mul3A_1644 = arith.mulf %get3A_367, %get3A_1643 : vector<16xf32>
        %add3A_1645 = arith.addf %mul3A_1636, %mul3A_1644 : vector<16xf32>
        %get3A_1646 = arith.constant 0 : i32
        %get3A_1647 = arith.constant 0 : i32
        %get3A_1648 = tpu.memref_slice %arg13[%and3A_321, %get3A_1646, %get3A_1647] : memref<4x80x128xf32, #tpu.memory_space<vmem>> -> memref<1x80x128xf32, #tpu.memory_space<vmem>>
        %get3A_1649 = tpu.memref_squeeze %get3A_1648 : memref<1x80x128xf32, #tpu.memory_space<vmem>> -> memref<80x128xf32, #tpu.memory_space<vmem>>
        %get3A_1650 = arith.index_cast %add3A_1628 : i32 to index
        %get3A_1651 = arith.constant 32 : index
        %get3A_1652 = tpu.vector_load %get3A_1649[%get3A_1650, %get3A_1651] {strides = array<i32>} : memref<80x128xf32, #tpu.memory_space<vmem>>, vector<16xf32>,
        %mul3A_1653 = arith.mulf %get3A_370, %get3A_1652 : vector<16xf32>
        %add3A_1654 = arith.addf %add3A_1645, %mul3A_1653 : vector<16xf32>
        %get3A_1655 = arith.constant 0 : i32
        %get3A_1656 = arith.constant 0 : i32
        %get3A_1657 = tpu.memref_slice %arg13[%and3A_321, %get3A_1655, %get3A_1656] : memref<4x80x128xf32, #tpu.memory_space<vmem>> -> memref<1x80x128xf32, #tpu.memory_space<vmem>>
        %get3A_1658 = tpu.memref_squeeze %get3A_1657 : memref<1x80x128xf32, #tpu.memory_space<vmem>> -> memref<80x128xf32, #tpu.memory_space<vmem>>
        %get3A_1659 = arith.index_cast %add3A_1628 : i32 to index
        %get3A_1660 = arith.constant 48 : index
        %get3A_1661 = tpu.vector_load %get3A_1658[%get3A_1659, %get3A_1660] {strides = array<i32>} : memref<80x128xf32, #tpu.memory_space<vmem>>, vector<16xf32>,
        %mul3A_1662 = arith.mulf %get3A_373, %get3A_1661 : vector<16xf32>
        %add3A_1663 = arith.addf %add3A_1654, %mul3A_1662 : vector<16xf32>
        %get3A_1664 = arith.constant 0 : i32
        %get3A_1665 = arith.constant 0 : i32
        %get3A_1666 = tpu.memref_slice %arg13[%and3A_321, %get3A_1664, %get3A_1665] : memref<4x80x128xf32, #tpu.memory_space<vmem>> -> memref<1x80x128xf32, #tpu.memory_space<vmem>>
        %get3A_1667 = tpu.memref_squeeze %get3A_1666 : memref<1x80x128xf32, #tpu.memory_space<vmem>> -> memref<80x128xf32, #tpu.memory_space<vmem>>
        %get3A_1668 = arith.index_cast %add3A_1628 : i32 to index
        %get3A_1669 = arith.constant 64 : index
        %get3A_1670 = tpu.vector_load %get3A_1667[%get3A_1668, %get3A_1669] {strides = array<i32>} : memref<80x128xf32, #tpu.memory_space<vmem>>, vector<16xf32>,
        %mul3A_1671 = arith.mulf %get3A_376, %get3A_1670 : vector<16xf32>
        %add3A_1672 = arith.addf %add3A_1663, %mul3A_1671 : vector<16xf32>
        %get3A_1673 = arith.constant 0 : i32
        %get3A_1674 = arith.constant 0 : i32
        %get3A_1675 = tpu.memref_slice %arg13[%and3A_321, %get3A_1673, %get3A_1674] : memref<4x80x128xf32, #tpu.memory_space<vmem>> -> memref<1x80x128xf32, #tpu.memory_space<vmem>>
        %get3A_1676 = tpu.memref_squeeze %get3A_1675 : memref<1x80x128xf32, #tpu.memory_space<vmem>> -> memref<80x128xf32, #tpu.memory_space<vmem>>
        %get3A_1677 = arith.index_cast %add3A_1628 : i32 to index
        %get3A_1678 = arith.constant 80 : index
        %get3A_1679 = tpu.vector_load %get3A_1676[%get3A_1677, %get3A_1678] {strides = array<i32>} : memref<80x128xf32, #tpu.memory_space<vmem>>, vector<16xf32>,
        %mul3A_1680 = arith.mulf %get3A_379, %get3A_1679 : vector<16xf32>
        %add3A_1681 = arith.addf %add3A_1672, %mul3A_1680 : vector<16xf32>
        %get3A_1682 = arith.constant 0 : i32
        %get3A_1683 = arith.constant 0 : i32
        %get3A_1684 = tpu.memref_slice %arg13[%and3A_321, %get3A_1682, %get3A_1683] : memref<4x80x128xf32, #tpu.memory_space<vmem>> -> memref<1x80x128xf32, #tpu.memory_space<vmem>>
        %get3A_1685 = tpu.memref_squeeze %get3A_1684 : memref<1x80x128xf32, #tpu.memory_space<vmem>> -> memref<80x128xf32, #tpu.memory_space<vmem>>
        %get3A_1686 = arith.index_cast %add3A_1628 : i32 to index
        %get3A_1687 = arith.constant 96 : index
        %get3A_1688 = tpu.vector_load %get3A_1685[%get3A_1686, %get3A_1687] {strides = array<i32>} : memref<80x128xf32, #tpu.memory_space<vmem>>, vector<16xf32>,
        %mul3A_1689 = arith.mulf %get3A_382, %get3A_1688 : vector<16xf32>
        %add3A_1690 = arith.addf %add3A_1681, %mul3A_1689 : vector<16xf32>
        %get3A_1691 = arith.constant 0 : i32
        %get3A_1692 = arith.constant 0 : i32
        %get3A_1693 = tpu.memref_slice %arg13[%and3A_321, %get3A_1691, %get3A_1692] : memref<4x80x128xf32, #tpu.memory_space<vmem>> -> memref<1x80x128xf32, #tpu.memory_space<vmem>>
        %get3A_1694 = tpu.memref_squeeze %get3A_1693 : memref<1x80x128xf32, #tpu.memory_space<vmem>> -> memref<80x128xf32, #tpu.memory_space<vmem>>
        %get3A_1695 = arith.index_cast %add3A_1628 : i32 to index
        %get3A_1696 = arith.constant 112 : index
        %get3A_1697 = tpu.vector_load %get3A_1694[%get3A_1695, %get3A_1696] {strides = array<i32>} : memref<80x128xf32, #tpu.memory_space<vmem>>, vector<16xf32>,
        %mul3A_1698 = arith.mulf %get3A_385, %get3A_1697 : vector<16xf32>
        %add3A_1699 = arith.addf %add3A_1690, %mul3A_1698 : vector<16xf32>
        %mul3A_1700 = arith.constant 20 : i32
        %mul3A_1701 = arith.muli %scan3A_359, %mul3A_1700 : i32
        %add3A_1702 = arith.constant 17 : i32
        %add3A_1703 = arith.addi %mul3A_1701, %add3A_1702 : i32
        %get3A_1704 = arith.constant 0 : i32
        %get3A_1705 = arith.constant 0 : i32
        %get3A_1706 = tpu.memref_slice %arg13[%and3A_321, %get3A_1704, %get3A_1705] : memref<4x80x128xf32, #tpu.memory_space<vmem>> -> memref<1x80x128xf32, #tpu.memory_space<vmem>>
        %get3A_1707 = tpu.memref_squeeze %get3A_1706 : memref<1x80x128xf32, #tpu.memory_space<vmem>> -> memref<80x128xf32, #tpu.memory_space<vmem>>
        %get3A_1708 = arith.index_cast %add3A_1703 : i32 to index
        %get3A_1709 = arith.constant 0 : index
        %get3A_1710 = tpu.vector_load %get3A_1707[%get3A_1708, %get3A_1709] {strides = array<i32>} : memref<80x128xf32, #tpu.memory_space<vmem>>, vector<16xf32>,
        %mul3A_1711 = arith.mulf %get3A_364, %get3A_1710 : vector<16xf32>
        %get3A_1712 = arith.constant 0 : i32
        %get3A_1713 = arith.constant 0 : i32
        %get3A_1714 = tpu.memref_slice %arg13[%and3A_321, %get3A_1712, %get3A_1713] : memref<4x80x128xf32, #tpu.memory_space<vmem>> -> memref<1x80x128xf32, #tpu.memory_space<vmem>>
        %get3A_1715 = tpu.memref_squeeze %get3A_1714 : memref<1x80x128xf32, #tpu.memory_space<vmem>> -> memref<80x128xf32, #tpu.memory_space<vmem>>
        %get3A_1716 = arith.index_cast %add3A_1703 : i32 to index
        %get3A_1717 = arith.constant 16 : index
        %get3A_1718 = tpu.vector_load %get3A_1715[%get3A_1716, %get3A_1717] {strides = array<i32>} : memref<80x128xf32, #tpu.memory_space<vmem>>, vector<16xf32>,
        %mul3A_1719 = arith.mulf %get3A_367, %get3A_1718 : vector<16xf32>
        %add3A_1720 = arith.addf %mul3A_1711, %mul3A_1719 : vector<16xf32>
        %get3A_1721 = arith.constant 0 : i32
        %get3A_1722 = arith.constant 0 : i32
        %get3A_1723 = tpu.memref_slice %arg13[%and3A_321, %get3A_1721, %get3A_1722] : memref<4x80x128xf32, #tpu.memory_space<vmem>> -> memref<1x80x128xf32, #tpu.memory_space<vmem>>
        %get3A_1724 = tpu.memref_squeeze %get3A_1723 : memref<1x80x128xf32, #tpu.memory_space<vmem>> -> memref<80x128xf32, #tpu.memory_space<vmem>>
        %get3A_1725 = arith.index_cast %add3A_1703 : i32 to index
        %get3A_1726 = arith.constant 32 : index
        %get3A_1727 = tpu.vector_load %get3A_1724[%get3A_1725, %get3A_1726] {strides = array<i32>} : memref<80x128xf32, #tpu.memory_space<vmem>>, vector<16xf32>,
        %mul3A_1728 = arith.mulf %get3A_370, %get3A_1727 : vector<16xf32>
        %add3A_1729 = arith.addf %add3A_1720, %mul3A_1728 : vector<16xf32>
        %get3A_1730 = arith.constant 0 : i32
        %get3A_1731 = arith.constant 0 : i32
        %get3A_1732 = tpu.memref_slice %arg13[%and3A_321, %get3A_1730, %get3A_1731] : memref<4x80x128xf32, #tpu.memory_space<vmem>> -> memref<1x80x128xf32, #tpu.memory_space<vmem>>
        %get3A_1733 = tpu.memref_squeeze %get3A_1732 : memref<1x80x128xf32, #tpu.memory_space<vmem>> -> memref<80x128xf32, #tpu.memory_space<vmem>>
        %get3A_1734 = arith.index_cast %add3A_1703 : i32 to index
        %get3A_1735 = arith.constant 48 : index
        %get3A_1736 = tpu.vector_load %get3A_1733[%get3A_1734, %get3A_1735] {strides = array<i32>} : memref<80x128xf32, #tpu.memory_space<vmem>>, vector<16xf32>,
        %mul3A_1737 = arith.mulf %get3A_373, %get3A_1736 : vector<16xf32>
        %add3A_1738 = arith.addf %add3A_1729, %mul3A_1737 : vector<16xf32>
        %get3A_1739 = arith.constant 0 : i32
        %get3A_1740 = arith.constant 0 : i32
        %get3A_1741 = tpu.memref_slice %arg13[%and3A_321, %get3A_1739, %get3A_1740] : memref<4x80x128xf32, #tpu.memory_space<vmem>> -> memref<1x80x128xf32, #tpu.memory_space<vmem>>
        %get3A_1742 = tpu.memref_squeeze %get3A_1741 : memref<1x80x128xf32, #tpu.memory_space<vmem>> -> memref<80x128xf32, #tpu.memory_space<vmem>>
        %get3A_1743 = arith.index_cast %add3A_1703 : i32 to index
        %get3A_1744 = arith.constant 64 : index
        %get3A_1745 = tpu.vector_load %get3A_1742[%get3A_1743, %get3A_1744] {strides = array<i32>} : memref<80x128xf32, #tpu.memory_space<vmem>>, vector<16xf32>,
        %mul3A_1746 = arith.mulf %get3A_376, %get3A_1745 : vector<16xf32>
        %add3A_1747 = arith.addf %add3A_1738, %mul3A_1746 : vector<16xf32>
        %get3A_1748 = arith.constant 0 : i32
        %get3A_1749 = arith.constant 0 : i32
        %get3A_1750 = tpu.memref_slice %arg13[%and3A_321, %get3A_1748, %get3A_1749] : memref<4x80x128xf32, #tpu.memory_space<vmem>> -> memref<1x80x128xf32, #tpu.memory_space<vmem>>
        %get3A_1751 = tpu.memref_squeeze %get3A_1750 : memref<1x80x128xf32, #tpu.memory_space<vmem>> -> memref<80x128xf32, #tpu.memory_space<vmem>>
        %get3A_1752 = arith.index_cast %add3A_1703 : i32 to index
        %get3A_1753 = arith.constant 80 : index
        %get3A_1754 = tpu.vector_load %get3A_1751[%get3A_1752, %get3A_1753] {strides = array<i32>} : memref<80x128xf32, #tpu.memory_space<vmem>>, vector<16xf32>,
        %mul3A_1755 = arith.mulf %get3A_379, %get3A_1754 : vector<16xf32>
        %add3A_1756 = arith.addf %add3A_1747, %mul3A_1755 : vector<16xf32>
        %get3A_1757 = arith.constant 0 : i32
        %get3A_1758 = arith.constant 0 : i32
        %get3A_1759 = tpu.memref_slice %arg13[%and3A_321, %get3A_1757, %get3A_1758] : memref<4x80x128xf32, #tpu.memory_space<vmem>> -> memref<1x80x128xf32, #tpu.memory_space<vmem>>
        %get3A_1760 = tpu.memref_squeeze %get3A_1759 : memref<1x80x128xf32, #tpu.memory_space<vmem>> -> memref<80x128xf32, #tpu.memory_space<vmem>>
        %get3A_1761 = arith.index_cast %add3A_1703 : i32 to index
        %get3A_1762 = arith.constant 96 : index
        %get3A_1763 = tpu.vector_load %get3A_1760[%get3A_1761, %get3A_1762] {strides = array<i32>} : memref<80x128xf32, #tpu.memory_space<vmem>>, vector<16xf32>,
        %mul3A_1764 = arith.mulf %get3A_382, %get3A_1763 : vector<16xf32>
        %add3A_1765 = arith.addf %add3A_1756, %mul3A_1764 : vector<16xf32>
        %get3A_1766 = arith.constant 0 : i32
        %get3A_1767 = arith.constant 0 : i32
        %get3A_1768 = tpu.memref_slice %arg13[%and3A_321, %get3A_1766, %get3A_1767] : memref<4x80x128xf32, #tpu.memory_space<vmem>> -> memref<1x80x128xf32, #tpu.memory_space<vmem>>
        %get3A_1769 = tpu.memref_squeeze %get3A_1768 : memref<1x80x128xf32, #tpu.memory_space<vmem>> -> memref<80x128xf32, #tpu.memory_space<vmem>>
        %get3A_1770 = arith.index_cast %add3A_1703 : i32 to index
        %get3A_1771 = arith.constant 112 : index
        %get3A_1772 = tpu.vector_load %get3A_1769[%get3A_1770, %get3A_1771] {strides = array<i32>} : memref<80x128xf32, #tpu.memory_space<vmem>>, vector<16xf32>,
        %mul3A_1773 = arith.mulf %get3A_385, %get3A_1772 : vector<16xf32>
        %add3A_1774 = arith.addf %add3A_1765, %mul3A_1773 : vector<16xf32>
        %mul3A_1775 = arith.constant 20 : i32
        %mul3A_1776 = arith.muli %scan3A_359, %mul3A_1775 : i32
        %add3A_1777 = arith.constant 18 : i32
        %add3A_1778 = arith.addi %mul3A_1776, %add3A_1777 : i32
        %get3A_1779 = arith.constant 0 : i32
        %get3A_1780 = arith.constant 0 : i32
        %get3A_1781 = tpu.memref_slice %arg13[%and3A_321, %get3A_1779, %get3A_1780] : memref<4x80x128xf32, #tpu.memory_space<vmem>> -> memref<1x80x128xf32, #tpu.memory_space<vmem>>
        %get3A_1782 = tpu.memref_squeeze %get3A_1781 : memref<1x80x128xf32, #tpu.memory_space<vmem>> -> memref<80x128xf32, #tpu.memory_space<vmem>>
        %get3A_1783 = arith.index_cast %add3A_1778 : i32 to index
        %get3A_1784 = arith.constant 0 : index
        %get3A_1785 = tpu.vector_load %get3A_1782[%get3A_1783, %get3A_1784] {strides = array<i32>} : memref<80x128xf32, #tpu.memory_space<vmem>>, vector<16xf32>,
        %mul3A_1786 = arith.mulf %get3A_364, %get3A_1785 : vector<16xf32>
        %get3A_1787 = arith.constant 0 : i32
        %get3A_1788 = arith.constant 0 : i32
        %get3A_1789 = tpu.memref_slice %arg13[%and3A_321, %get3A_1787, %get3A_1788] : memref<4x80x128xf32, #tpu.memory_space<vmem>> -> memref<1x80x128xf32, #tpu.memory_space<vmem>>
        %get3A_1790 = tpu.memref_squeeze %get3A_1789 : memref<1x80x128xf32, #tpu.memory_space<vmem>> -> memref<80x128xf32, #tpu.memory_space<vmem>>
        %get3A_1791 = arith.index_cast %add3A_1778 : i32 to index
        %get3A_1792 = arith.constant 16 : index
        %get3A_1793 = tpu.vector_load %get3A_1790[%get3A_1791, %get3A_1792] {strides = array<i32>} : memref<80x128xf32, #tpu.memory_space<vmem>>, vector<16xf32>,
        %mul3A_1794 = arith.mulf %get3A_367, %get3A_1793 : vector<16xf32>
        %add3A_1795 = arith.addf %mul3A_1786, %mul3A_1794 : vector<16xf32>
        %get3A_1796 = arith.constant 0 : i32
        %get3A_1797 = arith.constant 0 : i32
        %get3A_1798 = tpu.memref_slice %arg13[%and3A_321, %get3A_1796, %get3A_1797] : memref<4x80x128xf32, #tpu.memory_space<vmem>> -> memref<1x80x128xf32, #tpu.memory_space<vmem>>
        %get3A_1799 = tpu.memref_squeeze %get3A_1798 : memref<1x80x128xf32, #tpu.memory_space<vmem>> -> memref<80x128xf32, #tpu.memory_space<vmem>>
        %get3A_1800 = arith.index_cast %add3A_1778 : i32 to index
        %get3A_1801 = arith.constant 32 : index
        %get3A_1802 = tpu.vector_load %get3A_1799[%get3A_1800, %get3A_1801] {strides = array<i32>} : memref<80x128xf32, #tpu.memory_space<vmem>>, vector<16xf32>,
        %mul3A_1803 = arith.mulf %get3A_370, %get3A_1802 : vector<16xf32>
        %add3A_1804 = arith.addf %add3A_1795, %mul3A_1803 : vector<16xf32>
        %get3A_1805 = arith.constant 0 : i32
        %get3A_1806 = arith.constant 0 : i32
        %get3A_1807 = tpu.memref_slice %arg13[%and3A_321, %get3A_1805, %get3A_1806] : memref<4x80x128xf32, #tpu.memory_space<vmem>> -> memref<1x80x128xf32, #tpu.memory_space<vmem>>
        %get3A_1808 = tpu.memref_squeeze %get3A_1807 : memref<1x80x128xf32, #tpu.memory_space<vmem>> -> memref<80x128xf32, #tpu.memory_space<vmem>>
        %get3A_1809 = arith.index_cast %add3A_1778 : i32 to index
        %get3A_1810 = arith.constant 48 : index
        %get3A_1811 = tpu.vector_load %get3A_1808[%get3A_1809, %get3A_1810] {strides = array<i32>} : memref<80x128xf32, #tpu.memory_space<vmem>>, vector<16xf32>,
        %mul3A_1812 = arith.mulf %get3A_373, %get3A_1811 : vector<16xf32>
        %add3A_1813 = arith.addf %add3A_1804, %mul3A_1812 : vector<16xf32>
        %get3A_1814 = arith.constant 0 : i32
        %get3A_1815 = arith.constant 0 : i32
        %get3A_1816 = tpu.memref_slice %arg13[%and3A_321, %get3A_1814, %get3A_1815] : memref<4x80x128xf32, #tpu.memory_space<vmem>> -> memref<1x80x128xf32, #tpu.memory_space<vmem>>
        %get3A_1817 = tpu.memref_squeeze %get3A_1816 : memref<1x80x128xf32, #tpu.memory_space<vmem>> -> memref<80x128xf32, #tpu.memory_space<vmem>>
        %get3A_1818 = arith.index_cast %add3A_1778 : i32 to index
        %get3A_1819 = arith.constant 64 : index
        %get3A_1820 = tpu.vector_load %get3A_1817[%get3A_1818, %get3A_1819] {strides = array<i32>} : memref<80x128xf32, #tpu.memory_space<vmem>>, vector<16xf32>,
        %mul3A_1821 = arith.mulf %get3A_376, %get3A_1820 : vector<16xf32>
        %add3A_1822 = arith.addf %add3A_1813, %mul3A_1821 : vector<16xf32>
        %get3A_1823 = arith.constant 0 : i32
        %get3A_1824 = arith.constant 0 : i32
        %get3A_1825 = tpu.memref_slice %arg13[%and3A_321, %get3A_1823, %get3A_1824] : memref<4x80x128xf32, #tpu.memory_space<vmem>> -> memref<1x80x128xf32, #tpu.memory_space<vmem>>
        %get3A_1826 = tpu.memref_squeeze %get3A_1825 : memref<1x80x128xf32, #tpu.memory_space<vmem>> -> memref<80x128xf32, #tpu.memory_space<vmem>>
        %get3A_1827 = arith.index_cast %add3A_1778 : i32 to index
        %get3A_1828 = arith.constant 80 : index
        %get3A_1829 = tpu.vector_load %get3A_1826[%get3A_1827, %get3A_1828] {strides = array<i32>} : memref<80x128xf32, #tpu.memory_space<vmem>>, vector<16xf32>,
        %mul3A_1830 = arith.mulf %get3A_379, %get3A_1829 : vector<16xf32>
        %add3A_1831 = arith.addf %add3A_1822, %mul3A_1830 : vector<16xf32>
        %get3A_1832 = arith.constant 0 : i32
        %get3A_1833 = arith.constant 0 : i32
        %get3A_1834 = tpu.memref_slice %arg13[%and3A_321, %get3A_1832, %get3A_1833] : memref<4x80x128xf32, #tpu.memory_space<vmem>> -> memref<1x80x128xf32, #tpu.memory_space<vmem>>
        %get3A_1835 = tpu.memref_squeeze %get3A_1834 : memref<1x80x128xf32, #tpu.memory_space<vmem>> -> memref<80x128xf32, #tpu.memory_space<vmem>>
        %get3A_1836 = arith.index_cast %add3A_1778 : i32 to index
        %get3A_1837 = arith.constant 96 : index
        %get3A_1838 = tpu.vector_load %get3A_1835[%get3A_1836, %get3A_1837] {strides = array<i32>} : memref<80x128xf32, #tpu.memory_space<vmem>>, vector<16xf32>,
        %mul3A_1839 = arith.mulf %get3A_382, %get3A_1838 : vector<16xf32>
        %add3A_1840 = arith.addf %add3A_1831, %mul3A_1839 : vector<16xf32>
        %get3A_1841 = arith.constant 0 : i32
        %get3A_1842 = arith.constant 0 : i32
        %get3A_1843 = tpu.memref_slice %arg13[%and3A_321, %get3A_1841, %get3A_1842] : memref<4x80x128xf32, #tpu.memory_space<vmem>> -> memref<1x80x128xf32, #tpu.memory_space<vmem>>
        %get3A_1844 = tpu.memref_squeeze %get3A_1843 : memref<1x80x128xf32, #tpu.memory_space<vmem>> -> memref<80x128xf32, #tpu.memory_space<vmem>>
        %get3A_1845 = arith.index_cast %add3A_1778 : i32 to index
        %get3A_1846 = arith.constant 112 : index
        %get3A_1847 = tpu.vector_load %get3A_1844[%get3A_1845, %get3A_1846] {strides = array<i32>} : memref<80x128xf32, #tpu.memory_space<vmem>>, vector<16xf32>,
        %mul3A_1848 = arith.mulf %get3A_385, %get3A_1847 : vector<16xf32>
        %add3A_1849 = arith.addf %add3A_1840, %mul3A_1848 : vector<16xf32>
        %mul3A_1850 = arith.constant 20 : i32
        %mul3A_1851 = arith.muli %scan3A_359, %mul3A_1850 : i32
        %add3A_1852 = arith.constant 19 : i32
        %add3A_1853 = arith.addi %mul3A_1851, %add3A_1852 : i32
        %get3A_1854 = arith.constant 0 : i32
        %get3A_1855 = arith.constant 0 : i32
        %get3A_1856 = tpu.memref_slice %arg13[%and3A_321, %get3A_1854, %get3A_1855] : memref<4x80x128xf32, #tpu.memory_space<vmem>> -> memref<1x80x128xf32, #tpu.memory_space<vmem>>
        %get3A_1857 = tpu.memref_squeeze %get3A_1856 : memref<1x80x128xf32, #tpu.memory_space<vmem>> -> memref<80x128xf32, #tpu.memory_space<vmem>>
        %get3A_1858 = arith.index_cast %add3A_1853 : i32 to index
        %get3A_1859 = arith.constant 0 : index
        %get3A_1860 = tpu.vector_load %get3A_1857[%get3A_1858, %get3A_1859] {strides = array<i32>} : memref<80x128xf32, #tpu.memory_space<vmem>>, vector<16xf32>,
        %mul3A_1861 = arith.mulf %get3A_364, %get3A_1860 : vector<16xf32>
        %get3A_1862 = arith.constant 0 : i32
        %get3A_1863 = arith.constant 0 : i32
        %get3A_1864 = tpu.memref_slice %arg13[%and3A_321, %get3A_1862, %get3A_1863] : memref<4x80x128xf32, #tpu.memory_space<vmem>> -> memref<1x80x128xf32, #tpu.memory_space<vmem>>
        %get3A_1865 = tpu.memref_squeeze %get3A_1864 : memref<1x80x128xf32, #tpu.memory_space<vmem>> -> memref<80x128xf32, #tpu.memory_space<vmem>>
        %get3A_1866 = arith.index_cast %add3A_1853 : i32 to index
        %get3A_1867 = arith.constant 16 : index
        %get3A_1868 = tpu.vector_load %get3A_1865[%get3A_1866, %get3A_1867] {strides = array<i32>} : memref<80x128xf32, #tpu.memory_space<vmem>>, vector<16xf32>,
        %mul3A_1869 = arith.mulf %get3A_367, %get3A_1868 : vector<16xf32>
        %add3A_1870 = arith.addf %mul3A_1861, %mul3A_1869 : vector<16xf32>
        %get3A_1871 = arith.constant 0 : i32
        %get3A_1872 = arith.constant 0 : i32
        %get3A_1873 = tpu.memref_slice %arg13[%and3A_321, %get3A_1871, %get3A_1872] : memref<4x80x128xf32, #tpu.memory_space<vmem>> -> memref<1x80x128xf32, #tpu.memory_space<vmem>>
        %get3A_1874 = tpu.memref_squeeze %get3A_1873 : memref<1x80x128xf32, #tpu.memory_space<vmem>> -> memref<80x128xf32, #tpu.memory_space<vmem>>
        %get3A_1875 = arith.index_cast %add3A_1853 : i32 to index
        %get3A_1876 = arith.constant 32 : index
        %get3A_1877 = tpu.vector_load %get3A_1874[%get3A_1875, %get3A_1876] {strides = array<i32>} : memref<80x128xf32, #tpu.memory_space<vmem>>, vector<16xf32>,
        %mul3A_1878 = arith.mulf %get3A_370, %get3A_1877 : vector<16xf32>
        %add3A_1879 = arith.addf %add3A_1870, %mul3A_1878 : vector<16xf32>
        %get3A_1880 = arith.constant 0 : i32
        %get3A_1881 = arith.constant 0 : i32
        %get3A_1882 = tpu.memref_slice %arg13[%and3A_321, %get3A_1880, %get3A_1881] : memref<4x80x128xf32, #tpu.memory_space<vmem>> -> memref<1x80x128xf32, #tpu.memory_space<vmem>>
        %get3A_1883 = tpu.memref_squeeze %get3A_1882 : memref<1x80x128xf32, #tpu.memory_space<vmem>> -> memref<80x128xf32, #tpu.memory_space<vmem>>
        %get3A_1884 = arith.index_cast %add3A_1853 : i32 to index
        %get3A_1885 = arith.constant 48 : index
        %get3A_1886 = tpu.vector_load %get3A_1883[%get3A_1884, %get3A_1885] {strides = array<i32>} : memref<80x128xf32, #tpu.memory_space<vmem>>, vector<16xf32>,
        %mul3A_1887 = arith.mulf %get3A_373, %get3A_1886 : vector<16xf32>
        %add3A_1888 = arith.addf %add3A_1879, %mul3A_1887 : vector<16xf32>
        %get3A_1889 = arith.constant 0 : i32
        %get3A_1890 = arith.constant 0 : i32
        %get3A_1891 = tpu.memref_slice %arg13[%and3A_321, %get3A_1889, %get3A_1890] : memref<4x80x128xf32, #tpu.memory_space<vmem>> -> memref<1x80x128xf32, #tpu.memory_space<vmem>>
        %get3A_1892 = tpu.memref_squeeze %get3A_1891 : memref<1x80x128xf32, #tpu.memory_space<vmem>> -> memref<80x128xf32, #tpu.memory_space<vmem>>
        %get3A_1893 = arith.index_cast %add3A_1853 : i32 to index
        %get3A_1894 = arith.constant 64 : index
        %get3A_1895 = tpu.vector_load %get3A_1892[%get3A_1893, %get3A_1894] {strides = array<i32>} : memref<80x128xf32, #tpu.memory_space<vmem>>, vector<16xf32>,
        %mul3A_1896 = arith.mulf %get3A_376, %get3A_1895 : vector<16xf32>
        %add3A_1897 = arith.addf %add3A_1888, %mul3A_1896 : vector<16xf32>
        %get3A_1898 = arith.constant 0 : i32
        %get3A_1899 = arith.constant 0 : i32
        %get3A_1900 = tpu.memref_slice %arg13[%and3A_321, %get3A_1898, %get3A_1899] : memref<4x80x128xf32, #tpu.memory_space<vmem>> -> memref<1x80x128xf32, #tpu.memory_space<vmem>>
        %get3A_1901 = tpu.memref_squeeze %get3A_1900 : memref<1x80x128xf32, #tpu.memory_space<vmem>> -> memref<80x128xf32, #tpu.memory_space<vmem>>
        %get3A_1902 = arith.index_cast %add3A_1853 : i32 to index
        %get3A_1903 = arith.constant 80 : index
        %get3A_1904 = tpu.vector_load %get3A_1901[%get3A_1902, %get3A_1903] {strides = array<i32>} : memref<80x128xf32, #tpu.memory_space<vmem>>, vector<16xf32>,
        %mul3A_1905 = arith.mulf %get3A_379, %get3A_1904 : vector<16xf32>
        %add3A_1906 = arith.addf %add3A_1897, %mul3A_1905 : vector<16xf32>
        %get3A_1907 = arith.constant 0 : i32
        %get3A_1908 = arith.constant 0 : i32
        %get3A_1909 = tpu.memref_slice %arg13[%and3A_321, %get3A_1907, %get3A_1908] : memref<4x80x128xf32, #tpu.memory_space<vmem>> -> memref<1x80x128xf32, #tpu.memory_space<vmem>>
        %get3A_1910 = tpu.memref_squeeze %get3A_1909 : memref<1x80x128xf32, #tpu.memory_space<vmem>> -> memref<80x128xf32, #tpu.memory_space<vmem>>
        %get3A_1911 = arith.index_cast %add3A_1853 : i32 to index
        %get3A_1912 = arith.constant 96 : index
        %get3A_1913 = tpu.vector_load %get3A_1910[%get3A_1911, %get3A_1912] {strides = array<i32>} : memref<80x128xf32, #tpu.memory_space<vmem>>, vector<16xf32>,
        %mul3A_1914 = arith.mulf %get3A_382, %get3A_1913 : vector<16xf32>
        %add3A_1915 = arith.addf %add3A_1906, %mul3A_1914 : vector<16xf32>
        %get3A_1916 = arith.constant 0 : i32
        %get3A_1917 = arith.constant 0 : i32
        %get3A_1918 = tpu.memref_slice %arg13[%and3A_321, %get3A_1916, %get3A_1917] : memref<4x80x128xf32, #tpu.memory_space<vmem>> -> memref<1x80x128xf32, #tpu.memory_space<vmem>>
        %get3A_1919 = tpu.memref_squeeze %get3A_1918 : memref<1x80x128xf32, #tpu.memory_space<vmem>> -> memref<80x128xf32, #tpu.memory_space<vmem>>
        %get3A_1920 = arith.index_cast %add3A_1853 : i32 to index
        %get3A_1921 = arith.constant 112 : index
        %get3A_1922 = tpu.vector_load %get3A_1919[%get3A_1920, %get3A_1921] {strides = array<i32>} : memref<80x128xf32, #tpu.memory_space<vmem>>, vector<16xf32>,
        %mul3A_1923 = arith.mulf %get3A_385, %get3A_1922 : vector<16xf32>
        %add3A_1924 = arith.addf %add3A_1915, %mul3A_1923 : vector<16xf32>
        %xor3A = arith.constant 1 : i32
        %xor3A_1925 = vector.broadcast %xor3A : i32 to vector<16xi32>
        %xor3A_1926 = arith.xori %iota3A, %xor3A_1925 : vector<16xi32>
        %lt3A_1927 = arith.constant 0 : i32
        %lt3A_1928 = vector.broadcast %lt3A_1927 : i32 to vector<16xi32>
        %lt3A_1929 = arith.cmpi slt, %xor3A_1926, %lt3A_1928 : vector<16xi32>
        %add3A_1930 = arith.constant 16 : i32
        %add3A_1931 = vector.broadcast %add3A_1930 : i32 to vector<16xi32>
        %add3A_1932 = arith.addi %xor3A_1926, %add3A_1931 : vector<16xi32>
        %select_n3A = arith.select %lt3A_1929, %add3A_1932, %xor3A_1926 : vector<16xi1>, vector<16xi32>
        %reshape3A = vector.shape_cast %select_n3A : vector<16xi32> to vector<16x1xi32>
        %gather3A = vector.shape_cast %reshape3A : vector<16x1xi32> to vector<16xi32>
        %gather3A_1933 = tpu.dynamic_gather %add3A_424[%gather3A] in [0] : vector<16xf32>, vector<16xi32> -> vector<16xf32>
        %add3A_1934 = arith.addf %add3A_424, %gather3A_1933 : vector<16xf32>
        %xor3A_1935 = arith.constant 1 : i32
        %xor3A_1936 = vector.broadcast %xor3A_1935 : i32 to vector<16xi32>
        %xor3A_1937 = arith.xori %iota3A, %xor3A_1936 : vector<16xi32>
        %lt3A_1938 = arith.constant 0 : i32
        %lt3A_1939 = vector.broadcast %lt3A_1938 : i32 to vector<16xi32>
        %lt3A_1940 = arith.cmpi slt, %xor3A_1937, %lt3A_1939 : vector<16xi32>
        %add3A_1941 = arith.constant 16 : i32
        %add3A_1942 = vector.broadcast %add3A_1941 : i32 to vector<16xi32>
        %add3A_1943 = arith.addi %xor3A_1937, %add3A_1942 : vector<16xi32>
        %select_n3A_1944 = arith.select %lt3A_1940, %add3A_1943, %xor3A_1937 : vector<16xi1>, vector<16xi32>
        %reshape3A_1945 = vector.shape_cast %select_n3A_1944 : vector<16xi32> to vector<16x1xi32>
        %gather3A_1946 = vector.shape_cast %reshape3A_1945 : vector<16x1xi32> to vector<16xi32>
        %gather3A_1947 = tpu.dynamic_gather %add3A_499[%gather3A_1946] in [0] : vector<16xf32>, vector<16xi32> -> vector<16xf32>
        %add3A_1948 = arith.addf %add3A_499, %gather3A_1947 : vector<16xf32>
        %and3A_1949 = arith.constant 1 : i32
        %and3A_1950 = vector.broadcast %and3A_1949 : i32 to vector<16xi32>
        %and3A_1951 = arith.andi %iota3A, %and3A_1950 : vector<16xi32>
        %eq3A_1952 = arith.constant 0 : i32
        %eq3A_1953 = vector.broadcast %eq3A_1952 : i32 to vector<16xi32>
        %eq3A_1954 = arith.cmpi eq, %and3A_1951, %eq3A_1953 : vector<16xi32>
        %select_n3A_1955 = arith.select %eq3A_1954, %add3A_1934, %add3A_1948 : vector<16xi1>, vector<16xf32>
        %xor3A_1956 = arith.constant 1 : i32
        %xor3A_1957 = vector.broadcast %xor3A_1956 : i32 to vector<16xi32>
        %xor3A_1958 = arith.xori %iota3A, %xor3A_1957 : vector<16xi32>
        %lt3A_1959 = arith.constant 0 : i32
        %lt3A_1960 = vector.broadcast %lt3A_1959 : i32 to vector<16xi32>
        %lt3A_1961 = arith.cmpi slt, %xor3A_1958, %lt3A_1960 : vector<16xi32>
        %add3A_1962 = arith.constant 16 : i32
        %add3A_1963 = vector.broadcast %add3A_1962 : i32 to vector<16xi32>
        %add3A_1964 = arith.addi %xor3A_1958, %add3A_1963 : vector<16xi32>
        %select_n3A_1965 = arith.select %lt3A_1961, %add3A_1964, %xor3A_1958 : vector<16xi1>, vector<16xi32>
        %reshape3A_1966 = vector.shape_cast %select_n3A_1965 : vector<16xi32> to vector<16x1xi32>
        %gather3A_1967 = vector.shape_cast %reshape3A_1966 : vector<16x1xi32> to vector<16xi32>
        %gather3A_1968 = tpu.dynamic_gather %add3A_574[%gather3A_1967] in [0] : vector<16xf32>, vector<16xi32> -> vector<16xf32>
        %add3A_1969 = arith.addf %add3A_574, %gather3A_1968 : vector<16xf32>
        %xor3A_1970 = arith.constant 1 : i32
        %xor3A_1971 = vector.broadcast %xor3A_1970 : i32 to vector<16xi32>
        %xor3A_1972 = arith.xori %iota3A, %xor3A_1971 : vector<16xi32>
        %lt3A_1973 = arith.constant 0 : i32
        %lt3A_1974 = vector.broadcast %lt3A_1973 : i32 to vector<16xi32>
        %lt3A_1975 = arith.cmpi slt, %xor3A_1972, %lt3A_1974 : vector<16xi32>
        %add3A_1976 = arith.constant 16 : i32
        %add3A_1977 = vector.broadcast %add3A_1976 : i32 to vector<16xi32>
        %add3A_1978 = arith.addi %xor3A_1972, %add3A_1977 : vector<16xi32>
        %select_n3A_1979 = arith.select %lt3A_1975, %add3A_1978, %xor3A_1972 : vector<16xi1>, vector<16xi32>
        %reshape3A_1980 = vector.shape_cast %select_n3A_1979 : vector<16xi32> to vector<16x1xi32>
        %gather3A_1981 = vector.shape_cast %reshape3A_1980 : vector<16x1xi32> to vector<16xi32>
        %gather3A_1982 = tpu.dynamic_gather %add3A_649[%gather3A_1981] in [0] : vector<16xf32>, vector<16xi32> -> vector<16xf32>
        %add3A_1983 = arith.addf %add3A_649, %gather3A_1982 : vector<16xf32>
        %and3A_1984 = arith.constant 1 : i32
        %and3A_1985 = vector.broadcast %and3A_1984 : i32 to vector<16xi32>
        %and3A_1986 = arith.andi %iota3A, %and3A_1985 : vector<16xi32>
        %eq3A_1987 = arith.constant 0 : i32
        %eq3A_1988 = vector.broadcast %eq3A_1987 : i32 to vector<16xi32>
        %eq3A_1989 = arith.cmpi eq, %and3A_1986, %eq3A_1988 : vector<16xi32>
        %select_n3A_1990 = arith.select %eq3A_1989, %add3A_1969, %add3A_1983 : vector<16xi1>, vector<16xf32>
        %xor3A_1991 = arith.constant 1 : i32
        %xor3A_1992 = vector.broadcast %xor3A_1991 : i32 to vector<16xi32>
        %xor3A_1993 = arith.xori %iota3A, %xor3A_1992 : vector<16xi32>
        %lt3A_1994 = arith.constant 0 : i32
        %lt3A_1995 = vector.broadcast %lt3A_1994 : i32 to vector<16xi32>
        %lt3A_1996 = arith.cmpi slt, %xor3A_1993, %lt3A_1995 : vector<16xi32>
        %add3A_1997 = arith.constant 16 : i32
        %add3A_1998 = vector.broadcast %add3A_1997 : i32 to vector<16xi32>
        %add3A_1999 = arith.addi %xor3A_1993, %add3A_1998 : vector<16xi32>
        %select_n3A_2000 = arith.select %lt3A_1996, %add3A_1999, %xor3A_1993 : vector<16xi1>, vector<16xi32>
        %reshape3A_2001 = vector.shape_cast %select_n3A_2000 : vector<16xi32> to vector<16x1xi32>
        %gather3A_2002 = vector.shape_cast %reshape3A_2001 : vector<16x1xi32> to vector<16xi32>
        %gather3A_2003 = tpu.dynamic_gather %add3A_724[%gather3A_2002] in [0] : vector<16xf32>, vector<16xi32> -> vector<16xf32>
        %add3A_2004 = arith.addf %add3A_724, %gather3A_2003 : vector<16xf32>
        %xor3A_2005 = arith.constant 1 : i32
        %xor3A_2006 = vector.broadcast %xor3A_2005 : i32 to vector<16xi32>
        %xor3A_2007 = arith.xori %iota3A, %xor3A_2006 : vector<16xi32>
        %lt3A_2008 = arith.constant 0 : i32
        %lt3A_2009 = vector.broadcast %lt3A_2008 : i32 to vector<16xi32>
        %lt3A_2010 = arith.cmpi slt, %xor3A_2007, %lt3A_2009 : vector<16xi32>
        %add3A_2011 = arith.constant 16 : i32
        %add3A_2012 = vector.broadcast %add3A_2011 : i32 to vector<16xi32>
        %add3A_2013 = arith.addi %xor3A_2007, %add3A_2012 : vector<16xi32>
        %select_n3A_2014 = arith.select %lt3A_2010, %add3A_2013, %xor3A_2007 : vector<16xi1>, vector<16xi32>
        %reshape3A_2015 = vector.shape_cast %select_n3A_2014 : vector<16xi32> to vector<16x1xi32>
        %gather3A_2016 = vector.shape_cast %reshape3A_2015 : vector<16x1xi32> to vector<16xi32>
        %gather3A_2017 = tpu.dynamic_gather %add3A_799[%gather3A_2016] in [0] : vector<16xf32>, vector<16xi32> -> vector<16xf32>
        %add3A_2018 = arith.addf %add3A_799, %gather3A_2017 : vector<16xf32>
        %and3A_2019 = arith.constant 1 : i32
        %and3A_2020 = vector.broadcast %and3A_2019 : i32 to vector<16xi32>
        %and3A_2021 = arith.andi %iota3A, %and3A_2020 : vector<16xi32>
        %eq3A_2022 = arith.constant 0 : i32
        %eq3A_2023 = vector.broadcast %eq3A_2022 : i32 to vector<16xi32>
        %eq3A_2024 = arith.cmpi eq, %and3A_2021, %eq3A_2023 : vector<16xi32>
        %select_n3A_2025 = arith.select %eq3A_2024, %add3A_2004, %add3A_2018 : vector<16xi1>, vector<16xf32>
        %xor3A_2026 = arith.constant 1 : i32
        %xor3A_2027 = vector.broadcast %xor3A_2026 : i32 to vector<16xi32>
        %xor3A_2028 = arith.xori %iota3A, %xor3A_2027 : vector<16xi32>
        %lt3A_2029 = arith.constant 0 : i32
        %lt3A_2030 = vector.broadcast %lt3A_2029 : i32 to vector<16xi32>
        %lt3A_2031 = arith.cmpi slt, %xor3A_2028, %lt3A_2030 : vector<16xi32>
        %add3A_2032 = arith.constant 16 : i32
        %add3A_2033 = vector.broadcast %add3A_2032 : i32 to vector<16xi32>
        %add3A_2034 = arith.addi %xor3A_2028, %add3A_2033 : vector<16xi32>
        %select_n3A_2035 = arith.select %lt3A_2031, %add3A_2034, %xor3A_2028 : vector<16xi1>, vector<16xi32>
        %reshape3A_2036 = vector.shape_cast %select_n3A_2035 : vector<16xi32> to vector<16x1xi32>
        %gather3A_2037 = vector.shape_cast %reshape3A_2036 : vector<16x1xi32> to vector<16xi32>
        %gather3A_2038 = tpu.dynamic_gather %add3A_874[%gather3A_2037] in [0] : vector<16xf32>, vector<16xi32> -> vector<16xf32>
        %add3A_2039 = arith.addf %add3A_874, %gather3A_2038 : vector<16xf32>
        %xor3A_2040 = arith.constant 1 : i32
        %xor3A_2041 = vector.broadcast %xor3A_2040 : i32 to vector<16xi32>
        %xor3A_2042 = arith.xori %iota3A, %xor3A_2041 : vector<16xi32>
        %lt3A_2043 = arith.constant 0 : i32
        %lt3A_2044 = vector.broadcast %lt3A_2043 : i32 to vector<16xi32>
        %lt3A_2045 = arith.cmpi slt, %xor3A_2042, %lt3A_2044 : vector<16xi32>
        %add3A_2046 = arith.constant 16 : i32
        %add3A_2047 = vector.broadcast %add3A_2046 : i32 to vector<16xi32>
        %add3A_2048 = arith.addi %xor3A_2042, %add3A_2047 : vector<16xi32>
        %select_n3A_2049 = arith.select %lt3A_2045, %add3A_2048, %xor3A_2042 : vector<16xi1>, vector<16xi32>
        %reshape3A_2050 = vector.shape_cast %select_n3A_2049 : vector<16xi32> to vector<16x1xi32>
        %gather3A_2051 = vector.shape_cast %reshape3A_2050 : vector<16x1xi32> to vector<16xi32>
        %gather3A_2052 = tpu.dynamic_gather %add3A_949[%gather3A_2051] in [0] : vector<16xf32>, vector<16xi32> -> vector<16xf32>
        %add3A_2053 = arith.addf %add3A_949, %gather3A_2052 : vector<16xf32>
        %and3A_2054 = arith.constant 1 : i32
        %and3A_2055 = vector.broadcast %and3A_2054 : i32 to vector<16xi32>
        %and3A_2056 = arith.andi %iota3A, %and3A_2055 : vector<16xi32>
        %eq3A_2057 = arith.constant 0 : i32
        %eq3A_2058 = vector.broadcast %eq3A_2057 : i32 to vector<16xi32>
        %eq3A_2059 = arith.cmpi eq, %and3A_2056, %eq3A_2058 : vector<16xi32>
        %select_n3A_2060 = arith.select %eq3A_2059, %add3A_2039, %add3A_2053 : vector<16xi1>, vector<16xf32>
        %xor3A_2061 = arith.constant 1 : i32
        %xor3A_2062 = vector.broadcast %xor3A_2061 : i32 to vector<16xi32>
        %xor3A_2063 = arith.xori %iota3A, %xor3A_2062 : vector<16xi32>
        %lt3A_2064 = arith.constant 0 : i32
        %lt3A_2065 = vector.broadcast %lt3A_2064 : i32 to vector<16xi32>
        %lt3A_2066 = arith.cmpi slt, %xor3A_2063, %lt3A_2065 : vector<16xi32>
        %add3A_2067 = arith.constant 16 : i32
        %add3A_2068 = vector.broadcast %add3A_2067 : i32 to vector<16xi32>
        %add3A_2069 = arith.addi %xor3A_2063, %add3A_2068 : vector<16xi32>
        %select_n3A_2070 = arith.select %lt3A_2066, %add3A_2069, %xor3A_2063 : vector<16xi1>, vector<16xi32>
        %reshape3A_2071 = vector.shape_cast %select_n3A_2070 : vector<16xi32> to vector<16x1xi32>
        %gather3A_2072 = vector.shape_cast %reshape3A_2071 : vector<16x1xi32> to vector<16xi32>
        %gather3A_2073 = tpu.dynamic_gather %add3A_1024[%gather3A_2072] in [0] : vector<16xf32>, vector<16xi32> -> vector<16xf32>
        %add3A_2074 = arith.addf %add3A_1024, %gather3A_2073 : vector<16xf32>
        %xor3A_2075 = arith.constant 1 : i32
        %xor3A_2076 = vector.broadcast %xor3A_2075 : i32 to vector<16xi32>
        %xor3A_2077 = arith.xori %iota3A, %xor3A_2076 : vector<16xi32>
        %lt3A_2078 = arith.constant 0 : i32
        %lt3A_2079 = vector.broadcast %lt3A_2078 : i32 to vector<16xi32>
        %lt3A_2080 = arith.cmpi slt, %xor3A_2077, %lt3A_2079 : vector<16xi32>
        %add3A_2081 = arith.constant 16 : i32
        %add3A_2082 = vector.broadcast %add3A_2081 : i32 to vector<16xi32>
        %add3A_2083 = arith.addi %xor3A_2077, %add3A_2082 : vector<16xi32>
        %select_n3A_2084 = arith.select %lt3A_2080, %add3A_2083, %xor3A_2077 : vector<16xi1>, vector<16xi32>
        %reshape3A_2085 = vector.shape_cast %select_n3A_2084 : vector<16xi32> to vector<16x1xi32>
        %gather3A_2086 = vector.shape_cast %reshape3A_2085 : vector<16x1xi32> to vector<16xi32>
        %gather3A_2087 = tpu.dynamic_gather %add3A_1099[%gather3A_2086] in [0] : vector<16xf32>, vector<16xi32> -> vector<16xf32>
        %add3A_2088 = arith.addf %add3A_1099, %gather3A_2087 : vector<16xf32>
        %and3A_2089 = arith.constant 1 : i32
        %and3A_2090 = vector.broadcast %and3A_2089 : i32 to vector<16xi32>
        %and3A_2091 = arith.andi %iota3A, %and3A_2090 : vector<16xi32>
        %eq3A_2092 = arith.constant 0 : i32
        %eq3A_2093 = vector.broadcast %eq3A_2092 : i32 to vector<16xi32>
        %eq3A_2094 = arith.cmpi eq, %and3A_2091, %eq3A_2093 : vector<16xi32>
        %select_n3A_2095 = arith.select %eq3A_2094, %add3A_2074, %add3A_2088 : vector<16xi1>, vector<16xf32>
        %xor3A_2096 = arith.constant 1 : i32
        %xor3A_2097 = vector.broadcast %xor3A_2096 : i32 to vector<16xi32>
        %xor3A_2098 = arith.xori %iota3A, %xor3A_2097 : vector<16xi32>
        %lt3A_2099 = arith.constant 0 : i32
        %lt3A_2100 = vector.broadcast %lt3A_2099 : i32 to vector<16xi32>
        %lt3A_2101 = arith.cmpi slt, %xor3A_2098, %lt3A_2100 : vector<16xi32>
        %add3A_2102 = arith.constant 16 : i32
        %add3A_2103 = vector.broadcast %add3A_2102 : i32 to vector<16xi32>
        %add3A_2104 = arith.addi %xor3A_2098, %add3A_2103 : vector<16xi32>
        %select_n3A_2105 = arith.select %lt3A_2101, %add3A_2104, %xor3A_2098 : vector<16xi1>, vector<16xi32>
        %reshape3A_2106 = vector.shape_cast %select_n3A_2105 : vector<16xi32> to vector<16x1xi32>
        %gather3A_2107 = vector.shape_cast %reshape3A_2106 : vector<16x1xi32> to vector<16xi32>
        %gather3A_2108 = tpu.dynamic_gather %add3A_1174[%gather3A_2107] in [0] : vector<16xf32>, vector<16xi32> -> vector<16xf32>
        %add3A_2109 = arith.addf %add3A_1174, %gather3A_2108 : vector<16xf32>
        %xor3A_2110 = arith.constant 1 : i32
        %xor3A_2111 = vector.broadcast %xor3A_2110 : i32 to vector<16xi32>
        %xor3A_2112 = arith.xori %iota3A, %xor3A_2111 : vector<16xi32>
        %lt3A_2113 = arith.constant 0 : i32
        %lt3A_2114 = vector.broadcast %lt3A_2113 : i32 to vector<16xi32>
        %lt3A_2115 = arith.cmpi slt, %xor3A_2112, %lt3A_2114 : vector<16xi32>
        %add3A_2116 = arith.constant 16 : i32
        %add3A_2117 = vector.broadcast %add3A_2116 : i32 to vector<16xi32>
        %add3A_2118 = arith.addi %xor3A_2112, %add3A_2117 : vector<16xi32>
        %select_n3A_2119 = arith.select %lt3A_2115, %add3A_2118, %xor3A_2112 : vector<16xi1>, vector<16xi32>
        %reshape3A_2120 = vector.shape_cast %select_n3A_2119 : vector<16xi32> to vector<16x1xi32>
        %gather3A_2121 = vector.shape_cast %reshape3A_2120 : vector<16x1xi32> to vector<16xi32>
        %gather3A_2122 = tpu.dynamic_gather %add3A_1249[%gather3A_2121] in [0] : vector<16xf32>, vector<16xi32> -> vector<16xf32>
        %add3A_2123 = arith.addf %add3A_1249, %gather3A_2122 : vector<16xf32>
        %and3A_2124 = arith.constant 1 : i32
        %and3A_2125 = vector.broadcast %and3A_2124 : i32 to vector<16xi32>
        %and3A_2126 = arith.andi %iota3A, %and3A_2125 : vector<16xi32>
        %eq3A_2127 = arith.constant 0 : i32
        %eq3A_2128 = vector.broadcast %eq3A_2127 : i32 to vector<16xi32>
        %eq3A_2129 = arith.cmpi eq, %and3A_2126, %eq3A_2128 : vector<16xi32>
        %select_n3A_2130 = arith.select %eq3A_2129, %add3A_2109, %add3A_2123 : vector<16xi1>, vector<16xf32>
        %xor3A_2131 = arith.constant 1 : i32
        %xor3A_2132 = vector.broadcast %xor3A_2131 : i32 to vector<16xi32>
        %xor3A_2133 = arith.xori %iota3A, %xor3A_2132 : vector<16xi32>
        %lt3A_2134 = arith.constant 0 : i32
        %lt3A_2135 = vector.broadcast %lt3A_2134 : i32 to vector<16xi32>
        %lt3A_2136 = arith.cmpi slt, %xor3A_2133, %lt3A_2135 : vector<16xi32>
        %add3A_2137 = arith.constant 16 : i32
        %add3A_2138 = vector.broadcast %add3A_2137 : i32 to vector<16xi32>
        %add3A_2139 = arith.addi %xor3A_2133, %add3A_2138 : vector<16xi32>
        %select_n3A_2140 = arith.select %lt3A_2136, %add3A_2139, %xor3A_2133 : vector<16xi1>, vector<16xi32>
        %reshape3A_2141 = vector.shape_cast %select_n3A_2140 : vector<16xi32> to vector<16x1xi32>
        %gather3A_2142 = vector.shape_cast %reshape3A_2141 : vector<16x1xi32> to vector<16xi32>
        %gather3A_2143 = tpu.dynamic_gather %add3A_1324[%gather3A_2142] in [0] : vector<16xf32>, vector<16xi32> -> vector<16xf32>
        %add3A_2144 = arith.addf %add3A_1324, %gather3A_2143 : vector<16xf32>
        %xor3A_2145 = arith.constant 1 : i32
        %xor3A_2146 = vector.broadcast %xor3A_2145 : i32 to vector<16xi32>
        %xor3A_2147 = arith.xori %iota3A, %xor3A_2146 : vector<16xi32>
        %lt3A_2148 = arith.constant 0 : i32
        %lt3A_2149 = vector.broadcast %lt3A_2148 : i32 to vector<16xi32>
        %lt3A_2150 = arith.cmpi slt, %xor3A_2147, %lt3A_2149 : vector<16xi32>
        %add3A_2151 = arith.constant 16 : i32
        %add3A_2152 = vector.broadcast %add3A_2151 : i32 to vector<16xi32>
        %add3A_2153 = arith.addi %xor3A_2147, %add3A_2152 : vector<16xi32>
        %select_n3A_2154 = arith.select %lt3A_2150, %add3A_2153, %xor3A_2147 : vector<16xi1>, vector<16xi32>
        %reshape3A_2155 = vector.shape_cast %select_n3A_2154 : vector<16xi32> to vector<16x1xi32>
        %gather3A_2156 = vector.shape_cast %reshape3A_2155 : vector<16x1xi32> to vector<16xi32>
        %gather3A_2157 = tpu.dynamic_gather %add3A_1399[%gather3A_2156] in [0] : vector<16xf32>, vector<16xi32> -> vector<16xf32>
        %add3A_2158 = arith.addf %add3A_1399, %gather3A_2157 : vector<16xf32>
        %and3A_2159 = arith.constant 1 : i32
        %and3A_2160 = vector.broadcast %and3A_2159 : i32 to vector<16xi32>
        %and3A_2161 = arith.andi %iota3A, %and3A_2160 : vector<16xi32>
        %eq3A_2162 = arith.constant 0 : i32
        %eq3A_2163 = vector.broadcast %eq3A_2162 : i32 to vector<16xi32>
        %eq3A_2164 = arith.cmpi eq, %and3A_2161, %eq3A_2163 : vector<16xi32>
        %select_n3A_2165 = arith.select %eq3A_2164, %add3A_2144, %add3A_2158 : vector<16xi1>, vector<16xf32>
        %xor3A_2166 = arith.constant 1 : i32
        %xor3A_2167 = vector.broadcast %xor3A_2166 : i32 to vector<16xi32>
        %xor3A_2168 = arith.xori %iota3A, %xor3A_2167 : vector<16xi32>
        %lt3A_2169 = arith.constant 0 : i32
        %lt3A_2170 = vector.broadcast %lt3A_2169 : i32 to vector<16xi32>
        %lt3A_2171 = arith.cmpi slt, %xor3A_2168, %lt3A_2170 : vector<16xi32>
        %add3A_2172 = arith.constant 16 : i32
        %add3A_2173 = vector.broadcast %add3A_2172 : i32 to vector<16xi32>
        %add3A_2174 = arith.addi %xor3A_2168, %add3A_2173 : vector<16xi32>
        %select_n3A_2175 = arith.select %lt3A_2171, %add3A_2174, %xor3A_2168 : vector<16xi1>, vector<16xi32>
        %reshape3A_2176 = vector.shape_cast %select_n3A_2175 : vector<16xi32> to vector<16x1xi32>
        %gather3A_2177 = vector.shape_cast %reshape3A_2176 : vector<16x1xi32> to vector<16xi32>
        %gather3A_2178 = tpu.dynamic_gather %add3A_1474[%gather3A_2177] in [0] : vector<16xf32>, vector<16xi32> -> vector<16xf32>
        %add3A_2179 = arith.addf %add3A_1474, %gather3A_2178 : vector<16xf32>
        %xor3A_2180 = arith.constant 1 : i32
        %xor3A_2181 = vector.broadcast %xor3A_2180 : i32 to vector<16xi32>
        %xor3A_2182 = arith.xori %iota3A, %xor3A_2181 : vector<16xi32>
        %lt3A_2183 = arith.constant 0 : i32
        %lt3A_2184 = vector.broadcast %lt3A_2183 : i32 to vector<16xi32>
        %lt3A_2185 = arith.cmpi slt, %xor3A_2182, %lt3A_2184 : vector<16xi32>
        %add3A_2186 = arith.constant 16 : i32
        %add3A_2187 = vector.broadcast %add3A_2186 : i32 to vector<16xi32>
        %add3A_2188 = arith.addi %xor3A_2182, %add3A_2187 : vector<16xi32>
        %select_n3A_2189 = arith.select %lt3A_2185, %add3A_2188, %xor3A_2182 : vector<16xi1>, vector<16xi32>
        %reshape3A_2190 = vector.shape_cast %select_n3A_2189 : vector<16xi32> to vector<16x1xi32>
        %gather3A_2191 = vector.shape_cast %reshape3A_2190 : vector<16x1xi32> to vector<16xi32>
        %gather3A_2192 = tpu.dynamic_gather %add3A_1549[%gather3A_2191] in [0] : vector<16xf32>, vector<16xi32> -> vector<16xf32>
        %add3A_2193 = arith.addf %add3A_1549, %gather3A_2192 : vector<16xf32>
        %and3A_2194 = arith.constant 1 : i32
        %and3A_2195 = vector.broadcast %and3A_2194 : i32 to vector<16xi32>
        %and3A_2196 = arith.andi %iota3A, %and3A_2195 : vector<16xi32>
        %eq3A_2197 = arith.constant 0 : i32
        %eq3A_2198 = vector.broadcast %eq3A_2197 : i32 to vector<16xi32>
        %eq3A_2199 = arith.cmpi eq, %and3A_2196, %eq3A_2198 : vector<16xi32>
        %select_n3A_2200 = arith.select %eq3A_2199, %add3A_2179, %add3A_2193 : vector<16xi1>, vector<16xf32>
        %xor3A_2201 = arith.constant 2 : i32
        %xor3A_2202 = vector.broadcast %xor3A_2201 : i32 to vector<16xi32>
        %xor3A_2203 = arith.xori %iota3A, %xor3A_2202 : vector<16xi32>
        %lt3A_2204 = arith.constant 0 : i32
        %lt3A_2205 = vector.broadcast %lt3A_2204 : i32 to vector<16xi32>
        %lt3A_2206 = arith.cmpi slt, %xor3A_2203, %lt3A_2205 : vector<16xi32>
        %add3A_2207 = arith.constant 16 : i32
        %add3A_2208 = vector.broadcast %add3A_2207 : i32 to vector<16xi32>
        %add3A_2209 = arith.addi %xor3A_2203, %add3A_2208 : vector<16xi32>
        %select_n3A_2210 = arith.select %lt3A_2206, %add3A_2209, %xor3A_2203 : vector<16xi1>, vector<16xi32>
        %reshape3A_2211 = vector.shape_cast %select_n3A_2210 : vector<16xi32> to vector<16x1xi32>
        %gather3A_2212 = vector.shape_cast %reshape3A_2211 : vector<16x1xi32> to vector<16xi32>
        %gather3A_2213 = tpu.dynamic_gather %select_n3A_1955[%gather3A_2212] in [0] : vector<16xf32>, vector<16xi32> -> vector<16xf32>
        %add3A_2214 = arith.addf %select_n3A_1955, %gather3A_2213 : vector<16xf32>
        %xor3A_2215 = arith.constant 2 : i32
        %xor3A_2216 = vector.broadcast %xor3A_2215 : i32 to vector<16xi32>
        %xor3A_2217 = arith.xori %iota3A, %xor3A_2216 : vector<16xi32>
        %lt3A_2218 = arith.constant 0 : i32
        %lt3A_2219 = vector.broadcast %lt3A_2218 : i32 to vector<16xi32>
        %lt3A_2220 = arith.cmpi slt, %xor3A_2217, %lt3A_2219 : vector<16xi32>
        %add3A_2221 = arith.constant 16 : i32
        %add3A_2222 = vector.broadcast %add3A_2221 : i32 to vector<16xi32>
        %add3A_2223 = arith.addi %xor3A_2217, %add3A_2222 : vector<16xi32>
        %select_n3A_2224 = arith.select %lt3A_2220, %add3A_2223, %xor3A_2217 : vector<16xi1>, vector<16xi32>
        %reshape3A_2225 = vector.shape_cast %select_n3A_2224 : vector<16xi32> to vector<16x1xi32>
        %gather3A_2226 = vector.shape_cast %reshape3A_2225 : vector<16x1xi32> to vector<16xi32>
        %gather3A_2227 = tpu.dynamic_gather %select_n3A_1990[%gather3A_2226] in [0] : vector<16xf32>, vector<16xi32> -> vector<16xf32>
        %add3A_2228 = arith.addf %select_n3A_1990, %gather3A_2227 : vector<16xf32>
        %and3A_2229 = arith.constant 2 : i32
        %and3A_2230 = vector.broadcast %and3A_2229 : i32 to vector<16xi32>
        %and3A_2231 = arith.andi %iota3A, %and3A_2230 : vector<16xi32>
        %eq3A_2232 = arith.constant 0 : i32
        %eq3A_2233 = vector.broadcast %eq3A_2232 : i32 to vector<16xi32>
        %eq3A_2234 = arith.cmpi eq, %and3A_2231, %eq3A_2233 : vector<16xi32>
        %select_n3A_2235 = arith.select %eq3A_2234, %add3A_2214, %add3A_2228 : vector<16xi1>, vector<16xf32>
        %xor3A_2236 = arith.constant 2 : i32
        %xor3A_2237 = vector.broadcast %xor3A_2236 : i32 to vector<16xi32>
        %xor3A_2238 = arith.xori %iota3A, %xor3A_2237 : vector<16xi32>
        %lt3A_2239 = arith.constant 0 : i32
        %lt3A_2240 = vector.broadcast %lt3A_2239 : i32 to vector<16xi32>
        %lt3A_2241 = arith.cmpi slt, %xor3A_2238, %lt3A_2240 : vector<16xi32>
        %add3A_2242 = arith.constant 16 : i32
        %add3A_2243 = vector.broadcast %add3A_2242 : i32 to vector<16xi32>
        %add3A_2244 = arith.addi %xor3A_2238, %add3A_2243 : vector<16xi32>
        %select_n3A_2245 = arith.select %lt3A_2241, %add3A_2244, %xor3A_2238 : vector<16xi1>, vector<16xi32>
        %reshape3A_2246 = vector.shape_cast %select_n3A_2245 : vector<16xi32> to vector<16x1xi32>
        %gather3A_2247 = vector.shape_cast %reshape3A_2246 : vector<16x1xi32> to vector<16xi32>
        %gather3A_2248 = tpu.dynamic_gather %select_n3A_2025[%gather3A_2247] in [0] : vector<16xf32>, vector<16xi32> -> vector<16xf32>
        %add3A_2249 = arith.addf %select_n3A_2025, %gather3A_2248 : vector<16xf32>
        %xor3A_2250 = arith.constant 2 : i32
        %xor3A_2251 = vector.broadcast %xor3A_2250 : i32 to vector<16xi32>
        %xor3A_2252 = arith.xori %iota3A, %xor3A_2251 : vector<16xi32>
        %lt3A_2253 = arith.constant 0 : i32
        %lt3A_2254 = vector.broadcast %lt3A_2253 : i32 to vector<16xi32>
        %lt3A_2255 = arith.cmpi slt, %xor3A_2252, %lt3A_2254 : vector<16xi32>
        %add3A_2256 = arith.constant 16 : i32
        %add3A_2257 = vector.broadcast %add3A_2256 : i32 to vector<16xi32>
        %add3A_2258 = arith.addi %xor3A_2252, %add3A_2257 : vector<16xi32>
        %select_n3A_2259 = arith.select %lt3A_2255, %add3A_2258, %xor3A_2252 : vector<16xi1>, vector<16xi32>
        %reshape3A_2260 = vector.shape_cast %select_n3A_2259 : vector<16xi32> to vector<16x1xi32>
        %gather3A_2261 = vector.shape_cast %reshape3A_2260 : vector<16x1xi32> to vector<16xi32>
        %gather3A_2262 = tpu.dynamic_gather %select_n3A_2060[%gather3A_2261] in [0] : vector<16xf32>, vector<16xi32> -> vector<16xf32>
        %add3A_2263 = arith.addf %select_n3A_2060, %gather3A_2262 : vector<16xf32>
        %and3A_2264 = arith.constant 2 : i32
        %and3A_2265 = vector.broadcast %and3A_2264 : i32 to vector<16xi32>
        %and3A_2266 = arith.andi %iota3A, %and3A_2265 : vector<16xi32>
        %eq3A_2267 = arith.constant 0 : i32
        %eq3A_2268 = vector.broadcast %eq3A_2267 : i32 to vector<16xi32>
        %eq3A_2269 = arith.cmpi eq, %and3A_2266, %eq3A_2268 : vector<16xi32>
        %select_n3A_2270 = arith.select %eq3A_2269, %add3A_2249, %add3A_2263 : vector<16xi1>, vector<16xf32>
        %xor3A_2271 = arith.constant 2 : i32
        %xor3A_2272 = vector.broadcast %xor3A_2271 : i32 to vector<16xi32>
        %xor3A_2273 = arith.xori %iota3A, %xor3A_2272 : vector<16xi32>
        %lt3A_2274 = arith.constant 0 : i32
        %lt3A_2275 = vector.broadcast %lt3A_2274 : i32 to vector<16xi32>
        %lt3A_2276 = arith.cmpi slt, %xor3A_2273, %lt3A_2275 : vector<16xi32>
        %add3A_2277 = arith.constant 16 : i32
        %add3A_2278 = vector.broadcast %add3A_2277 : i32 to vector<16xi32>
        %add3A_2279 = arith.addi %xor3A_2273, %add3A_2278 : vector<16xi32>
        %select_n3A_2280 = arith.select %lt3A_2276, %add3A_2279, %xor3A_2273 : vector<16xi1>, vector<16xi32>
        %reshape3A_2281 = vector.shape_cast %select_n3A_2280 : vector<16xi32> to vector<16x1xi32>
        %gather3A_2282 = vector.shape_cast %reshape3A_2281 : vector<16x1xi32> to vector<16xi32>
        %gather3A_2283 = tpu.dynamic_gather %select_n3A_2095[%gather3A_2282] in [0] : vector<16xf32>, vector<16xi32> -> vector<16xf32>
        %add3A_2284 = arith.addf %select_n3A_2095, %gather3A_2283 : vector<16xf32>
        %xor3A_2285 = arith.constant 2 : i32
        %xor3A_2286 = vector.broadcast %xor3A_2285 : i32 to vector<16xi32>
        %xor3A_2287 = arith.xori %iota3A, %xor3A_2286 : vector<16xi32>
        %lt3A_2288 = arith.constant 0 : i32
        %lt3A_2289 = vector.broadcast %lt3A_2288 : i32 to vector<16xi32>
        %lt3A_2290 = arith.cmpi slt, %xor3A_2287, %lt3A_2289 : vector<16xi32>
        %add3A_2291 = arith.constant 16 : i32
        %add3A_2292 = vector.broadcast %add3A_2291 : i32 to vector<16xi32>
        %add3A_2293 = arith.addi %xor3A_2287, %add3A_2292 : vector<16xi32>
        %select_n3A_2294 = arith.select %lt3A_2290, %add3A_2293, %xor3A_2287 : vector<16xi1>, vector<16xi32>
        %reshape3A_2295 = vector.shape_cast %select_n3A_2294 : vector<16xi32> to vector<16x1xi32>
        %gather3A_2296 = vector.shape_cast %reshape3A_2295 : vector<16x1xi32> to vector<16xi32>
        %gather3A_2297 = tpu.dynamic_gather %select_n3A_2130[%gather3A_2296] in [0] : vector<16xf32>, vector<16xi32> -> vector<16xf32>
        %add3A_2298 = arith.addf %select_n3A_2130, %gather3A_2297 : vector<16xf32>
        %and3A_2299 = arith.constant 2 : i32
        %and3A_2300 = vector.broadcast %and3A_2299 : i32 to vector<16xi32>
        %and3A_2301 = arith.andi %iota3A, %and3A_2300 : vector<16xi32>
        %eq3A_2302 = arith.constant 0 : i32
        %eq3A_2303 = vector.broadcast %eq3A_2302 : i32 to vector<16xi32>
        %eq3A_2304 = arith.cmpi eq, %and3A_2301, %eq3A_2303 : vector<16xi32>
        %select_n3A_2305 = arith.select %eq3A_2304, %add3A_2284, %add3A_2298 : vector<16xi1>, vector<16xf32>
        %xor3A_2306 = arith.constant 2 : i32
        %xor3A_2307 = vector.broadcast %xor3A_2306 : i32 to vector<16xi32>
        %xor3A_2308 = arith.xori %iota3A, %xor3A_2307 : vector<16xi32>
        %lt3A_2309 = arith.constant 0 : i32
        %lt3A_2310 = vector.broadcast %lt3A_2309 : i32 to vector<16xi32>
        %lt3A_2311 = arith.cmpi slt, %xor3A_2308, %lt3A_2310 : vector<16xi32>
        %add3A_2312 = arith.constant 16 : i32
        %add3A_2313 = vector.broadcast %add3A_2312 : i32 to vector<16xi32>
        %add3A_2314 = arith.addi %xor3A_2308, %add3A_2313 : vector<16xi32>
        %select_n3A_2315 = arith.select %lt3A_2311, %add3A_2314, %xor3A_2308 : vector<16xi1>, vector<16xi32>
        %reshape3A_2316 = vector.shape_cast %select_n3A_2315 : vector<16xi32> to vector<16x1xi32>
        %gather3A_2317 = vector.shape_cast %reshape3A_2316 : vector<16x1xi32> to vector<16xi32>
        %gather3A_2318 = tpu.dynamic_gather %select_n3A_2165[%gather3A_2317] in [0] : vector<16xf32>, vector<16xi32> -> vector<16xf32>
        %add3A_2319 = arith.addf %select_n3A_2165, %gather3A_2318 : vector<16xf32>
        %xor3A_2320 = arith.constant 2 : i32
        %xor3A_2321 = vector.broadcast %xor3A_2320 : i32 to vector<16xi32>
        %xor3A_2322 = arith.xori %iota3A, %xor3A_2321 : vector<16xi32>
        %lt3A_2323 = arith.constant 0 : i32
        %lt3A_2324 = vector.broadcast %lt3A_2323 : i32 to vector<16xi32>
        %lt3A_2325 = arith.cmpi slt, %xor3A_2322, %lt3A_2324 : vector<16xi32>
        %add3A_2326 = arith.constant 16 : i32
        %add3A_2327 = vector.broadcast %add3A_2326 : i32 to vector<16xi32>
        %add3A_2328 = arith.addi %xor3A_2322, %add3A_2327 : vector<16xi32>
        %select_n3A_2329 = arith.select %lt3A_2325, %add3A_2328, %xor3A_2322 : vector<16xi1>, vector<16xi32>
        %reshape3A_2330 = vector.shape_cast %select_n3A_2329 : vector<16xi32> to vector<16x1xi32>
        %gather3A_2331 = vector.shape_cast %reshape3A_2330 : vector<16x1xi32> to vector<16xi32>
        %gather3A_2332 = tpu.dynamic_gather %select_n3A_2200[%gather3A_2331] in [0] : vector<16xf32>, vector<16xi32> -> vector<16xf32>
        %add3A_2333 = arith.addf %select_n3A_2200, %gather3A_2332 : vector<16xf32>
        %and3A_2334 = arith.constant 2 : i32
        %and3A_2335 = vector.broadcast %and3A_2334 : i32 to vector<16xi32>
        %and3A_2336 = arith.andi %iota3A, %and3A_2335 : vector<16xi32>
        %eq3A_2337 = arith.constant 0 : i32
        %eq3A_2338 = vector.broadcast %eq3A_2337 : i32 to vector<16xi32>
        %eq3A_2339 = arith.cmpi eq, %and3A_2336, %eq3A_2338 : vector<16xi32>
        %select_n3A_2340 = arith.select %eq3A_2339, %add3A_2319, %add3A_2333 : vector<16xi1>, vector<16xf32>
        %xor3A_2341 = arith.constant 4 : i32
        %xor3A_2342 = vector.broadcast %xor3A_2341 : i32 to vector<16xi32>
        %xor3A_2343 = arith.xori %iota3A, %xor3A_2342 : vector<16xi32>
        %lt3A_2344 = arith.constant 0 : i32
        %lt3A_2345 = vector.broadcast %lt3A_2344 : i32 to vector<16xi32>
        %lt3A_2346 = arith.cmpi slt, %xor3A_2343, %lt3A_2345 : vector<16xi32>
        %add3A_2347 = arith.constant 16 : i32
        %add3A_2348 = vector.broadcast %add3A_2347 : i32 to vector<16xi32>
        %add3A_2349 = arith.addi %xor3A_2343, %add3A_2348 : vector<16xi32>
        %select_n3A_2350 = arith.select %lt3A_2346, %add3A_2349, %xor3A_2343 : vector<16xi1>, vector<16xi32>
        %reshape3A_2351 = vector.shape_cast %select_n3A_2350 : vector<16xi32> to vector<16x1xi32>
        %gather3A_2352 = vector.shape_cast %reshape3A_2351 : vector<16x1xi32> to vector<16xi32>
        %gather3A_2353 = tpu.dynamic_gather %select_n3A_2235[%gather3A_2352] in [0] : vector<16xf32>, vector<16xi32> -> vector<16xf32>
        %add3A_2354 = arith.addf %select_n3A_2235, %gather3A_2353 : vector<16xf32>
        %xor3A_2355 = arith.constant 4 : i32
        %xor3A_2356 = vector.broadcast %xor3A_2355 : i32 to vector<16xi32>
        %xor3A_2357 = arith.xori %iota3A, %xor3A_2356 : vector<16xi32>
        %lt3A_2358 = arith.constant 0 : i32
        %lt3A_2359 = vector.broadcast %lt3A_2358 : i32 to vector<16xi32>
        %lt3A_2360 = arith.cmpi slt, %xor3A_2357, %lt3A_2359 : vector<16xi32>
        %add3A_2361 = arith.constant 16 : i32
        %add3A_2362 = vector.broadcast %add3A_2361 : i32 to vector<16xi32>
        %add3A_2363 = arith.addi %xor3A_2357, %add3A_2362 : vector<16xi32>
        %select_n3A_2364 = arith.select %lt3A_2360, %add3A_2363, %xor3A_2357 : vector<16xi1>, vector<16xi32>
        %reshape3A_2365 = vector.shape_cast %select_n3A_2364 : vector<16xi32> to vector<16x1xi32>
        %gather3A_2366 = vector.shape_cast %reshape3A_2365 : vector<16x1xi32> to vector<16xi32>
        %gather3A_2367 = tpu.dynamic_gather %select_n3A_2270[%gather3A_2366] in [0] : vector<16xf32>, vector<16xi32> -> vector<16xf32>
        %add3A_2368 = arith.addf %select_n3A_2270, %gather3A_2367 : vector<16xf32>
        %and3A_2369 = arith.constant 4 : i32
        %and3A_2370 = vector.broadcast %and3A_2369 : i32 to vector<16xi32>
        %and3A_2371 = arith.andi %iota3A, %and3A_2370 : vector<16xi32>
        %eq3A_2372 = arith.constant 0 : i32
        %eq3A_2373 = vector.broadcast %eq3A_2372 : i32 to vector<16xi32>
        %eq3A_2374 = arith.cmpi eq, %and3A_2371, %eq3A_2373 : vector<16xi32>
        %select_n3A_2375 = arith.select %eq3A_2374, %add3A_2354, %add3A_2368 : vector<16xi1>, vector<16xf32>
        %xor3A_2376 = arith.constant 4 : i32
        %xor3A_2377 = vector.broadcast %xor3A_2376 : i32 to vector<16xi32>
        %xor3A_2378 = arith.xori %iota3A, %xor3A_2377 : vector<16xi32>
        %lt3A_2379 = arith.constant 0 : i32
        %lt3A_2380 = vector.broadcast %lt3A_2379 : i32 to vector<16xi32>
        %lt3A_2381 = arith.cmpi slt, %xor3A_2378, %lt3A_2380 : vector<16xi32>
        %add3A_2382 = arith.constant 16 : i32
        %add3A_2383 = vector.broadcast %add3A_2382 : i32 to vector<16xi32>
        %add3A_2384 = arith.addi %xor3A_2378, %add3A_2383 : vector<16xi32>
        %select_n3A_2385 = arith.select %lt3A_2381, %add3A_2384, %xor3A_2378 : vector<16xi1>, vector<16xi32>
        %reshape3A_2386 = vector.shape_cast %select_n3A_2385 : vector<16xi32> to vector<16x1xi32>
        %gather3A_2387 = vector.shape_cast %reshape3A_2386 : vector<16x1xi32> to vector<16xi32>
        %gather3A_2388 = tpu.dynamic_gather %select_n3A_2305[%gather3A_2387] in [0] : vector<16xf32>, vector<16xi32> -> vector<16xf32>
        %add3A_2389 = arith.addf %select_n3A_2305, %gather3A_2388 : vector<16xf32>
        %xor3A_2390 = arith.constant 4 : i32
        %xor3A_2391 = vector.broadcast %xor3A_2390 : i32 to vector<16xi32>
        %xor3A_2392 = arith.xori %iota3A, %xor3A_2391 : vector<16xi32>
        %lt3A_2393 = arith.constant 0 : i32
        %lt3A_2394 = vector.broadcast %lt3A_2393 : i32 to vector<16xi32>
        %lt3A_2395 = arith.cmpi slt, %xor3A_2392, %lt3A_2394 : vector<16xi32>
        %add3A_2396 = arith.constant 16 : i32
        %add3A_2397 = vector.broadcast %add3A_2396 : i32 to vector<16xi32>
        %add3A_2398 = arith.addi %xor3A_2392, %add3A_2397 : vector<16xi32>
        %select_n3A_2399 = arith.select %lt3A_2395, %add3A_2398, %xor3A_2392 : vector<16xi1>, vector<16xi32>
        %reshape3A_2400 = vector.shape_cast %select_n3A_2399 : vector<16xi32> to vector<16x1xi32>
        %gather3A_2401 = vector.shape_cast %reshape3A_2400 : vector<16x1xi32> to vector<16xi32>
        %gather3A_2402 = tpu.dynamic_gather %select_n3A_2340[%gather3A_2401] in [0] : vector<16xf32>, vector<16xi32> -> vector<16xf32>
        %add3A_2403 = arith.addf %select_n3A_2340, %gather3A_2402 : vector<16xf32>
        %and3A_2404 = arith.constant 4 : i32
        %and3A_2405 = vector.broadcast %and3A_2404 : i32 to vector<16xi32>
        %and3A_2406 = arith.andi %iota3A, %and3A_2405 : vector<16xi32>
        %eq3A_2407 = arith.constant 0 : i32
        %eq3A_2408 = vector.broadcast %eq3A_2407 : i32 to vector<16xi32>
        %eq3A_2409 = arith.cmpi eq, %and3A_2406, %eq3A_2408 : vector<16xi32>
        %select_n3A_2410 = arith.select %eq3A_2409, %add3A_2389, %add3A_2403 : vector<16xi1>, vector<16xf32>
        %xor3A_2411 = arith.constant 8 : i32
        %xor3A_2412 = vector.broadcast %xor3A_2411 : i32 to vector<16xi32>
        %xor3A_2413 = arith.xori %iota3A, %xor3A_2412 : vector<16xi32>
        %lt3A_2414 = arith.constant 0 : i32
        %lt3A_2415 = vector.broadcast %lt3A_2414 : i32 to vector<16xi32>
        %lt3A_2416 = arith.cmpi slt, %xor3A_2413, %lt3A_2415 : vector<16xi32>
        %add3A_2417 = arith.constant 16 : i32
        %add3A_2418 = vector.broadcast %add3A_2417 : i32 to vector<16xi32>
        %add3A_2419 = arith.addi %xor3A_2413, %add3A_2418 : vector<16xi32>
        %select_n3A_2420 = arith.select %lt3A_2416, %add3A_2419, %xor3A_2413 : vector<16xi1>, vector<16xi32>
        %reshape3A_2421 = vector.shape_cast %select_n3A_2420 : vector<16xi32> to vector<16x1xi32>
        %gather3A_2422 = vector.shape_cast %reshape3A_2421 : vector<16x1xi32> to vector<16xi32>
        %gather3A_2423 = tpu.dynamic_gather %select_n3A_2375[%gather3A_2422] in [0] : vector<16xf32>, vector<16xi32> -> vector<16xf32>
        %add3A_2424 = arith.addf %select_n3A_2375, %gather3A_2423 : vector<16xf32>
        %xor3A_2425 = arith.constant 8 : i32
        %xor3A_2426 = vector.broadcast %xor3A_2425 : i32 to vector<16xi32>
        %xor3A_2427 = arith.xori %iota3A, %xor3A_2426 : vector<16xi32>
        %lt3A_2428 = arith.constant 0 : i32
        %lt3A_2429 = vector.broadcast %lt3A_2428 : i32 to vector<16xi32>
        %lt3A_2430 = arith.cmpi slt, %xor3A_2427, %lt3A_2429 : vector<16xi32>
        %add3A_2431 = arith.constant 16 : i32
        %add3A_2432 = vector.broadcast %add3A_2431 : i32 to vector<16xi32>
        %add3A_2433 = arith.addi %xor3A_2427, %add3A_2432 : vector<16xi32>
        %select_n3A_2434 = arith.select %lt3A_2430, %add3A_2433, %xor3A_2427 : vector<16xi1>, vector<16xi32>
        %reshape3A_2435 = vector.shape_cast %select_n3A_2434 : vector<16xi32> to vector<16x1xi32>
        %gather3A_2436 = vector.shape_cast %reshape3A_2435 : vector<16x1xi32> to vector<16xi32>
        %gather3A_2437 = tpu.dynamic_gather %select_n3A_2410[%gather3A_2436] in [0] : vector<16xf32>, vector<16xi32> -> vector<16xf32>
        %add3A_2438 = arith.addf %select_n3A_2410, %gather3A_2437 : vector<16xf32>
        %and3A_2439 = arith.constant 8 : i32
        %and3A_2440 = vector.broadcast %and3A_2439 : i32 to vector<16xi32>
        %and3A_2441 = arith.andi %iota3A, %and3A_2440 : vector<16xi32>
        %eq3A_2442 = arith.constant 0 : i32
        %eq3A_2443 = vector.broadcast %eq3A_2442 : i32 to vector<16xi32>
        %eq3A_2444 = arith.cmpi eq, %and3A_2441, %eq3A_2443 : vector<16xi32>
        %select_n3A_2445 = arith.select %eq3A_2444, %add3A_2424, %add3A_2438 : vector<16xi1>, vector<16xf32>
        %swap3A = arith.index_cast %add3A_362 : i32 to index
        %swap3A_2446 = arith.constant 0 : index
        %swap3A_2447 = tpu.vector_load %arg14[%swap3A, %swap3A_2446] {strides = array<i32>} : memref<128x32xf32, #tpu.memory_space<vmem>>, vector<16xf32>,
        tpu.vector_store %arg14[%swap3A, %swap3A_2446], %select_n3A_2445 {strides = array<i32>} : memref<128x32xf32, #tpu.memory_space<vmem>>, vector<16xf32>,
        %xor3A_2448 = arith.constant 1 : i32
        %xor3A_2449 = vector.broadcast %xor3A_2448 : i32 to vector<16xi32>
        %xor3A_2450 = arith.xori %iota3A, %xor3A_2449 : vector<16xi32>
        %lt3A_2451 = arith.constant 0 : i32
        %lt3A_2452 = vector.broadcast %lt3A_2451 : i32 to vector<16xi32>
        %lt3A_2453 = arith.cmpi slt, %xor3A_2450, %lt3A_2452 : vector<16xi32>
        %add3A_2454 = arith.constant 16 : i32
        %add3A_2455 = vector.broadcast %add3A_2454 : i32 to vector<16xi32>
        %add3A_2456 = arith.addi %xor3A_2450, %add3A_2455 : vector<16xi32>
        %select_n3A_2457 = arith.select %lt3A_2453, %add3A_2456, %xor3A_2450 : vector<16xi1>, vector<16xi32>
        %reshape3A_2458 = vector.shape_cast %select_n3A_2457 : vector<16xi32> to vector<16x1xi32>
        %gather3A_2459 = vector.shape_cast %reshape3A_2458 : vector<16x1xi32> to vector<16xi32>
        %gather3A_2460 = tpu.dynamic_gather %add3A_1624[%gather3A_2459] in [0] : vector<16xf32>, vector<16xi32> -> vector<16xf32>
        %add3A_2461 = arith.addf %add3A_1624, %gather3A_2460 : vector<16xf32>
        %xor3A_2462 = arith.constant 1 : i32
        %xor3A_2463 = vector.broadcast %xor3A_2462 : i32 to vector<16xi32>
        %xor3A_2464 = arith.xori %iota3A, %xor3A_2463 : vector<16xi32>
        %lt3A_2465 = arith.constant 0 : i32
        %lt3A_2466 = vector.broadcast %lt3A_2465 : i32 to vector<16xi32>
        %lt3A_2467 = arith.cmpi slt, %xor3A_2464, %lt3A_2466 : vector<16xi32>
        %add3A_2468 = arith.constant 16 : i32
        %add3A_2469 = vector.broadcast %add3A_2468 : i32 to vector<16xi32>
        %add3A_2470 = arith.addi %xor3A_2464, %add3A_2469 : vector<16xi32>
        %select_n3A_2471 = arith.select %lt3A_2467, %add3A_2470, %xor3A_2464 : vector<16xi1>, vector<16xi32>
        %reshape3A_2472 = vector.shape_cast %select_n3A_2471 : vector<16xi32> to vector<16x1xi32>
        %gather3A_2473 = vector.shape_cast %reshape3A_2472 : vector<16x1xi32> to vector<16xi32>
        %gather3A_2474 = tpu.dynamic_gather %add3A_1699[%gather3A_2473] in [0] : vector<16xf32>, vector<16xi32> -> vector<16xf32>
        %add3A_2475 = arith.addf %add3A_1699, %gather3A_2474 : vector<16xf32>
        %and3A_2476 = arith.constant 1 : i32
        %and3A_2477 = vector.broadcast %and3A_2476 : i32 to vector<16xi32>
        %and3A_2478 = arith.andi %iota3A, %and3A_2477 : vector<16xi32>
        %eq3A_2479 = arith.constant 0 : i32
        %eq3A_2480 = vector.broadcast %eq3A_2479 : i32 to vector<16xi32>
        %eq3A_2481 = arith.cmpi eq, %and3A_2478, %eq3A_2480 : vector<16xi32>
        %select_n3A_2482 = arith.select %eq3A_2481, %add3A_2461, %add3A_2475 : vector<16xi1>, vector<16xf32>
        %xor3A_2483 = arith.constant 1 : i32
        %xor3A_2484 = vector.broadcast %xor3A_2483 : i32 to vector<16xi32>
        %xor3A_2485 = arith.xori %iota3A, %xor3A_2484 : vector<16xi32>
        %lt3A_2486 = arith.constant 0 : i32
        %lt3A_2487 = vector.broadcast %lt3A_2486 : i32 to vector<16xi32>
        %lt3A_2488 = arith.cmpi slt, %xor3A_2485, %lt3A_2487 : vector<16xi32>
        %add3A_2489 = arith.constant 16 : i32
        %add3A_2490 = vector.broadcast %add3A_2489 : i32 to vector<16xi32>
        %add3A_2491 = arith.addi %xor3A_2485, %add3A_2490 : vector<16xi32>
        %select_n3A_2492 = arith.select %lt3A_2488, %add3A_2491, %xor3A_2485 : vector<16xi1>, vector<16xi32>
        %reshape3A_2493 = vector.shape_cast %select_n3A_2492 : vector<16xi32> to vector<16x1xi32>
        %gather3A_2494 = vector.shape_cast %reshape3A_2493 : vector<16x1xi32> to vector<16xi32>
        %gather3A_2495 = tpu.dynamic_gather %add3A_1774[%gather3A_2494] in [0] : vector<16xf32>, vector<16xi32> -> vector<16xf32>
        %add3A_2496 = arith.addf %add3A_1774, %gather3A_2495 : vector<16xf32>
        %xor3A_2497 = arith.constant 1 : i32
        %xor3A_2498 = vector.broadcast %xor3A_2497 : i32 to vector<16xi32>
        %xor3A_2499 = arith.xori %iota3A, %xor3A_2498 : vector<16xi32>
        %lt3A_2500 = arith.constant 0 : i32
        %lt3A_2501 = vector.broadcast %lt3A_2500 : i32 to vector<16xi32>
        %lt3A_2502 = arith.cmpi slt, %xor3A_2499, %lt3A_2501 : vector<16xi32>
        %add3A_2503 = arith.constant 16 : i32
        %add3A_2504 = vector.broadcast %add3A_2503 : i32 to vector<16xi32>
        %add3A_2505 = arith.addi %xor3A_2499, %add3A_2504 : vector<16xi32>
        %select_n3A_2506 = arith.select %lt3A_2502, %add3A_2505, %xor3A_2499 : vector<16xi1>, vector<16xi32>
        %reshape3A_2507 = vector.shape_cast %select_n3A_2506 : vector<16xi32> to vector<16x1xi32>
        %gather3A_2508 = vector.shape_cast %reshape3A_2507 : vector<16x1xi32> to vector<16xi32>
        %gather3A_2509 = tpu.dynamic_gather %add3A_1849[%gather3A_2508] in [0] : vector<16xf32>, vector<16xi32> -> vector<16xf32>
        %add3A_2510 = arith.addf %add3A_1849, %gather3A_2509 : vector<16xf32>
        %and3A_2511 = arith.constant 1 : i32
        %and3A_2512 = vector.broadcast %and3A_2511 : i32 to vector<16xi32>
        %and3A_2513 = arith.andi %iota3A, %and3A_2512 : vector<16xi32>
        %eq3A_2514 = arith.constant 0 : i32
        %eq3A_2515 = vector.broadcast %eq3A_2514 : i32 to vector<16xi32>
        %eq3A_2516 = arith.cmpi eq, %and3A_2513, %eq3A_2515 : vector<16xi32>
        %select_n3A_2517 = arith.select %eq3A_2516, %add3A_2496, %add3A_2510 : vector<16xi1>, vector<16xf32>
        %xor3A_2518 = arith.constant 1 : i32
        %xor3A_2519 = vector.broadcast %xor3A_2518 : i32 to vector<16xi32>
        %xor3A_2520 = arith.xori %iota3A, %xor3A_2519 : vector<16xi32>
        %lt3A_2521 = arith.constant 0 : i32
        %lt3A_2522 = vector.broadcast %lt3A_2521 : i32 to vector<16xi32>
        %lt3A_2523 = arith.cmpi slt, %xor3A_2520, %lt3A_2522 : vector<16xi32>
        %add3A_2524 = arith.constant 16 : i32
        %add3A_2525 = vector.broadcast %add3A_2524 : i32 to vector<16xi32>
        %add3A_2526 = arith.addi %xor3A_2520, %add3A_2525 : vector<16xi32>
        %select_n3A_2527 = arith.select %lt3A_2523, %add3A_2526, %xor3A_2520 : vector<16xi1>, vector<16xi32>
        %reshape3A_2528 = vector.shape_cast %select_n3A_2527 : vector<16xi32> to vector<16x1xi32>
        %gather3A_2529 = vector.shape_cast %reshape3A_2528 : vector<16x1xi32> to vector<16xi32>
        %gather3A_2530 = tpu.dynamic_gather %add3A_1924[%gather3A_2529] in [0] : vector<16xf32>, vector<16xi32> -> vector<16xf32>
        %add3A_2531 = arith.addf %add3A_1924, %gather3A_2530 : vector<16xf32>
        %xor3A_2532 = arith.constant 2 : i32
        %xor3A_2533 = vector.broadcast %xor3A_2532 : i32 to vector<16xi32>
        %xor3A_2534 = arith.xori %iota3A, %xor3A_2533 : vector<16xi32>
        %lt3A_2535 = arith.constant 0 : i32
        %lt3A_2536 = vector.broadcast %lt3A_2535 : i32 to vector<16xi32>
        %lt3A_2537 = arith.cmpi slt, %xor3A_2534, %lt3A_2536 : vector<16xi32>
        %add3A_2538 = arith.constant 16 : i32
        %add3A_2539 = vector.broadcast %add3A_2538 : i32 to vector<16xi32>
        %add3A_2540 = arith.addi %xor3A_2534, %add3A_2539 : vector<16xi32>
        %select_n3A_2541 = arith.select %lt3A_2537, %add3A_2540, %xor3A_2534 : vector<16xi1>, vector<16xi32>
        %reshape3A_2542 = vector.shape_cast %select_n3A_2541 : vector<16xi32> to vector<16x1xi32>
        %gather3A_2543 = vector.shape_cast %reshape3A_2542 : vector<16x1xi32> to vector<16xi32>
        %gather3A_2544 = tpu.dynamic_gather %select_n3A_2482[%gather3A_2543] in [0] : vector<16xf32>, vector<16xi32> -> vector<16xf32>
        %add3A_2545 = arith.addf %select_n3A_2482, %gather3A_2544 : vector<16xf32>
        %xor3A_2546 = arith.constant 2 : i32
        %xor3A_2547 = vector.broadcast %xor3A_2546 : i32 to vector<16xi32>
        %xor3A_2548 = arith.xori %iota3A, %xor3A_2547 : vector<16xi32>
        %lt3A_2549 = arith.constant 0 : i32
        %lt3A_2550 = vector.broadcast %lt3A_2549 : i32 to vector<16xi32>
        %lt3A_2551 = arith.cmpi slt, %xor3A_2548, %lt3A_2550 : vector<16xi32>
        %add3A_2552 = arith.constant 16 : i32
        %add3A_2553 = vector.broadcast %add3A_2552 : i32 to vector<16xi32>
        %add3A_2554 = arith.addi %xor3A_2548, %add3A_2553 : vector<16xi32>
        %select_n3A_2555 = arith.select %lt3A_2551, %add3A_2554, %xor3A_2548 : vector<16xi1>, vector<16xi32>
        %reshape3A_2556 = vector.shape_cast %select_n3A_2555 : vector<16xi32> to vector<16x1xi32>
        %gather3A_2557 = vector.shape_cast %reshape3A_2556 : vector<16x1xi32> to vector<16xi32>
        %gather3A_2558 = tpu.dynamic_gather %select_n3A_2517[%gather3A_2557] in [0] : vector<16xf32>, vector<16xi32> -> vector<16xf32>
        %add3A_2559 = arith.addf %select_n3A_2517, %gather3A_2558 : vector<16xf32>
        %and3A_2560 = arith.constant 2 : i32
        %and3A_2561 = vector.broadcast %and3A_2560 : i32 to vector<16xi32>
        %and3A_2562 = arith.andi %iota3A, %and3A_2561 : vector<16xi32>
        %eq3A_2563 = arith.constant 0 : i32
        %eq3A_2564 = vector.broadcast %eq3A_2563 : i32 to vector<16xi32>
        %eq3A_2565 = arith.cmpi eq, %and3A_2562, %eq3A_2564 : vector<16xi32>
        %select_n3A_2566 = arith.select %eq3A_2565, %add3A_2545, %add3A_2559 : vector<16xi1>, vector<16xf32>
        %xor3A_2567 = arith.constant 2 : i32
        %xor3A_2568 = vector.broadcast %xor3A_2567 : i32 to vector<16xi32>
        %xor3A_2569 = arith.xori %iota3A, %xor3A_2568 : vector<16xi32>
        %lt3A_2570 = arith.constant 0 : i32
        %lt3A_2571 = vector.broadcast %lt3A_2570 : i32 to vector<16xi32>
        %lt3A_2572 = arith.cmpi slt, %xor3A_2569, %lt3A_2571 : vector<16xi32>
        %add3A_2573 = arith.constant 16 : i32
        %add3A_2574 = vector.broadcast %add3A_2573 : i32 to vector<16xi32>
        %add3A_2575 = arith.addi %xor3A_2569, %add3A_2574 : vector<16xi32>
        %select_n3A_2576 = arith.select %lt3A_2572, %add3A_2575, %xor3A_2569 : vector<16xi1>, vector<16xi32>
        %reshape3A_2577 = vector.shape_cast %select_n3A_2576 : vector<16xi32> to vector<16x1xi32>
        %gather3A_2578 = vector.shape_cast %reshape3A_2577 : vector<16x1xi32> to vector<16xi32>
        %gather3A_2579 = tpu.dynamic_gather %add3A_2531[%gather3A_2578] in [0] : vector<16xf32>, vector<16xi32> -> vector<16xf32>
        %add3A_2580 = arith.addf %add3A_2531, %gather3A_2579 : vector<16xf32>
        %xor3A_2581 = arith.constant 4 : i32
        %xor3A_2582 = vector.broadcast %xor3A_2581 : i32 to vector<16xi32>
        %xor3A_2583 = arith.xori %iota3A, %xor3A_2582 : vector<16xi32>
        %lt3A_2584 = arith.constant 0 : i32
        %lt3A_2585 = vector.broadcast %lt3A_2584 : i32 to vector<16xi32>
        %lt3A_2586 = arith.cmpi slt, %xor3A_2583, %lt3A_2585 : vector<16xi32>
        %add3A_2587 = arith.constant 16 : i32
        %add3A_2588 = vector.broadcast %add3A_2587 : i32 to vector<16xi32>
        %add3A_2589 = arith.addi %xor3A_2583, %add3A_2588 : vector<16xi32>
        %select_n3A_2590 = arith.select %lt3A_2586, %add3A_2589, %xor3A_2583 : vector<16xi1>, vector<16xi32>
        %reshape3A_2591 = vector.shape_cast %select_n3A_2590 : vector<16xi32> to vector<16x1xi32>
        %gather3A_2592 = vector.shape_cast %reshape3A_2591 : vector<16x1xi32> to vector<16xi32>
        %gather3A_2593 = tpu.dynamic_gather %select_n3A_2566[%gather3A_2592] in [0] : vector<16xf32>, vector<16xi32> -> vector<16xf32>
        %add3A_2594 = arith.addf %select_n3A_2566, %gather3A_2593 : vector<16xf32>
        %xor3A_2595 = arith.constant 4 : i32
        %xor3A_2596 = vector.broadcast %xor3A_2595 : i32 to vector<16xi32>
        %xor3A_2597 = arith.xori %iota3A, %xor3A_2596 : vector<16xi32>
        %lt3A_2598 = arith.constant 0 : i32
        %lt3A_2599 = vector.broadcast %lt3A_2598 : i32 to vector<16xi32>
        %lt3A_2600 = arith.cmpi slt, %xor3A_2597, %lt3A_2599 : vector<16xi32>
        %add3A_2601 = arith.constant 16 : i32
        %add3A_2602 = vector.broadcast %add3A_2601 : i32 to vector<16xi32>
        %add3A_2603 = arith.addi %xor3A_2597, %add3A_2602 : vector<16xi32>
        %select_n3A_2604 = arith.select %lt3A_2600, %add3A_2603, %xor3A_2597 : vector<16xi1>, vector<16xi32>
        %reshape3A_2605 = vector.shape_cast %select_n3A_2604 : vector<16xi32> to vector<16x1xi32>
        %gather3A_2606 = vector.shape_cast %reshape3A_2605 : vector<16x1xi32> to vector<16xi32>
        %gather3A_2607 = tpu.dynamic_gather %add3A_2580[%gather3A_2606] in [0] : vector<16xf32>, vector<16xi32> -> vector<16xf32>
        %add3A_2608 = arith.addf %add3A_2580, %gather3A_2607 : vector<16xf32>
        %and3A_2609 = arith.constant 4 : i32
        %and3A_2610 = vector.broadcast %and3A_2609 : i32 to vector<16xi32>
        %and3A_2611 = arith.andi %iota3A, %and3A_2610 : vector<16xi32>
        %eq3A_2612 = arith.constant 0 : i32
        %eq3A_2613 = vector.broadcast %eq3A_2612 : i32 to vector<16xi32>
        %eq3A_2614 = arith.cmpi eq, %and3A_2611, %eq3A_2613 : vector<16xi32>
        %select_n3A_2615 = arith.select %eq3A_2614, %add3A_2594, %add3A_2608 : vector<16xi1>, vector<16xf32>
        %xor3A_2616 = arith.constant 8 : i32
        %xor3A_2617 = vector.broadcast %xor3A_2616 : i32 to vector<16xi32>
        %xor3A_2618 = arith.xori %iota3A, %xor3A_2617 : vector<16xi32>
        %lt3A_2619 = arith.constant 0 : i32
        %lt3A_2620 = vector.broadcast %lt3A_2619 : i32 to vector<16xi32>
        %lt3A_2621 = arith.cmpi slt, %xor3A_2618, %lt3A_2620 : vector<16xi32>
        %add3A_2622 = arith.constant 16 : i32
        %add3A_2623 = vector.broadcast %add3A_2622 : i32 to vector<16xi32>
        %add3A_2624 = arith.addi %xor3A_2618, %add3A_2623 : vector<16xi32>
        %select_n3A_2625 = arith.select %lt3A_2621, %add3A_2624, %xor3A_2618 : vector<16xi1>, vector<16xi32>
        %reshape3A_2626 = vector.shape_cast %select_n3A_2625 : vector<16xi32> to vector<16x1xi32>
        %gather3A_2627 = vector.shape_cast %reshape3A_2626 : vector<16x1xi32> to vector<16xi32>
        %gather3A_2628 = tpu.dynamic_gather %select_n3A_2615[%gather3A_2627] in [0] : vector<16xf32>, vector<16xi32> -> vector<16xf32>
        %add3A_2629 = arith.addf %select_n3A_2615, %gather3A_2628 : vector<16xf32>
        %swap3A_2630 = arith.index_cast %add3A_362 : i32 to index
        %swap3A_2631 = arith.constant 16 : index
        %swap3A_2632 = tpu.vector_load %arg14[%swap3A_2630, %swap3A_2631] {strides = array<i32>} : memref<128x32xf32, #tpu.memory_space<vmem>>, vector<16xf32>,
        tpu.vector_store %arg14[%swap3A_2630, %swap3A_2631], %add3A_2629 {strides = array<i32>} : memref<128x32xf32, #tpu.memory_space<vmem>>, vector<16xf32>,
      }
      %scan3A_345 = arith.constant 4 : i32
      %add3A_346 = arith.constant 4 : i32
      %add3A_347 = arith.addi %scan3A_320, %add3A_346 : i32
      %lt3A = arith.constant 32 : i32
      %lt3A_348 = arith.cmpi slt, %add3A_347, %lt3A : i32
      %convert_element_type3A_349 = arith.extui %lt3A_348 : i1 to i32
      %cond3A_350 = arith.constant 0 : i32
      %cond3A_351 = arith.cmpi ne, %convert_element_type3A_349, %cond3A_350 : i32
      scf.if %cond3A_351 {
        %add3A_359 = arith.constant 4 : i32
        %add3A_360 = arith.addi %scan3A_320, %add3A_359 : i32
        %dma_start3A_361 = arith.constant 0 : i32
        %dma_start3A_362 = arith.constant 0 : i32
        %dma_start3A_363 = tpu.memref_slice %arg13[%and3A_321, %dma_start3A_361, %dma_start3A_362] : memref<4x80x128xf32, #tpu.memory_space<vmem>> -> memref<1x80x128xf32, #tpu.memory_space<vmem>>
        %dma_start3A_364 = tpu.memref_squeeze %dma_start3A_363 : memref<1x80x128xf32, #tpu.memory_space<vmem>> -> memref<80x128xf32, #tpu.memory_space<vmem>>
        %dma_start3A_365 = arith.constant 0 : i32
        %dma_start3A_366 = tpu.memref_slice %arg10[%add3A_360, %dma_start3A_365] : memref<32x80xi32, #tpu.memory_space<vmem>> -> memref<1x80xi32, #tpu.memory_space<vmem>>
        %dma_start3A_367 = tpu.memref_squeeze %dma_start3A_366 : memref<1x80xi32, #tpu.memory_space<vmem>> -> memref<80xi32, #tpu.memory_space<vmem>>
        %dma_start3A_368 = arith.constant 0 : i32
        %dma_start3A_369 = arith.constant 0 : i32
        %dma_start3A_370 = tpu.memref_slice %arg6[%dma_start3A_368, %dma_start3A_369] : memref<100000x128xf32, #tpu.memory_space<hbm>> -> memref<100000x128xf32, #tpu.memory_space<hbm>>
        %dma_start3A_371 = tpu.memref_slice %arg20[%and3A_321] : memref<4x!tpu.dma_semaphore, #tpu.memory_space<semaphore_mem>> -> memref<1x!tpu.dma_semaphore, #tpu.memory_space<semaphore_mem>>
        %dma_start3A_372 = tpu.memref_squeeze %dma_start3A_371 : memref<1x!tpu.dma_semaphore, #tpu.memory_space<semaphore_mem>> -> memref<!tpu.dma_semaphore, #tpu.memory_space<semaphore_mem>>
        tpu.enqueue_indirect_dma source(%dma_start3A_370 : memref<100000x128xf32, #tpu.memory_space<hbm>>) target(%dma_start3A_364 : memref<80x128xf32, #tpu.memory_space<vmem>>) offsets(%dma_start3A_367 : memref<80xi32, #tpu.memory_space<vmem>>) semaphore(%dma_start3A_372 : memref<!tpu.dma_semaphore, #tpu.memory_space<semaphore_mem>>)
      } else {
      }
      %and3A_352 = arith.constant 7 : i32
      %and3A_353 = arith.andi %scan3A_320, %and3A_352 : i32
      %eq3A_354 = arith.constant 7 : i32
      %eq3A_355 = arith.cmpi eq, %and3A_353, %eq3A_354 : i32
      %convert_element_type3A_356 = arith.extui %eq3A_355 : i1 to i32
      %cond3A_357 = arith.constant 0 : i32
      %cond3A_358 = arith.cmpi ne, %convert_element_type3A_356, %cond3A_357 : i32
      scf.if %cond3A_358 {
        %shift_right_arithmetic3A = arith.constant 3 : i32
        %shift_right_arithmetic3A_359 = arith.shrsi %scan3A_320, %shift_right_arithmetic3A : i32
        %mul3A_360 = arith.constant 32 : i32
        %mul3A_361 = arith.muli %shift_right_arithmetic3A_359, %mul3A_360 : i32
        %mul3A_362 = arith.constant 32 : i32
        %mul3A_363 = arith.muli %shift_right_arithmetic3A_359, %mul3A_362 : i32
        %add3A_364 = arith.addi %mul3A_2, %mul3A_363 : i32
        %dma_start3A_365 = arith.constant 0 : i32
        %dma_start3A_366 = tpu.memref_slice %arg14[%mul3A_361, %dma_start3A_365] : memref<128x32xf32, #tpu.memory_space<vmem>> -> memref<32x32xf32, #tpu.memory_space<vmem>>
        %dma_start3A_367 = arith.constant 0 : i32
        %dma_start3A_368 = tpu.memref_slice %arg7[%add3A_364, %dma_start3A_367] : memref<4096x32xf32, #tpu.memory_space<hbm>> -> memref<32x32xf32, #tpu.memory_space<hbm>>
        %dma_start3A_369 = tpu.memref_slice %arg21[%shift_right_arithmetic3A_359] : memref<4x!tpu.dma_semaphore, #tpu.memory_space<semaphore_mem>> -> memref<1x!tpu.dma_semaphore, #tpu.memory_space<semaphore_mem>>
        %dma_start3A_370 = tpu.memref_squeeze %dma_start3A_369 : memref<1x!tpu.dma_semaphore, #tpu.memory_space<semaphore_mem>> -> memref<!tpu.dma_semaphore, #tpu.memory_space<semaphore_mem>>
        %dma_start3A_371 = arith.constant 0 : i32
        %dma_start3A_372 = tpu.memref_slice %arg7[%add3A_364, %dma_start3A_371] : memref<4096x32xf32, #tpu.memory_space<hbm>> -> memref<32x32xf32, #tpu.memory_space<hbm>>
        %dma_start3A_373 = arith.constant 0 : i32
        %dma_start3A_374 = tpu.memref_slice %arg14[%mul3A_361, %dma_start3A_373] : memref<128x32xf32, #tpu.memory_space<vmem>> -> memref<32x32xf32, #tpu.memory_space<vmem>>
        tpu.enqueue_dma source(%dma_start3A_374 : memref<32x32xf32, #tpu.memory_space<vmem>>) target(%dma_start3A_372 : memref<32x32xf32, #tpu.memory_space<hbm>>) target_semaphore(%dma_start3A_370 : memref<!tpu.dma_semaphore, #tpu.memory_space<semaphore_mem>>)
      } else {
      }
    }
    %scan3A_259 = arith.constant 32 : i32
    %dma_wait3A_260 = arith.constant 0 : i32
    %dma_wait3A_261 = arith.constant 0 : i32
    %dma_wait3A_262 = arith.constant 0 : i32
    %dma_wait3A_263 = tpu.memref_slice %arg14[%dma_wait3A_261, %dma_wait3A_262] : memref<128x32xf32, #tpu.memory_space<vmem>> -> memref<32x32xf32, #tpu.memory_space<vmem>>
    %dma_wait3A_264 = arith.constant 0 : i32
    %dma_wait3A_265 = arith.constant 0 : i32
    %dma_wait3A_266 = tpu.memref_slice %arg7[%dma_wait3A_264, %dma_wait3A_265] : memref<4096x32xf32, #tpu.memory_space<hbm>> -> memref<32x32xf32, #tpu.memory_space<hbm>>
    %dma_wait3A_267 = tpu.memref_slice %arg21[%dma_wait3A_260] : memref<4x!tpu.dma_semaphore, #tpu.memory_space<semaphore_mem>> -> memref<1x!tpu.dma_semaphore, #tpu.memory_space<semaphore_mem>>
    %dma_wait3A_268 = tpu.memref_squeeze %dma_wait3A_267 : memref<1x!tpu.dma_semaphore, #tpu.memory_space<semaphore_mem>> -> memref<!tpu.dma_semaphore, #tpu.memory_space<semaphore_mem>>
    %dma_wait3A_269 = arith.constant 0 : i32
    %dma_wait3A_270 = arith.constant 0 : i32
    %dma_wait3A_271 = tpu.memref_slice %arg7[%dma_wait3A_269, %dma_wait3A_270] : memref<4096x32xf32, #tpu.memory_space<hbm>> -> memref<32x32xf32, #tpu.memory_space<hbm>>
    %dma_wait3A_272 = arith.constant 0 : i32
    %dma_wait3A_273 = arith.constant 0 : i32
    %dma_wait3A_274 = tpu.memref_slice %arg14[%dma_wait3A_272, %dma_wait3A_273] : memref<128x32xf32, #tpu.memory_space<vmem>> -> memref<32x32xf32, #tpu.memory_space<vmem>>
    tpu.wait_dma2 semaphore(%dma_wait3A_268 : memref<!tpu.dma_semaphore, #tpu.memory_space<semaphore_mem>>) src(%dma_wait3A_274 : memref<32x32xf32, #tpu.memory_space<vmem>>) dst(%dma_wait3A_271 : memref<32x32xf32, #tpu.memory_space<hbm>>)
    %dma_wait3A_275 = arith.constant 1 : i32
    %dma_wait3A_276 = arith.constant 0 : i32
    %dma_wait3A_277 = arith.constant 0 : i32
    %dma_wait3A_278 = tpu.memref_slice %arg14[%dma_wait3A_276, %dma_wait3A_277] : memref<128x32xf32, #tpu.memory_space<vmem>> -> memref<32x32xf32, #tpu.memory_space<vmem>>
    %dma_wait3A_279 = arith.constant 0 : i32
    %dma_wait3A_280 = arith.constant 0 : i32
    %dma_wait3A_281 = tpu.memref_slice %arg7[%dma_wait3A_279, %dma_wait3A_280] : memref<4096x32xf32, #tpu.memory_space<hbm>> -> memref<32x32xf32, #tpu.memory_space<hbm>>
    %dma_wait3A_282 = tpu.memref_slice %arg21[%dma_wait3A_275] : memref<4x!tpu.dma_semaphore, #tpu.memory_space<semaphore_mem>> -> memref<1x!tpu.dma_semaphore, #tpu.memory_space<semaphore_mem>>
    %dma_wait3A_283 = tpu.memref_squeeze %dma_wait3A_282 : memref<1x!tpu.dma_semaphore, #tpu.memory_space<semaphore_mem>> -> memref<!tpu.dma_semaphore, #tpu.memory_space<semaphore_mem>>
    %dma_wait3A_284 = arith.constant 0 : i32
    %dma_wait3A_285 = arith.constant 0 : i32
    %dma_wait3A_286 = tpu.memref_slice %arg7[%dma_wait3A_284, %dma_wait3A_285] : memref<4096x32xf32, #tpu.memory_space<hbm>> -> memref<32x32xf32, #tpu.memory_space<hbm>>
    %dma_wait3A_287 = arith.constant 0 : i32
    %dma_wait3A_288 = arith.constant 0 : i32
    %dma_wait3A_289 = tpu.memref_slice %arg14[%dma_wait3A_287, %dma_wait3A_288] : memref<128x32xf32, #tpu.memory_space<vmem>> -> memref<32x32xf32, #tpu.memory_space<vmem>>
    tpu.wait_dma2 semaphore(%dma_wait3A_283 : memref<!tpu.dma_semaphore, #tpu.memory_space<semaphore_mem>>) src(%dma_wait3A_289 : memref<32x32xf32, #tpu.memory_space<vmem>>) dst(%dma_wait3A_286 : memref<32x32xf32, #tpu.memory_space<hbm>>)
    %dma_wait3A_290 = arith.constant 2 : i32
    %dma_wait3A_291 = arith.constant 0 : i32
    %dma_wait3A_292 = arith.constant 0 : i32
    %dma_wait3A_293 = tpu.memref_slice %arg14[%dma_wait3A_291, %dma_wait3A_292] : memref<128x32xf32, #tpu.memory_space<vmem>> -> memref<32x32xf32, #tpu.memory_space<vmem>>
    %dma_wait3A_294 = arith.constant 0 : i32
    %dma_wait3A_295 = arith.constant 0 : i32
    %dma_wait3A_296 = tpu.memref_slice %arg7[%dma_wait3A_294, %dma_wait3A_295] : memref<4096x32xf32, #tpu.memory_space<hbm>> -> memref<32x32xf32, #tpu.memory_space<hbm>>
    %dma_wait3A_297 = tpu.memref_slice %arg21[%dma_wait3A_290] : memref<4x!tpu.dma_semaphore, #tpu.memory_space<semaphore_mem>> -> memref<1x!tpu.dma_semaphore, #tpu.memory_space<semaphore_mem>>
    %dma_wait3A_298 = tpu.memref_squeeze %dma_wait3A_297 : memref<1x!tpu.dma_semaphore, #tpu.memory_space<semaphore_mem>> -> memref<!tpu.dma_semaphore, #tpu.memory_space<semaphore_mem>>
    %dma_wait3A_299 = arith.constant 0 : i32
    %dma_wait3A_300 = arith.constant 0 : i32
    %dma_wait3A_301 = tpu.memref_slice %arg7[%dma_wait3A_299, %dma_wait3A_300] : memref<4096x32xf32, #tpu.memory_space<hbm>> -> memref<32x32xf32, #tpu.memory_space<hbm>>
    %dma_wait3A_302 = arith.constant 0 : i32
    %dma_wait3A_303 = arith.constant 0 : i32
    %dma_wait3A_304 = tpu.memref_slice %arg14[%dma_wait3A_302, %dma_wait3A_303] : memref<128x32xf32, #tpu.memory_space<vmem>> -> memref<32x32xf32, #tpu.memory_space<vmem>>
    tpu.wait_dma2 semaphore(%dma_wait3A_298 : memref<!tpu.dma_semaphore, #tpu.memory_space<semaphore_mem>>) src(%dma_wait3A_304 : memref<32x32xf32, #tpu.memory_space<vmem>>) dst(%dma_wait3A_301 : memref<32x32xf32, #tpu.memory_space<hbm>>)
    %dma_wait3A_305 = arith.constant 3 : i32
    %dma_wait3A_306 = arith.constant 0 : i32
    %dma_wait3A_307 = arith.constant 0 : i32
    %dma_wait3A_308 = tpu.memref_slice %arg14[%dma_wait3A_306, %dma_wait3A_307] : memref<128x32xf32, #tpu.memory_space<vmem>> -> memref<32x32xf32, #tpu.memory_space<vmem>>
    %dma_wait3A_309 = arith.constant 0 : i32
    %dma_wait3A_310 = arith.constant 0 : i32
    %dma_wait3A_311 = tpu.memref_slice %arg7[%dma_wait3A_309, %dma_wait3A_310] : memref<4096x32xf32, #tpu.memory_space<hbm>> -> memref<32x32xf32, #tpu.memory_space<hbm>>
    %dma_wait3A_312 = tpu.memref_slice %arg21[%dma_wait3A_305] : memref<4x!tpu.dma_semaphore, #tpu.memory_space<semaphore_mem>> -> memref<1x!tpu.dma_semaphore, #tpu.memory_space<semaphore_mem>>
    %dma_wait3A_313 = tpu.memref_squeeze %dma_wait3A_312 : memref<1x!tpu.dma_semaphore, #tpu.memory_space<semaphore_mem>> -> memref<!tpu.dma_semaphore, #tpu.memory_space<semaphore_mem>>
    %dma_wait3A_314 = arith.constant 0 : i32
    %dma_wait3A_315 = arith.constant 0 : i32
    %dma_wait3A_316 = tpu.memref_slice %arg7[%dma_wait3A_314, %dma_wait3A_315] : memref<4096x32xf32, #tpu.memory_space<hbm>> -> memref<32x32xf32, #tpu.memory_space<hbm>>
    %dma_wait3A_317 = arith.constant 0 : i32
    %dma_wait3A_318 = arith.constant 0 : i32
    %dma_wait3A_319 = tpu.memref_slice %arg14[%dma_wait3A_317, %dma_wait3A_318] : memref<128x32xf32, #tpu.memory_space<vmem>> -> memref<32x32xf32, #tpu.memory_space<vmem>>
    tpu.wait_dma2 semaphore(%dma_wait3A_313 : memref<!tpu.dma_semaphore, #tpu.memory_space<semaphore_mem>>) src(%dma_wait3A_319 : memref<32x32xf32, #tpu.memory_space<vmem>>) dst(%dma_wait3A_316 : memref<32x32xf32, #tpu.memory_space<hbm>>)
    return
  }
}

module attributes {stable_mosaic.version = 14 : i64} {
  func.func @_loss_body(%arg0: memref<4096x32xf32, #tpu.memory_space<vmem>>, %arg1: memref<1x1xf32, #tpu.memory_space<smem>>) attributes {dimension_semantics = [], scalar_prefetch = 0 : i64, scratch_operands = 0 : i64, tpu.core_type = #tpu.core_type<tc>} {
    %get3A = arith.constant 0 : index
    %get3A_0 = arith.constant 0 : index
    %get3A_1 = vector.load %arg0[%get3A, %get3A_0] : memref<4096x32xf32, #tpu.memory_space<vmem>>, vector<4096x32xf32>
    %jit3A = arith.constant -1.000000e+01 : f32
    %jit3A_2 = arith.constant 1.000000e+01 : f32
    %max3A = vector.broadcast %jit3A : f32 to vector<4096x32xf32>
    %max3A_3 = arith.maximumf %max3A, %get3A_1 : vector<4096x32xf32>
    %min3A = vector.broadcast %jit3A_2 : f32 to vector<4096x32xf32>
    %min3A_4 = arith.minimumf %min3A, %max3A_3 : vector<4096x32xf32>
    %iota3A = tpu.iota {dimensions = array<i32: 1>} : vector<4096x32xi32>
    %eq3A = arith.constant 0 : i32
    %eq3A_5 = vector.broadcast %eq3A : i32 to vector<4096x32xi32>
    %eq3A_6 = arith.cmpi eq, %iota3A, %eq3A_5 : vector<4096x32xi32>
    %neg3A = arith.constant 0.000000e+00 : f32
    %neg3A_7 = vector.broadcast %neg3A : f32 to vector<4096x32xf32>
    %neg3A_8 = arith.subf %neg3A_7, %min3A_4 : vector<4096x32xf32>
    %select_n3A = arith.select %eq3A_6, %neg3A_8, %min3A_4 : vector<4096x32xi1>, vector<4096x32xf32>
    %lt3A = arith.constant 21 : i32
    %lt3A_9 = vector.broadcast %lt3A : i32 to vector<4096x32xi32>
    %lt3A_10 = arith.cmpi slt, %iota3A, %lt3A_9 : vector<4096x32xi32>
    %lt3A_11 = arith.constant 21 : i32
    %lt3A_12 = vector.broadcast %lt3A_11 : i32 to vector<4096x32xi32>
    %lt3A_13 = arith.cmpi slt, %iota3A, %lt3A_12 : vector<4096x32xi32>
    %jit3A_14 = arith.constant 0.000000e+00 : f32
    %broadcast_in_dim3A = vector.broadcast %jit3A_14 : f32 to vector<4096x32xf32>
    %select_n3A_15 = arith.select %lt3A_13, %select_n3A, %broadcast_in_dim3A : vector<4096x32xi1>, vector<4096x32xf32>
    %exp3A = math.exp %select_n3A_15 : vector<4096x32xf32>
    %add3A = arith.constant 1.000000e+00 : f32
    %add3A_16 = vector.broadcast %add3A : f32 to vector<4096x32xf32>
    %add3A_17 = arith.addf %add3A_16, %exp3A : vector<4096x32xf32>
    %log3A = math.log %add3A_17 : vector<4096x32xf32>
    %jit3A_18 = arith.constant 0.000000e+00 : f32
    %broadcast_in_dim3A_19 = vector.broadcast %jit3A_18 : f32 to vector<4096x32xf32>
    %select_n3A_20 = arith.select %lt3A_10, %log3A, %broadcast_in_dim3A_19 : vector<4096x32xi1>, vector<4096x32xf32>
    %reduce_sum3A = vector.shape_cast %select_n3A_20 : vector<4096x32xf32> to vector<1x4096x32xf32>
    %reduce_sum3A_21 = arith.constant dense<0.000000e+00> : vector<1xf32>
    %reduce_sum3A_22 = vector.multi_reduction <add>, %reduce_sum3A, %reduce_sum3A_21 [1, 2] : vector<1x4096x32xf32> to vector<1xf32>
    %reduce_sum3A_23 = vector.shape_cast %reduce_sum3A_22 : vector<1xf32> to vector<1x1x1xf32>
    %reduce_sum3A_24 = vector.extract %reduce_sum3A_23[0, 0, 0] : f32 from vector<1x1x1xf32>
    %mul3A = arith.constant 2.44140625E-4 : f32
    %mul3A_25 = arith.mulf %reduce_sum3A_24, %mul3A : f32
    %swap3A = arith.constant 0 : index
    %swap3A_26 = arith.constant 0 : index
    %swap3A_27 = memref.load %arg1[%swap3A, %swap3A_26] : memref<1x1xf32, #tpu.memory_space<smem>>
    memref.store %mul3A_25, %arg1[%swap3A, %swap3A_26] : memref<1x1xf32, #tpu.memory_space<smem>>
    return
  }
}

</mosaic_0001>

<sc_bundles>
// kernel: kernel.4.cloned.1.call-start
scs
__scs_entry_jumppad:
0x0: {  	(pc) =	sbr.rel $0x88, $3  }
0x1: {  	(tag) =	ssettag $0x0;
	lr =	simm.s32 $0x1  }
0x2: {  	[smem:$0x3F9C] =	sst lr;
	_ =	strace $0xD0000000  }
0x3: {  	_ = 	snop  }
0x4: {  	_ = 	snop  }
0x5: {  	_ = 	snop  }
0x6: {  	_ = 	snop  }
0x7: {  	_ = 	snop  }
__scs_overlays_trampoline_lowered:
0x8: {  	[smem:$0x3FAB] =	sst s0  }
0x9: {  	[smem:$0x3FAC] =	sst s1  }
0xa: {  	[smem:$0x3FAD] =	sst s2  }
0xb: {  	[smem:$0x3FAE] =	sst s3  }
0xc: {  	[smem:$0x3FAF] =	sst s4  }
0xd: {  	[smem:$0x3FB0] =	sst s5  }
0xe: {  	[smem:$0x3FB1] =	sst s6  }
0xf: {  	[smem:$0x3FB2] =	sst s7  }
0x10: {  	[smem:$0x3FB3] =	sst s8  }
0x11: {  	[smem:$0x3FB4] =	sst s9;
	s0 =	simm.s32 @!p0 $0x0  }
0x12: {  	s1 =	sld [smem:$0x3F9A];
	s0 =	simm.s32 @p0 $0x1  }
0x13: {  	[smem:$0x3FB5] =	sst s0;
	s0 =	simm.s32 @!p1 $0x0  }
0x14: {  	s2 =	sld [smem:$0x3F99];
	s0 =	simm.s32 @p1 $0x1  }
0x15: {  	[smem:$0x3FB6] =	sst s0;
	s0 =	simm.s32 @!p2 $0x0  }
0x16: {  	s3 =	sld [smem:$0x3FDB];
	s0 =	simm.s32 @p2 $0x1  }
0x17: {  	s4 =	simm.s32 $0x1BF5;
	[smem:$0x3FB8] =	sst s0  }
0x18: {  	s0 =	sld [smem:$0x3F9B];
	_ =	swait.ge [sflag:s4], $0x0  }
0x19: {  	s7 =	sld [smem:$0x3F9C]  }
0x1a: {  	s8 =	sadd.s32 $0xFFFFE003, lr  }
0x1b: {  	s9 =	sadd.s32 $0xFFFFFEF7, lr;
	s5 =	simm.s32 $0xFFFFFFFF;
	p2 =	slt.u32 s8, $0xFFFFF086  }
0x1c: {  	p1 =	slt.u32 s9, $0xF7A;
	s5 =	simm.s32 @!p2 $0x0  }
0x1d: {  	s5 =	simm.s32 @p1 $0x1;
	p0 =	seq.s32 s7, s2  }
0x1e: {  	s7 =	smul.u32 @!p0 $0xF7A, s2;
	p2 =	seq.s32 @!p0 s5, $0x0  }
0x1f: {  	s9 =	smul.u32 $0xF7A, s1;
	s8 =	simm.s32 @!p0 $0x1BF5;
	p2 =	por !p2, p0  }
0x20: {  	[sflag:s8] =	ssyncset.s32 @!p0 $0xFFFFF086;
	s6 =	sadd.s32 @!p0 s3, s7;
	s7 =	simm.s32 @!p0 $0x108  }
0x21: {  	s3 =	sadd.s32 s3, s9;
	s6 =	sadd.s32 @!p0 $0x88, s6;
	s7 =	simm.s32 @p2 $0x1082  }
0x22: {  	[simem:s7], [sflag:s8] =	dma.local @!p0 [hbm:s6], $0xF7A  }
0x23: {  	s9 =	sor.u32 $0xD0000000, s2;
	s6 =	simm.s32 $0x108;
	_ =	swait.ge @!p0 [sflag:s8], $0x0  }
0x24: {  	s3 =	sadd.s32 $0x88, s3;
	s6 =	simm.s32 @!p1 $0x1082;
	[sflag:s4] =	ssyncset.s32 $0xFFFFF086  }
0x25: {  	[simem:s6], [sflag:s4] =	dma.local [hbm:s3], $0xF7A  }
0x26: {  	[smem:$0x3F9C] =	sst s1;
	(tag) =	ssettag s2;
	_ =	strace s9  }
0x27: {  	s1 =	sld [smem:$0x3FAC]  }
0x28: {  	s2 =	sld [smem:$0x3FAD]  }
0x29: {  	s4 =	sld [smem:$0x3FAF]  }
0x2a: {  	p0 =	seq.s32 s5, $0x0;
	s5 =	sld [smem:$0x3FB0]  }
0x2b: {  	s6 =	sld [smem:$0x3FB1]  }
0x2c: {  	s7 =	sld [smem:$0x3FB2]  }
0x2d: {  	s3 =	simm.s32 $0x108;
	s8 =	sld [smem:$0x3FB3]  }
0x2e: {  	s3 =	simm.s32 @!p0 $0x1082;
	s9 =	sld [smem:$0x3FB4]  }
0x2f: {  	lr =	sadd.s32 s0, s3;
	s0 =	sld [smem:$0x3FAB]  }
0x30: {  	s3 =	sld [smem:$0x3FAE]  }
0x31: {  	[smem:$0x3FB7] =	sst s10  }
0x32: {  	s10 =	sld [smem:$0x3FB5];
	_ =	sdelay $0x3  }
0x33: {  	p0 =	seq.s32 s10, $0x1;
	s10 =	sld [smem:$0x3FB7];
	_ =	sdelay $0x3  }
0x34: {  	[smem:$0x3FB7] =	sst s10  }
0x35: {  	s10 =	sld [smem:$0x3FB6];
	_ =	sdelay $0x3  }
0x36: {  	p1 =	seq.s32 s10, $0x1;
	s10 =	sld [smem:$0x3FB7];
	_ =	sdelay $0x3  }
0x37: {  	[smem:$0x3FB7] =	sst s10  }
0x38: {  	s10 =	sld [smem:$0x3FB8]  }
0x39: {  	_ = 	snop;
	(pc) =	sbr.ind lr, $3  }
0x3a: {  	_ = 	snop  }
0x3b: {  	_ = 	snop  }
0x3c: {  	p2 =	seq.s32 s10, $0x1;
	s10 =	sld [smem:$0x3FB7]  }
0x3d: {  	_ =	shalt  }
0x3e: {  	_ =	shalt  }
0x3f: {  	_ =	shalt  }
0x40: {  	_ =	shalt  }
0x41: {  	_ =	shalt  }
0x42: {  	_ =	shalt  }
0x43: {  	_ =	shalt  }
0x44: {  	_ =	shalt  }
0x45: {  	_ =	shalt  }
0x46: {  	_ =	shalt  }
0x47: {  	_ =	shalt  }
0x48: {  	_ =	shalt  }
0x49: {  	_ =	shalt  }
0x4a: {  	_ =	shalt  }
0x4b: {  	_ =	shalt  }
0x4c: {  	_ =	shalt  }
0x4d: {  	_ =	shalt  }
0x4e: {  	_ =	shalt  }
0x4f: {  	_ =	shalt  }
0x50: {  	_ =	shalt  }
0x51: {  	_ =	shalt  }
0x52: {  	_ =	shalt  }
0x53: {  	_ =	shalt  }
0x54: {  	_ =	shalt  }
0x55: {  	_ =	shalt  }
0x56: {  	_ =	shalt  }
0x57: {  	_ =	shalt  }
0x58: {  	_ =	shalt  }
0x59: {  	_ =	shalt  }
0x5a: {  	_ =	shalt  }
0x5b: {  	_ =	shalt  }
0x5c: {  	_ =	shalt  }
0x5d: {  	_ =	shalt  }
0x5e: {  	_ =	shalt  }
0x5f: {  	_ =	shalt  }
0x60: {  	_ =	shalt  }
0x61: {  	_ =	shalt  }
0x62: {  	_ =	shalt  }
0x63: {  	_ =	shalt  }
0x64: {  	_ =	shalt  }
0x65: {  	_ =	shalt  }
0x66: {  	_ =	shalt  }
0x67: {  	_ =	shalt  }
0x68: {  	_ =	shalt  }
0x69: {  	_ =	shalt  }
0x6a: {  	_ =	shalt  }
0x6b: {  	_ =	shalt  }
0x6c: {  	_ =	shalt  }
0x6d: {  	_ =	shalt  }
0x6e: {  	_ =	shalt  }
0x6f: {  	_ =	shalt  }
0x70: {  	_ =	shalt  }
0x71: {  	_ =	shalt  }
0x72: {  	_ =	shalt  }
0x73: {  	_ =	shalt  }
0x74: {  	_ =	shalt  }
0x75: {  	_ =	shalt  }
0x76: {  	_ =	shalt  }
0x77: {  	_ =	shalt  }
0x78: {  	_ =	shalt  }
0x79: {  	_ =	shalt  }
0x7a: {  	_ =	shalt  }
0x7b: {  	_ =	shalt  }
0x7c: {  	_ =	shalt  }
0x7d: {  	_ =	shalt  }
0x7e: {  	_ =	shalt  }
0x7f: {  	_ =	shalt  }
0x80: {  	_ =	shalt  }
0x81: {  	_ =	shalt  }
0x82: {  	_ =	shalt  }
0x83: {  	_ =	shalt  }
0x84: {  	_ =	shalt  }
0x85: {  	_ =	shalt  }
0x86: {  	_ =	shalt  }
0x87: {  	_ =	shalt  }
.Lfunc_end0:
.L_simem_size_0:
called_computation_lowered:
.L_overlay_start_0:
0x88: {  	s2 =	sld [smem:$0x3FD9]  }
0x89: {  	s3 =	sld [smem:$0x3FFE];
	_ =	sdelay $0x1  }
0x8a: {  	s1 =	srdreg.scid  }
0x8b: {  	s0 =	sand.u32 $0x1, s1  }
0x8c: {  	s17 =	sshll.u32 s0, $0xA;
	s2 =	sadd.s32 s3, s2  }
0x8d: {  	s2 =	sadd.s32 s2, s17  }
0x8e: {  	[smem:$0x3FC3] =	sst s2  }
0x8f: {  	_ = 	snop  }
0x90: {  	s2 =	sld [smem:$0x3FC9]  }
0x91: {  	s18 =	sld [smem:$0x3FC8]  }
0x92: {  	s4 =	sld [smem:$0x3FC6]  }
0x93: {  	s5 =	sld [smem:$0x3FC5];
	(tm) =	ssettm $0x1  }
0x94: {  	s6 =	sld [smem:$0x3FFB];
	_ =	sdelay $0x3  }
0x95: {  	_ =	strace s6  }
0x96: {  	s6 =	sld [smem:$0x3FFC];
	_ =	sdelay $0x3  }
0x97: {  	_ =	strace s6  }
0x98: {  	s6 =	sld [smem:$0x3FFD];
	_ =	sdelay $0x3  }
0x99: {  	_ =	strace s6  }
0x9a: {  	_ =	strace $0x8FFFFFFF  }
0x9b: {  	s19 =	sld [smem:$0x3FDB];
	_ =	sdelay $0x1  }
0x9c: {  	s7 =	simm.s32 $_scs_section_size  }
0x9d: {  	s8 =	simm.s32 $_size__tile_overlayer_lowered;
	s9 =	simm.s32 $_tile_overlayer_lowered  }
0x9e: {  	s22 =	simm.s32 $0x1BFF;
	s21 =	sshll.u32 s9, $0x1;
	s6 =	sadd.s32 s7, s19  }
0x9f: {  	s10 =	simm.s32 $0x0;
	s20 =	sshll.u32 s8, $0x1;
	s8 =	sadd.s32 s21, s6  }
0xa0: {  	[timem:s10], [sflag:s22] =	dma.local [hbm:s8], s20  }
0xa1: {  	_ =	swait.ge [sflag:s22], s20  }
0xa2: {  	s7 =	ssub.s32 $0x0, s20;
	[sflag:s22] =	ssyncset.done $0x0  }
0xa3: {  	[sflag:s22] =	ssyncadd.s32 s7;
	_ =	sdelay $0x1  }
0xa4: {  	s23 =	simm.s32 $0x1B8B  }
0xa5: {  	_ =	swait.ge [sflag:s23], $0x1  }
0xa6: {  	[sflag:s23] =	ssyncset.done $0x0  }
0xa7: {  	s25 =	simm.s32 $0x1B8E;
	s24 =	sld [smem:$0x3FFE];
	[sflag:s23] =	ssyncadd.s32 $0xFFFFFFFF  }
0xa8: {  	s26 =	simm.s32 $execute0_lowered;
	[smem:$0x3FD2] =	sst s25  }
0xa9: {  	s8 =	sshll.u32 s26, $0x1;
	_ =	strace $0x80000046;
	[dreg:$0x1] =	wrdreg $0xFFFFFFFF  }
0xaa: {  	s28 =	simm.s32 $_size_execute0_lowered;
	s6 =	sadd.s32 s6, s8;
	[dreg:$0x0] =	wrdreg $0x0  }
0xab: {  	s8 =	sshll.u32 s28, $0x1;
	[dreg:$0x2] =	wrdreg s6  }
0xac: {  	[dreg:$0x3] =	wrdreg s8  }
0xad: {  	[dreg:$0x4] =	wrdreg $0xC0  }
0xae: {  	_ =	task [dreg:s10], $0x5FFFF  }
0xaf: {  	[dreg:$0x1] =	wrdreg $0xFFFFFFFF  }
0xb0: {  	[dreg:$0x0] =	wrdreg $0x60  }
0xb1: {  	[dreg:$0x2] =	wrdreg s2  }
0xb2: {  	[dreg:$0x3] =	wrdreg s18  }
0xb3: {  	[dreg:$0x4] =	wrdreg s24  }
0xb4: {  	[dreg:$0x5] =	wrdreg s4  }
0xb5: {  	[dreg:$0x6] =	wrdreg s5  }
0xb6: {  	[dreg:$0x7] =	wrdreg $0x9  }
0xb7: {  	_ =	task.clear_ibuf [dreg:s10], $0x8FFFF;
	_ =	strace $0x90000046  }
0xb8: {  	s29 =	simm.s32 $0x9;
	_ =	strace $0x80000048  }
0xb9: {  	_ =	swait.ge [sflag:s29], $0x1  }
0xba: {  	[sflag:s29] =	ssyncadd.s32 $0xFFFFFFFF  }
0xbb: {  	_ =	strace $0x90000048  }
0xbc: {  	_ =	sfence  }
0xbd: {  	s30 =	sld [smem:$0x0];
	_ =	sdelay $0x2  }
0xbe: {  	s31 =	sshll.u32 s1, $0xD;
	s1 =	sshrl.u32 s1, $0x2  }
0xbf: {  	s3 =	sand.u32 $0x4000, s31;
	s1 =	sadd.s32 s1, s30  }
0xc0: {  	s0 =	sor.u32 s3, s0;
	s1 =	sshll.u32 s1, $0x11  }
0xc1: {  	s0 =	sor.u32 s1, s0  }
0xc2: {  	s0 =	sadd.s32 $0x8F2B, s0  }
0xc3: {  	[sflag:s0] =	ssyncadd.remote.s32 $0x1  }
0xc4: {  	_ =	sfence.sel $0xFFFF  }
0xc5: {  	[dreg:$0x0] =	wrdreg $0xFFFFFFFF;
	(pc) =	sbr.abs _section_cstart, $3  }
0xc6: {  	[dreg:$0x1] =	wrdreg $0xFFFFFFFF  }
0xc7: {  	_ =	task.clear_ibuf [dreg:s10], $0x2FFFF;
	_ =	strace $0x9FFFFFFF  }
0xc8: {  	(tm) =	ssettm $0x7FFFFFFF  }
0xc9: {  	_ =	shalt  }
tec
execute0_lowered:
.L_overlay_start_1:
0x0: {  	(tag) =	ssettag $0x1  }
0x1: {  	vm0 =	vcmask $0xB08  }
0x2: {  	vm1 =	vcmask $0x300;
	v0 =	vimm.s32 $0xEFCDAB89;
	v1 =	vimm.s32 $0x67452301  }
0x3: {  	v2 =	vimm.s32 $0xDCFE98BA;
	v3 =	vimm.s32 $0x54761032;
	vm2 =	vcmask $0x700  }
0x4: {  	v4 =	vimm.s32 $0xFEDCBA98;
	v5 =	vimm.s32 $0x76543210;
	vm0 =	vmor vm1, vm0  }
0x5: {  	vm1 =	vcmask $0x1310;
	v0 =	vunpack.c.l.s4.s8 v0;
	v1 =	vunpack.c.l.s4.s8 v1  }
0x6: {  	s0 =	rddreg [dreg:$0x0];
	v2 =	vunpack.c.l.s4.s8 v2;
	vm0 =	vmor vm0, vm1;
	vm1 =	vcmask $0x1B18  }
0x7: {  	s1 =	rddreg [dreg:$0x1];
	v3 =	vunpack.c.l.s4.s8 v3;
	vm0 =	vmor vm0, vm1;
	vm1 =	vcmask $0x2320  }
0x8: {  	s5 =	rddreg [dreg:$0x2];
	v0 =	vunpack.c.0.s8.s32 v0;
	v1 =	vunpack.c.0.s8.s32 v1;
	v2 =	vunpack.c.0.s8.s32 v2  }
0x9: {  	s2 =	rddreg [dreg:$0x3];
	s4 =	srdreg.scid;
	v3 =	vunpack.c.0.s8.s32 v3;
	vm0 =	vmor vm0, vm1;
	vm1 =	vcmask $0x2B28  }
0xa: {  	s7 =	stileid.u32;
	s3 =	rddreg [dreg:$0x4];
	s11 =	simm.s32 $0x100;
	v4 =	vunpack.c.l.s4.s8 v4;
	vm0 =	vmor vm0, vm1;
	v0 =	vcombine.low v1, v0  }
0xb: {  	s12 =	simm.s32 $0x1;
	s13 =	simm.s32 $0x10;
	s15 =	simm.s32 $0x2;
	v1 =	vcombine.low v3, v2;
	v2 =	vimm.s32 $0xBA98FEDC;
	v3 =	vimm.s32 $0x32107654  }
0xc: {  	s17 =	simm.s32 $0x3;
	s18 =	simm.s32 $0x50;
	s20 =	simm.s32 $0x18;
	vm1 =	vcmask $0x3330;
	v2 =	vunpack.c.l.s4.s8 v2;
	v3 =	vunpack.c.l.s4.s8 v3  }
0xd: {  	s21 =	simm.s32 $0x19;
	s22 =	simm.s32 $0x1A;
	s23 =	simm.s32 $0x1B;
	v5 =	vunpack.c.l.s4.s8 v5;
	v4 =	vunpack.c.0.s8.s32 v4;
	vm0 =	vmor vm0, vm1  }
0xe: {  	s6 =	sand.u32 $0x1, s4;
	s7 =	sshll.u32 s7, $0x1;
	s4 =	simm.s32 $0x0;
	vm1 =	vcmask $0x3B38;
	v2 =	vunpack.c.0.s8.s32 v2;
	v3 =	vunpack.c.0.s8.s32 v3  }
0xf: {  	vm3 =	vcmask $0x3730;
	s24 =	simm.s32 $0x0;
	s7 =	sor.u32 s6, s7;
	[smem:$0x7FF] =	sst s4;
	v4 =	vand.u32 $0xF, v4;
	vm0 =	vmor vm0, vm1  }
0x10: {  	s6 =	ssub.s32 $0x2, s6;
	s8 =	sshll.u32 s7, $0x9;
	_ =	strace $0x80000047;
	vm1 =	vcmask $0x1710;
	v2 =	vcombine.low v3, v2;
	v3 =	vunpack.c.0.s8.s32 v5  }
0x11: {  	s9 =	sshll.u32 s7, $0xB;
	s10 =	sshrl.u32 s6, $0x1;
	s7 =	sshll.u32 s7, $0x4;
	v0 =	vand.u32 $0xF, v0;
	vm1 =	vmor vm2, vm1;
	vm2 =	vcmask $0x2720  }
0x12: {  	s8 =	sadd.s32 s8, s5;
	s9 =	sadd.s32 s9, s5;
	s10 =	ssub.s32 s6, s10;
	vm1 =	vmor vm1, vm2;
	v16 =	vand.u32 $0xF, v2;
	v9 =	vcombine.low v4, v3  }
0x13: {  	s5 =	sadd.s32 s0, s7;
	s6 =	sadd.s32 s1, s7;
	s7 =	sadd.s32 $0x600, s8;
	vm2 =	vcmask $0x2F20;
	vm1 =	vmor vm1, vm3;
	vm3 =	vcmask $0xF00;
	[tilespmem:$0x1FFE0] =	vst v16  }
0x14: {  	s8 =	sadd.s32 $0x4600, s9;
	s9 =	smax.u32 s10, $0x1;
	s10 =	simm.s32 $0x80;
	v1 =	vand.u32 $0xF, v1;
	vm2 =	vmor vm3, vm2;
	vm3 =	vmmov $0xff;
	[tilespmem:$0x1FFF0] =	vst v9  }
.LBB2_1:
0x15: {  	[tilespmem:s4], [sflag:$0x1] =	stream.linear.gather [hbm4b:s5+s4], $0x80, $0x38;
	[tilespmem:$0x17100] =	vst v63  }
0x16: {  	_ = 	snop  }
0x17: {  	[tilespmem:s10], [sflag:$0x2] =	stream.linear.gather [hbm4b:s6+s4], $0x80, $0x38;
	[tilespmem:$0x17100] =	vst v63  }
0x18: {  	_ = 	snop  }
0x19: {  	[tilespmem:s11], [sflag:$0x3] =	stream.linear.gather [hbm4b:s7+s4], $0x1000, $0x38;
	[tilespmem:$0x17100] =	vst v63  }
0x1a: {  	_ =	swait.ge [sflag:s12], $0x80  }
0x1b: {  	[sflag:s12] =	ssyncset.done $0x0  }
0x1c: {  	s0 =	simm.s32 $0x1100;
	[sflag:s12] =	ssyncadd.s32 $0xFFFFFF80  }
0x1d: {  	[tilespmem:s0], [sflag:$0x4] =	stream.indirect.gather [hbm4b:s2+s13], $0x80, s4, s13, $0xb8;
	[tilespmem:$0x17100] =	vst v63  }
0x1e: {  	_ =	swait.ge [sflag:s15], $0x80  }
0x1f: {  	[sflag:s15] =	ssyncset.done $0x0  }
0x20: {  	s1 =	simm.s32 $0x5100;
	[sflag:s15] =	ssyncadd.s32 $0xFFFFFF80  }
0x21: {  	[tilespmem:s1], [sflag:$0xC] =	stream.indirect.gather [hbm4b:s3+s13], $0x80, s10, s13, $0xb8;
	[tilespmem:$0x17100] =	vst v63  }
0x22: {  	_ =	swait.ge [sflag:s17], $0x1000  }
0x23: {  	[sflag:s17] =	ssyncset.done $0x0  }
0x24: {  	s14 =	simm.s32 $0x9100;
	[sflag:s17] =	ssyncadd.s32 $0xFFFFF000  }
0x25: {  	[tilespmem:s14], [sflag:$0x14] =	stream.indirect.gather [hbm4b:s3+s18], $0x80, s11, s18, $0xb8;
	[tilespmem:$0x17100] =	vst v63  }
0x26: {  	s16 =	simm.s32 $0x180;
	s1 =	simm.s32 $0xB900  }
0x27: {  	[tilespmem:s1], [sflag:$0x15] =	stream.indirect.gather [hbm4b:s3+s18], $0x80, s16, s18, $0xb8;
	[tilespmem:$0x17100] =	vst v63  }
0x28: {  	s19 =	simm.s32 $0x200;
	s25 =	simm.s32 $0xE100  }
0x29: {  	[tilespmem:s25], [sflag:$0x16] =	stream.indirect.gather [hbm4b:s3+s18], $0x80, s19, s18, $0xb8;
	[tilespmem:$0x17100] =	vst v63  }
0x2a: {  	s26 =	simm.s32 $0x280;
	s31 =	simm.s32 $0x10900  }
0x2b: {  	[tilespmem:s31], [sflag:$0x17] =	stream.indirect.gather [hbm4b:s3+s18], $0x80, s26, s18, $0xb8;
	[tilespmem:$0x17100] =	vst v63  }
0x2c: {  	s1 =	simm.s32 $0x1900  }
0x2d: {  	[tilespmem:s1], [sflag:$0x5] =	stream.indirect.gather [hbm4b:s2+s13], $0x80, s13, s13, $0xb8;
	[tilespmem:$0x17100] =	vst v63  }
0x2e: {  	s14 =	simm.s32 $0x90;
	s16 =	simm.s32 $0x5900  }
0x2f: {  	[tilespmem:s16], [sflag:$0xD] =	stream.indirect.gather [hbm4b:s3+s13], $0x80, s14, s13, $0xb8;
	[tilespmem:$0x17100] =	vst v63  }
0x30: {  	s19 =	simm.s32 $0x20;
	s25 =	simm.s32 $0x2100  }
0x31: {  	[tilespmem:s25], [sflag:$0x6] =	stream.indirect.gather [hbm4b:s2+s13], $0x80, s19, s13, $0xb8;
	[tilespmem:$0x17100] =	vst v63  }
0x32: {  	s26 =	simm.s32 $0xA0;
	s31 =	simm.s32 $0x6100  }
0x33: {  	[tilespmem:s31], [sflag:$0xE] =	stream.indirect.gather [hbm4b:s3+s13], $0x80, s26, s13, $0xb8;
	[tilespmem:$0x17100] =	vst v63  }
0x34: {  	s14 =	simm.s32 $0x30;
	s16 =	simm.s32 $0x2900  }
0x35: {  	[tilespmem:s16], [sflag:$0x7] =	stream.indirect.gather [hbm4b:s2+s13], $0x80, s14, s13, $0xb8;
	[tilespmem:$0x17100] =	vst v63  }
0x36: {  	s19 =	simm.s32 $0xB0;
	s25 =	simm.s32 $0x6900  }
0x37: {  	[tilespmem:s25], [sflag:$0xF] =	stream.indirect.gather [hbm4b:s3+s13], $0x80, s19, s13, $0xb8;
	[tilespmem:$0x17100] =	vst v63  }
0x38: {  	s26 =	simm.s32 $0x40;
	s31 =	simm.s32 $0x3100  }
0x39: {  	[tilespmem:s31], [sflag:$0x8] =	stream.indirect.gather [hbm4b:s2+s13], $0x80, s26, s13, $0xb8;
	[tilespmem:$0x17100] =	vst v63  }
0x3a: {  	s1 =	simm.s32 $0xC0;
	s14 =	simm.s32 $0x7100  }
0x3b: {  	[tilespmem:s14], [sflag:$0x10] =	stream.indirect.gather [hbm4b:s3+s13], $0x80, s1, s13, $0xb8;
	[tilespmem:$0x17100] =	vst v63  }
0x3c: {  	s16 =	simm.s32 $0x3900  }
0x3d: {  	[tilespmem:s16], [sflag:$0x9] =	stream.indirect.gather [hbm4b:s2+s13], $0x80, s18, s13, $0xb8;
	[tilespmem:$0x17100] =	vst v63  }
0x3e: {  	s19 =	simm.s32 $0xD0;
	s25 =	simm.s32 $0x7900  }
0x3f: {  	[tilespmem:s25], [sflag:$0x11] =	stream.indirect.gather [hbm4b:s3+s13], $0x80, s19, s13, $0xb8;
	[tilespmem:$0x17100] =	vst v63  }
0x40: {  	s26 =	simm.s32 $0x60;
	s31 =	simm.s32 $0x4100  }
0x41: {  	[tilespmem:s31], [sflag:$0xA] =	stream.indirect.gather [hbm4b:s2+s13], $0x80, s26, s13, $0xb8;
	[tilespmem:$0x17100] =	vst v63  }
0x42: {  	s14 =	simm.s32 $0xE0;
	s16 =	simm.s32 $0x8100  }
0x43: {  	[tilespmem:s16], [sflag:$0x12] =	stream.indirect.gather [hbm4b:s3+s13], $0x80, s14, s13, $0xb8;
	[tilespmem:$0x17100] =	vst v63  }
0x44: {  	s28 =	simm.s32 $0x1140;
	s19 =	simm.s32 $0x70;
	s25 =	simm.s32 $0x4900  }
0x45: {  	[tilespmem:s25], [sflag:$0xB] =	stream.indirect.gather [hbm4b:s2+s13], $0x80, s19, s13, $0xb8;
	[tilespmem:$0x17100] =	vst v63  }
0x46: {  	s29 =	simm.s32 $0x0;
	s26 =	simm.s32 $0xF0;
	s31 =	simm.s32 $0x8900  }
0x47: {  	[tilespmem:s31], [sflag:$0x13] =	stream.indirect.gather [hbm4b:s3+s13], $0x80, s26, s13, $0xb8;
	[tilespmem:$0x17100] =	vst v63  }
0x48: {  	s30 =	simm.s32 $0x0;
	s25 =	simm.s32 $0x13110;
	s26 =	simm.s32 $0x5140  }
.LBB2_2:
0x49: {  	s0 =	sand.u32 $0x3, s30  }
0x4a: {  	p0 =	sne.s32 s0, $0x0  }
0x4b: {  	s1 =	sshra.s32 @!p0 s30, $0x2  }
0x4c: {  	s14 =	sadd.s32 @!p0 $0x4, s1  }
0x4d: {  	_ =	swait.ge @!p0 [sflag:s14], $0x800  }
0x4e: {  	[sflag:s14] =	ssyncset.done @!p0 $0x0  }
0x4f: {  	s16 =	sand.u32 $0x3, s29;
	s1 =	sadd.s32 @!p0 $0xC, s1;
	[sflag:s14] =	ssyncadd.s32 @!p0 $0xFFFFF800  }
0x50: {  	s16 =	smul.u32 $0xA000, s16;
	_ =	swait.ge @!p0 [sflag:s1], $0x800  }
0x51: {  	s19 =	smul.u32 $0xA000, s0;
	[sflag:s1] =	ssyncset.done @!p0 $0x0  }
0x52: {  	s31 =	sor.u32 $0x14, s0;
	[sflag:s1] =	ssyncadd.s32 @!p0 $0xFFFFF800  }
0x53: {  	s19 =	sshrl.u32 s19, $0x2;
	s14 =	sshrl.u32 s16, $0x2;
	_ =	swait.ge [sflag:s31], $0x2800  }
0x54: {  	v2 =	vmov s25;
	s16 =	simm.s32 $0x0;
	s0 =	sadd.s32 $0x9600, s14;
	[sflag:s31] =	ssyncset.done $0x0  }
0x55: {  	v59 =	vmov s28;
	v5 =	vmov s26;
	s14 =	sshll.u32 s30, $0x9;
	s1 =	sadd.s32 $0x9100, s19;
	[tilespmem:$0x1FFD0] =	vst v2;
	[sflag:s31] =	ssyncadd.s32 $0xFFFFD800  }
.LBB2_3:
0x56: {  	v31 =	vld [tilespmem:s0+$0xFFFFFB00]  }
0x57: {  	v32 =	vld [tilespmem:s0+$0xFFFFFB10]  }
0x58: {  	v33 =	vld [tilespmem:s0+$0xFFFFFB20]  }
0x59: {  	v36 =	vld [tilespmem:s0+$0xFFFFFB30]  }
0x5a: {  	v37 =	vld [tilespmem:s0+$0xFFFFFB40]  }
0x5b: {  	v51 =	vld [tilespmem:s0+$0xFFFFFB50]  }
0x5c: {  	v52 =	vld [tilespmem:s0+$0xFFFFFB60]  }
0x5d: {  	v55 =	vld [tilespmem:s0+$0xFFFFFB70]  }
0x5e: {  	v39 =	vld [tilespmem:s0+$0xFFFFFB80]  }
0x5f: {  	v43 =	vld [tilespmem:s0+$0xFFFFFB90]  }
0x60: {  	v56 =	vld [tilespmem:s0+$0xFFFFFBA0]  }
0x61: {  	v57 =	vld [tilespmem:s0+$0xFFFFFBB0]  }
0x62: {  	v58 =	vld [tilespmem:s0+$0xFFFFFBC0]  }
0x63: {  	v61 =	vld [tilespmem:s0+$0xFFFFFBD0]  }
0x64: {  	v62 =	vld [tilespmem:s0+$0xFFFFFBE0]  }
0x65: {  	v3 =	vld [tilespmem:s0+$0xFFFFFBF0]  }
0x66: {  	v2 =	vld [tilespmem:s0+$0xFFFFFC00]  }
0x67: {  	v4 =	vld [tilespmem:s0+$0xFFFFFC10]  }
0x68: {  	v21 =	vld [tilespmem:s0+$0xFFFFFC20]  }
0x69: {  	v20 =	vld [tilespmem:s0+$0xFFFFFC30]  }
0x6a: {  	v29 =	vld [tilespmem:s0+$0xFFFFFC40]  }
0x6b: {  	v34 =	vld [tilespmem:s0+$0xFFFFFC50]  }
0x6c: {  	v35 =	vld [tilespmem:s0+$0xFFFFFC60]  }
0x6d: {  	v18 =	vld [tilespmem:s0+$0xFFFFFC70]  }
0x6e: {  	v22 =	vld [tilespmem:s0+$0xFFFFFC80]  }
0x6f: {  	v40 =	vld [tilespmem:s0+$0xFFFFFC90]  }
0x70: {  	v41 =	vld [tilespmem:s0+$0xFFFFFCA0]  }
0x71: {  	v42 =	vld [tilespmem:s0+$0xFFFFFCB0]  }
0x72: {  	v44 =	vld [tilespmem:s0+$0xFFFFFCC0]  }
0x73: {  	v45 =	vld [tilespmem:s0+$0xFFFFFCD0]  }
0x74: {  	v46 =	vld [tilespmem:s0+$0xFFFFFCE0]  }
0x75: {  	v28 =	vld [tilespmem:s0+$0xFFFFFCF0]  }
0x76: {  	v47 =	vld [tilespmem:s0+$0xFFFFFD10]  }
0x77: {  	v48 =	vld [tilespmem:s0+$0xFFFFFD20]  }
0x78: {  	v38 =	vld [tilespmem:s0+$0xFFFFFD30]  }
0x79: {  	v26 =	vld [tilespmem:s0+$0xFFFFFD40]  }
0x7a: {  	v19 =	vld [tilespmem:s0+$0xFFFFFD50]  }
0x7b: {  	v53 =	vld [tilespmem:s0+$0xFFFFFD60]  }
0x7c: {  	v54 =	vld [tilespmem:s0+$0xFFFFFD70]  }
0x7d: {  	v49 =	vld [tilespmem:s0+$0xFFFFFD80]  }
0x7e: {  	v50 =	vld [tilespmem:s0+$0xFFFFFD90]  }
0x7f: {  	v25 =	vld [tilespmem:s0+$0xFFFFFDB0]  }
0x80: {  	v60 =	vld [tilespmem:s0+$0xFFFFFDD0]  }
0x81: {  	s19 =	sshra.s32 s16, $0x2;
	v63 =	vld [tilespmem:s0+$0xFFFFFDE0]  }
0x82: {  	v13 =	vld.idx.msk [tilespmem:v59+s19+$0xFFFFFFC0 ss:$0x1], $0xffff  }
0x83: {  	v14 =	vld.idx.msk [tilespmem:v59+s19+$0xFFFFFFD0 ss:$0x1], $0xffff  }
0x84: {  	v12 =	vld.idx.msk [tilespmem:v59+s19+$0xFFFFFFE0 ss:$0x1], $0xffff  }
0x85: {  	v11 =	vld.idx.msk [tilespmem:v59+s19+$0xFFFFFFF0 ss:$0x1], $0xffff  }
0x86: {  	v10 =	vld.idx.msk [tilespmem:v59+s19+$0x0 ss:$0x1], $0xffff  }
0x87: {  	v9 =	vld.idx.msk [tilespmem:v59+s19+$0x10 ss:$0x1], $0xffff  }
0x88: {  	v8 =	vld.idx.msk [tilespmem:v59+s19+$0x20 ss:$0x1], $0xffff  }
0x89: {  	v7 =	vld.idx.msk [tilespmem:v59+s19+$0x30 ss:$0x1], $0xffff  }
0x8a: {  	v6 =	vld.idx.msk [tilespmem:v5+s19+$0xFFFFFFC0 ss:$0x1], $0xffff  }
0x8b: {  	v15 =	vld.idx.msk [tilespmem:v5+s19+$0xFFFFFFD0 ss:$0x1], $0xffff  }
0x8c: {  	v16 =	vld.idx.msk [tilespmem:v5+s19+$0xFFFFFFE0 ss:$0x1], $0xffff  }
0x8d: {  	v17 =	vld.idx.msk [tilespmem:v5+s19+$0xFFFFFFF0 ss:$0x1], $0xffff  }
0x8e: {  	v23 =	vld.idx.msk [tilespmem:v5+s19+$0x0 ss:$0x1], $0xffff  }
0x8f: {  	v24 =	vld.idx.msk [tilespmem:v5+s19+$0x10 ss:$0x1], $0xffff  }
0x90: {  	v27 =	vld.idx.msk [tilespmem:v5+s19+$0x20 ss:$0x1], $0xffff  }
0x91: {  	v30 =	vld.idx.msk [tilespmem:v5+s19+$0x30 ss:$0x1], $0xffff;
	[tilespmem:$0x1FEA0] =	vst v18  }
0x92: {  	v18 =	vld [tilespmem:s0+$0xFFFFFD00];
	[tilespmem:$0x1FEB0] =	vst v19  }
0x93: {  	[tilespmem:$0x1FEC0] =	vst v53;
	v19 =	vld [tilespmem:s0+$0xFFFFFDA0]  }
0x94: {  	[tilespmem:$0x1FF20] =	vst v54;
	v53 =	vld [tilespmem:s0+$0xFFFFFDC0]  }
0x95: {  	[tilespmem:$0x1FEE0] =	vst v60;
	v60 =	vld [tilespmem:s0+$0xFFFFFDF0];
	v6 =	vmul.f32 v6, v13;
	v15 =	vmul.f32 v15, v14  }
0x96: {  	[tilespmem:$0x1FF40] =	vst v63;
	v63 =	vld [tilespmem:s0+$0xFFFFFE00];
	v54 =	vmul.f32 v16, v12;
	v16 =	vmul.f32 v24, v9  }
0x97: {  	v24 =	vld [tilespmem:s0+$0xFFFFFED0];
	v22 =	vmul.f32 v22, v13;
	v40 =	vmul.f32 v40, v14  }
0x98: {  	v6 =	vadd.f32 v15, v6;
	v15 =	vld [tilespmem:s0+$0xFFFFFEB0]  }
0x99: {  	v2 =	vmul.f32 v2, v13;
	v4 =	vmul.f32 v4, v14;
	v22 =	vadd.f32 v40, v22;
	v40 =	vld [tilespmem:s0+$0x10]  }
0x9a: {  	[tilespmem:$0x1FF60] =	vst v60;
	v60 =	vld [tilespmem:s0+$0xFFFFFE10]  }
0x9b: {  	v41 =	vmul.f32 v41, v12;
	v2 =	vadd.f32 v4, v2;
	v4 =	vmul.f32 v21, v12;
	[tilespmem:$0x1FEF0] =	vst v63;
	v63 =	vld [tilespmem:s0+$0xFFFFFE20]  }
0x9c: {  	v20 =	vmul.f32 v20, v11;
	[tilespmem:$0x1FED0] =	vst v53;
	v53 =	vld [tilespmem:s0+$0xFFFFFE70];
	v6 =	vadd.f32 v54, v6;
	v54 =	vmul.f32 v17, v11  }
0x9d: {  	v17 =	vld [tilespmem:s0+$0xFFFFFEA0];
	v2 =	vadd.f32 v4, v2;
	v4 =	vmul.f32 v55, v7;
	v55 =	vmul.f32 v62, v8  }
0x9e: {  	v22 =	vadd.f32 v41, v22;
	v62 =	vmul.f32 v42, v11;
	v41 =	vmul.f32 v38, v11;
	v38 =	vld [tilespmem:s0+$0x70]  }
0x9f: {  	v42 =	vmul.f32 v29, v10;
	v6 =	vadd.f32 v54, v6;
	v54 =	vld [tilespmem:s0+$0xFFFFFEF0];
	v2 =	vadd.f32 v20, v2  }
0xa0: {  	v44 =	vmul.f32 v44, v10;
	v22 =	vadd.f32 v62, v22;
	v62 =	vld [tilespmem:s0+$0x30]  }
0xa1: {  	v2 =	vadd.f32 v42, v2;
	v42 =	vld [tilespmem:s0+$0x20]  }
0xa2: {  	v22 =	vadd.f32 v44, v22;
	v44 =	vmul.f32 v46, v8;
	v46 =	vmul.f32 v49, v13;
	v49 =	vld [tilespmem:$0x1FEE0];
	[tilespmem:$0x1FF00] =	vst v60  }
0xa3: {  	[tilespmem:$0x1FF10] =	vst v63;
	v60 =	vld [tilespmem:s0+$0xFFFFFE30]  }
0xa4: {  	v63 =	vld [tilespmem:s0+$0xFFFFFE40];
	[tilespmem:$0x1FF90] =	vst v53;
	v53 =	vmul.f32 v23, v10  }
0xa5: {  	v23 =	vld [tilespmem:s0+$0xFFFFFEC0]  }
0xa6: {  	v6 =	vadd.f32 v53, v6;
	v53 =	vmul.f32 v31, v13;
	v31 =	vld [tilespmem:s0+$0xFFFFFEE0]  }
0xa7: {  	v32 =	vmul.f32 v32, v14;
	[tilespmem:$0x1FFA0] =	vst v54;
	v54 =	vmul.f32 v43, v14;
	v43 =	vld [tilespmem:s0+$0xFFFFFF10]  }
0xa8: {  	v27 =	vmul.f32 v27, v8;
	v6 =	vadd.f32 v16, v6;
	v16 =	vld [tilespmem:s0+$0xFFFFFF00]  }
0xa9: {  	v33 =	vmul.f32 v33, v12;
	v32 =	vadd.f32 v32, v53;
	v53 =	vmul.f32 v39, v13;
	v39 =	vld [tilespmem:s0+$0xFFFFFF20]  }
0xaa: {  	[tilespmem:$0x1FF30] =	vst v60;
	v60 =	vld [tilespmem:s0+$0xFFFFFE50]  }
0xab: {  	[tilespmem:$0x1FF50] =	vst v63;
	v63 =	vld [tilespmem:s0+$0xFFFFFE60];
	v6 =	vadd.f32 v27, v6;
	v27 =	vadd.f32 v33, v32;
	v32 =	vmul.f32 v36, v11  }
0xac: {  	v33 =	vadd.f32 v54, v53;
	v53 =	vmul.f32 v56, v12;
	v36 =	vld [tilespmem:s0+$0xFFFFFF30];
	v56 =	vmul.f32 v57, v11  }
0xad: {  	v57 =	vmul.f32 v58, v10;
	v58 =	vmul.f32 v61, v9;
	v61 =	vld [tilespmem:s0+$0xFFFFFFA0]  }
0xae: {  	v30 =	vmul.f32 v30, v7;
	v54 =	vadd.f32 v32, v27;
	v32 =	vld [tilespmem:s0+$0xFFFFFF40]  }
0xaf: {  	v27 =	vld [tilespmem:s0+$0xFFFFFF50]  }
0xb0: {  	v6 =	vadd.f32 v30, v6;
	[tilespmem:$0x1FF70] =	vst v60;
	v60 =	vld [tilespmem:s0+$0xFFFFFE80]  }
0xb1: {  	[tilespmem:$0x1FF80] =	vst v63;
	v63 =	vld [tilespmem:s0+$0xFFFFFE90]  }
0xb2: {  	v37 =	vmul.f32 v37, v10;
	[tilespmem:$0x1FFC0] =	vst v6;
	v6 =	vadd.f32 v53, v33;
	v33 =	vld [tilespmem:s0+$0xFFFFFF60]  }
0xb3: {  	v53 =	vld [tilespmem:s0+$0xFFFFFF90]  }
0xb4: {  	v51 =	vmul.f32 v51, v9;
	v37 =	vadd.f32 v37, v54;
	v54 =	vmul.f32 v35, v8;
	v35 =	vld [tilespmem:$0x1FEA0]  }
0xb5: {  	v30 =	vadd.f32 v56, v6;
	v6 =	vld [tilespmem:s0+$0xFFFFFF70]  }
0xb6: {  	v52 =	vmul.f32 v52, v8;
	v37 =	vadd.f32 v51, v37;
	v56 =	vld [tilespmem:s0+$0xFFFFFFB0]  }
0xb7: {  	v51 =	vmul.f32 v34, v9;
	v34 =	vld [tilespmem:s0+$0x0]  }
0xb8: {  	v37 =	vadd.f32 v52, v37;
	v52 =	vld [tilespmem:s0+$0xFFFFFFC0]  }
0xb9: {  	v30 =	vadd.f32 v57, v30;
	v57 =	vld [tilespmem:s0+$0xFFFFFFD0]  }
0xba: {  	v2 =	vadd.f32 v51, v2;
	v51 =	vld [tilespmem:s0+$0x50]  }
0xbb: {  	v4 =	vadd.f32 v4, v37;
	v37 =	vld [tilespmem:s0+$0xFFFFFFE0]  }
0xbc: {  	v21 =	vadd.f32 v58, v30;
	v30 =	vld [tilespmem:s0+$0xFFFFFFF0]  }
0xbd: {  	v58 =	vmul.f32 v47, v14;
	v47 =	vmul.f32 v50, v14;
	v50 =	vld [tilespmem:$0x1FEF0]  }
0xbe: {  	v18 =	vmul.f32 v18, v13;
	v2 =	vadd.f32 v54, v2;
	v54 =	vld [tilespmem:$0x1FF00]  }
0xbf: {  	[tilespmem:$0x1FFB0] =	vst v6;
	v6 =	vld [tilespmem:s0+$0xFFFFFF80]  }
0xc0: {  	v18 =	vadd.f32 v58, v18;
	v58 =	vld [tilespmem:s0+$0x40]  }
0xc1: {  	v29 =	vadd.f32 v47, v46;
	v46 =	vld [tilespmem:$0x1FEB0]  }
0xc2: {  	v3 =	vmul.f32 v3, v7;
	v21 =	vadd.f32 v55, v21;
	v55 =	vmul.f32 v45, v9;
	v47 =	vld [tilespmem:$0x1FEC0]  }
0xc3: {  	v45 =	vmul.f32 v48, v12;
	v48 =	vld [tilespmem:$0x1FED0]  }
0xc4: {  	v20 =	vadd.f32 v3, v21;
	v3 =	vadd.f32 v55, v22;
	v55 =	vld [tilespmem:s0+$0x60]  }
0xc5: {  	v28 =	vmul.f32 v28, v7;
	v18 =	vadd.f32 v45, v18;
	v45 =	vmul.f32 v25, v11;
	v25 =	vld [tilespmem:s0+$0x90]  }
0xc6: {  	v22 =	vmul.f32 v35, v7;
	v35 =	vmul.f32 v49, v9;
	v49 =	vld [tilespmem:$0x1FF20]  }
0xc7: {  	v19 =	vmul.f32 v19, v12;
	v3 =	vadd.f32 v44, v3;
	v44 =	vmul.f32 v26, v10;
	v26 =	vld [tilespmem:s0+$0x80]  }
0xc8: {  	v21 =	vadd.f32 v22, v2;
	v2 =	vadd.f32 v41, v18;
	v41 =	vld [tilespmem:s0+$0xB0]  }
0xc9: {  	v18 =	vadd.f32 v28, v3;
	v3 =	vadd.f32 v19, v29;
	v29 =	vld [tilespmem:s0+$0xA0]  }
0xca: {  	v28 =	vmul.f32 v47, v8;
	v47 =	vld [tilespmem:s0+$0xD0]  }
0xcb: {  	v22 =	vmul.f32 v46, v9;
	v2 =	vadd.f32 v44, v2;
	v19 =	vmul.f32 v48, v10;
	v48 =	vld [tilespmem:$0x1FF10]  }
0xcc: {  	v44 =	vmul.f32 v54, v14;
	v54 =	vld [tilespmem:$0x1FF40]  }
0xcd: {  	v3 =	vadd.f32 v45, v3;
	v2 =	vadd.f32 v22, v2;
	v22 =	vmul.f32 v50, v13;
	v45 =	vld [tilespmem:s0+$0xC0]  }
0xce: {  	v50 =	vld [tilespmem:$0x1FF30]  }
0xcf: {  	v22 =	vadd.f32 v44, v22;
	v44 =	vld [tilespmem:s0+$0xE0]  }
0xd0: {  	v60 =	vmul.f32 v60, v13;
	v63 =	vmul.f32 v63, v14;
	v3 =	vadd.f32 v19, v3;
	v19 =	vld [tilespmem:s0+$0xF0]  }
0xd1: {  	v17 =	vmul.f32 v17, v12;
	v2 =	vadd.f32 v28, v2;
	v28 =	vmul.f32 v48, v12;
	v48 =	vld [tilespmem:s0+$0x100]  }
0xd2: {  	v46 =	vmul.f32 v49, v7;
	v35 =	vadd.f32 v35, v3;
	v3 =	vadd.f32 v63, v60;
	v60 =	vld [tilespmem:$0x1FF50]  }
0xd3: {  	v49 =	vmul.f32 v54, v8;
	v54 =	vld [tilespmem:$0x1FF70];
	v22 =	vadd.f32 v28, v22;
	v28 =	vmul.f32 v50, v11  }
0xd4: {  	v15 =	vmul.f32 v15, v11;
	v50 =	vld [tilespmem:s0+$0x110];
	v17 =	vadd.f32 v17, v3;
	v3 =	vadd.f32 v46, v2  }
0xd5: {  	v2 =	vadd.f32 v28, v22;
	v28 =	vadd.f32 v49, v35;
	v49 =	vld [tilespmem:$0x1FF60]  }
0xd6: {  	v63 =	vmul.f32 v23, v10;
	v46 =	vld [tilespmem:s0+$0x120];
	v15 =	vadd.f32 v15, v17  }
0xd7: {  	v22 =	vmul.f32 v60, v10;
	v60 =	vld [tilespmem:$0x1FF80]  }
0xd8: {  	v16 =	vmul.f32 v16, v13;
	v35 =	vld [tilespmem:s0+$0x130];
	v15 =	vadd.f32 v63, v15;
	v63 =	vmul.f32 v43, v14  }
0xd9: {  	v17 =	vmul.f32 v24, v9;
	v43 =	vld [tilespmem:s0+$0x160];
	v2 =	vadd.f32 v22, v2;
	v22 =	vmul.f32 v54, v9  }
0xda: {  	v23 =	vmul.f32 v49, v7;
	v49 =	vld [tilespmem:s0+$0x140];
	v16 =	vadd.f32 v63, v16;
	v63 =	vmul.f32 v39, v12  }
0xdb: {  	v15 =	vadd.f32 v17, v15;
	v17 =	vmul.f32 v31, v8;
	v31 =	vld [tilespmem:s0+$0x180]  }
0xdc: {  	v22 =	vadd.f32 v22, v2;
	v54 =	vmul.f32 v60, v8;
	v16 =	vadd.f32 v63, v16;
	v63 =	vld [tilespmem:$0x1FFA0]  }
0xdd: {  	v39 =	vld [tilespmem:s0+$0x190]  }
0xde: {  	v22 =	vadd.f32 v54, v22;
	v54 =	vld [tilespmem:$0x1FF90]  }
0xdf: {  	v6 =	vmul.f32 v6, v13;
	v60 =	vld [tilespmem:s0+$0x150];
	v2 =	vadd.f32 v23, v28  }
0xe0: {  	v28 =	vld [tilespmem:s0+$0x170];
	v15 =	vadd.f32 v17, v15;
	v17 =	vmul.f32 v53, v14;
	v23 =	vmul.f32 v36, v11  }
0xe1: {  	v36 =	vld [tilespmem:s0+$0x1A0];
	v53 =	vmul.f32 v63, v7;
	v63 =	vmul.f32 v27, v9  }
0xe2: {  	v27 =	vmul.f32 v57, v9;
	v57 =	vmul.f32 v40, v14;
	v40 =	vld [tilespmem:s0+$0x200]  }
0xe3: {  	v17 =	vadd.f32 v17, v6;
	v24 =	vmul.f32 v54, v7;
	v54 =	vmul.f32 v61, v12;
	v61 =	vld [tilespmem:s0+$0x1B0]  }
0xe4: {  	v16 =	vadd.f32 v23, v16;
	v23 =	vadd.f32 v53, v15;
	v53 =	vld [tilespmem:s0+$0x1D0]  }
0xe5: {  	v38 =	vmul.f32 v38, v7;
	v6 =	vadd.f32 v24, v22;
	v24 =	vmul.f32 v32, v10;
	v32 =	vld [tilespmem:s0+$0x1C0]  }
0xe6: {  	v56 =	vmul.f32 v56, v11;
	v37 =	vmul.f32 v37, v8;
	v15 =	vadd.f32 v54, v17;
	v54 =	vld [tilespmem:s0+$0x210]  }
0xe7: {  	v25 =	vmul.f32 v25, v14;
	v22 =	vmul.f32 v34, v13;
	v34 =	vld [tilespmem:s0+$0x220];
	v16 =	vadd.f32 v24, v16  }
0xe8: {  	v24 =	vmul.f32 v33, v8;
	v33 =	vld [tilespmem:s0+$0x1E0];
	v15 =	vadd.f32 v56, v15;
	v56 =	vmul.f32 v52, v10  }
0xe9: {  	v45 =	vmul.f32 v45, v10;
	v52 =	vld [tilespmem:s0+$0x1F0];
	v22 =	vadd.f32 v57, v22;
	v57 =	vmul.f32 v42, v12  }
0xea: {  	v16 =	vadd.f32 v63, v16;
	v15 =	vadd.f32 v56, v15;
	v63 =	vmul.f32 v26, v13;
	v56 =	vld [tilespmem:$0x1FFB0]  }
0xeb: {  	v19 =	vmul.f32 v19, v7;
	v42 =	vld [tilespmem:s0+$0x240];
	v22 =	vadd.f32 v57, v22;
	v57 =	vmul.f32 v62, v11  }
0xec: {  	v15 =	vadd.f32 v27, v15;
	v17 =	vadd.f32 v25, v63;
	v63 =	vmul.f32 v29, v12;
	v29 =	vld [tilespmem:s0+$0x230]  }
0xed: {  	v25 =	vmul.f32 v41, v11;
	v41 =	vld [tilespmem:s0+$0x250];
	v62 =	vadd.f32 v57, v22;
	v57 =	vmul.f32 v30, v7  }
0xee: {  	v30 =	vld [tilespmem:s0+$0x280];
	v27 =	vmul.f32 v55, v8;
	v55 =	vmul.f32 v50, v14;
	v17 =	vadd.f32 v63, v17  }
0xef: {  	v16 =	vadd.f32 v24, v16;
	v50 =	vld [tilespmem:s0+$0x2A0];
	v63 =	vmul.f32 v58, v10;
	v26 =	vmul.f32 v56, v7  }
0xf0: {  	v35 =	vmul.f32 v35, v11;
	v15 =	vadd.f32 v37, v15;
	v37 =	vld [tilespmem:s0+$0x270];
	v17 =	vadd.f32 v25, v17  }
0xf1: {  	v58 =	vmul.f32 v51, v9;
	v56 =	vld [tilespmem:s0+$0x260];
	v24 =	vadd.f32 v26, v16;
	v16 =	vadd.f32 v63, v62  }
0xf2: {  	v25 =	vadd.f32 v57, v15;
	v62 =	vmul.f32 v47, v9;
	v47 =	vld [tilespmem:s0+$0x290];
	v63 =	vmul.f32 v48, v13  }
0xf3: {  	v49 =	vmul.f32 v49, v10;
	v17 =	vadd.f32 v45, v17;
	v45 =	vld [tilespmem:s0+$0x2C0];
	v16 =	vadd.f32 v58, v16  }
0xf4: {  	v58 =	vmul.f32 v44, v8;
	v44 =	vld [tilespmem:s0+$0x2B0];
	v22 =	vadd.f32 v55, v63;
	v63 =	vmul.f32 v31, v13  }
0xf5: {  	v31 =	vld [tilespmem:s0+$0x2D0];
	v57 =	vadd.f32 v62, v17;
	v62 =	vmul.f32 v46, v12;
	v46 =	vmul.f32 v39, v14  }
0xf6: {  	v36 =	vmul.f32 v36, v12;
	v28 =	vmul.f32 v28, v7;
	v39 =	vld [tilespmem:s0+$0x2E0]  }
0xf7: {  	v34 =	vmul.f32 v34, v12;
	v33 =	vmul.f32 v33, v8;
	v17 =	vadd.f32 v46, v63;
	v46 =	vld [tilespmem:s0+$0x2F0]  }
0xf8: {  	v29 =	vmul.f32 v29, v11;
	v15 =	vadd.f32 v58, v57;
	v58 =	vmul.f32 v43, v8;
	v43 =	vld [tilespmem:s0+$0x330]  }
0xf9: {  	v16 =	vadd.f32 v27, v16;
	v63 =	vmul.f32 v54, v14;
	v54 =	vmul.f32 v47, v14;
	v47 =	vld [tilespmem:s0+$0x350]  }
0xfa: {  	v22 =	vadd.f32 v62, v22;
	v57 =	vmul.f32 v60, v9;
	v60 =	vmul.f32 v32, v10;
	v32 =	vld [tilespmem:s0+$0x370]  }
0xfb: {  	v55 =	vmul.f32 v61, v11;
	v61 =	vmul.f32 v53, v9;
	v26 =	vadd.f32 v38, v16;
	v38 =	vld [tilespmem:s0+$0x320]  }
0xfc: {  	v53 =	vmul.f32 v30, v13;
	v62 =	vmul.f32 v40, v13;
	v48 =	vadd.f32 v35, v22;
	v35 =	vld [tilespmem:s0+$0x300]  }
0xfd: {  	v37 =	vmul.f32 v37, v7;
	v27 =	vadd.f32 v19, v15;
	v51 =	vadd.f32 v36, v17;
	v19 =	vld [tilespmem:s0+$0x310]  }
0xfe: {  	v22 =	vadd.f32 v63, v62;
	v36 =	vld [tilespmem:s0+$0x360];
	v17 =	vadd.f32 v54, v53;
	v62 =	vmul.f32 v45, v10  }
0xff: {  	v63 =	vmul.f32 v52, v7;
	v53 =	vmul.f32 v39, v8;
	v16 =	vadd.f32 v49, v48;
	v48 =	vld [tilespmem:s0+$0x340]  }
0x100: {  	v15 =	vadd.f32 v55, v51;
	v55 =	vmul.f32 v50, v12;
	v22 =	vadd.f32 v34, v22;
	v34 =	vld [tilespmem:s0+$0x380]  }
0x101: {  	v49 =	vmul.f32 v41, v9;
	v41 =	vld [tilespmem:s0+$0x3C0];
	v50 =	vmul.f32 v56, v8;
	v16 =	vadd.f32 v57, v16  }
0x102: {  	v51 =	vmul.f32 v31, v9;
	v31 =	vld [tilespmem:s0+$0x3D0];
	v15 =	vadd.f32 v60, v15;
	v17 =	vadd.f32 v55, v17  }
0x103: {  	v45 =	vld [tilespmem:s0+$0x420];
	v57 =	vmul.f32 v44, v11;
	v60 =	vadd.f32 v29, v22;
	v54 =	vmul.f32 v38, v12  }
0x104: {  	v39 =	vld [tilespmem:s0+$0x3F0];
	v52 =	vmul.f32 v35, v13;
	v19 =	vmul.f32 v19, v14;
	v16 =	vadd.f32 v58, v16  }
0x105: {  	v29 =	vld [tilespmem:s0+$0x3A0];
	v15 =	vadd.f32 v61, v15;
	v61 =	vmul.f32 v42, v10;
	v17 =	vadd.f32 v57, v17  }
0x106: {  	v55 =	vld [tilespmem:s0+$0x400];
	v19 =	vadd.f32 v19, v52;
	v56 =	vmul.f32 v34, v13;
	v44 =	vmul.f32 v48, v10  }
0x107: {  	v35 =	vld [tilespmem:s0+$0x3E0];
	v41 =	vmul.f32 v41, v10;
	v31 =	vmul.f32 v31, v9;
	v28 =	vadd.f32 v28, v16  }
0x108: {  	v58 =	vld [tilespmem:s0+$0x390];
	v34 =	vperm.xlane v27, v0;
	v15 =	vadd.f32 v33, v15;
	v16 =	vadd.f32 v61, v60  }
0x109: {  	v48 =	vld [tilespmem:s0+$0x4A0];
	v17 =	vadd.f32 v62, v17;
	v60 =	vmul.f32 v43, v11;
	v62 =	vmul.f32 v46, v7  }
0x10a: {  	v33 =	vld [tilespmem:s0+$0x3B0];
	v19 =	vadd.f32 v54, v19;
	v29 =	vmul.f32 v29, v12;
	v16 =	vadd.f32 v49, v16  }
0x10b: {  	v61 =	vld [tilespmem:s0+$0x480];
	v17 =	vadd.f32 v51, v17;
	v49 =	vmul.f32 v47, v9;
	v51 =	vmul.f32 v55, v13  }
0x10c: {  	v54 =	vld [tilespmem:s0+$0x440];
	v15 =	vadd.f32 v63, v15;
	v55 =	vmul.f32 v45, v12;
	v42 =	vmul.f32 v35, v8  }
0x10d: {  	v63 =	vld [tilespmem:s0+$0x490];
	v35 =	vperm.xlane v28, v0;
	v57 =	vmul.f32 v58, v14;
	v19 =	vadd.f32 v60, v19  }
0x10e: {  	v58 =	vld [tilespmem:s0+$0x410];
	v16 =	vadd.f32 v50, v16;
	v17 =	vadd.f32 v53, v17;
	v12 =	vmul.f32 v48, v12  }
0x10f: {  	v50 =	vld [tilespmem:s0+$0x430];
	v48 =	vmul.f32 v39, v7;
	v30 =	vadd.f32 v57, v56;
	v46 =	vmul.f32 v33, v11  }
0x110: {  	v53 =	vld [tilespmem:s0+$0x4B0];
	v19 =	vadd.f32 v44, v19;
	v13 =	vmul.f32 v61, v13;
	v57 =	vmul.f32 v36, v8  }
0x111: {  	v56 =	vld [tilespmem:s0+$0x4C0];
	v33 =	vperm.xlane v26, v0;
	v36 =	vperm.xlane v15, v0;
	v16 =	vadd.f32 v37, v16  }
0x112: {  	v44 =	vld [tilespmem:s0+$0x470];
	v17 =	vadd.f32 v62, v17;
	v22 =	vmul.f32 v54, v10;
	v29 =	vadd.f32 v29, v30  }
0x113: {  	v40 =	vld [tilespmem:s0+$0x4E0];
	v19 =	vadd.f32 v49, v19;
	v15 =	vadd.f32 v36, v15;
	v52 =	vmul.f32 v58, v14  }
0x114: {  	v45 =	vld [tilespmem:s0+$0x4F0];
	v14 =	vmul.f32 v63, v14;
	v37 =	vperm.xlane v16, v0;
	v29 =	vadd.f32 v46, v29  }
0x115: {  	v62 =	vld [tilespmem:s0+$0x460];
	v60 =	vmul.f32 v50, v11;
	v11 =	vmul.f32 v53, v11;
	v30 =	vadd.f32 v52, v51  }
0x116: {  	v49 =	vld [tilespmem:$0x1FFC0];
	v13 =	vadd.f32 v14, v13;
	v10 =	vmul.f32 v56, v10;
	v51 =	vperm.xlane v4, v0  }
0x117: {  	v14 =	vadd.f32 v57, v19;
	v52 =	vmul.f32 v44, v7;
	v56 =	vperm.xlane v21, v0  }
0x118: {  	v58 =	vld [tilespmem:s0+$0x450];
	v57 =	vperm.xlane v18, v0;
	v16 =	vadd.f32 v37, v16;
	v29 =	vadd.f32 v41, v29  }
0x119: {  	v61 =	vld [tilespmem:s0+$0x4D0];
	v41 =	vmul.f32 v32, v7;
	v7 =	vmul.f32 v45, v7;
	v30 =	vadd.f32 v55, v30  }
0x11a: {  	v12 =	vadd.f32 v12, v13;
	v13 =	vmul.f32 v62, v8;
	v8 =	vmul.f32 v40, v8  }
0x11b: {  	v50 =	vperm.xlane v49, v0;
	v4 =	vadd.f32 v51, v4;
	v55 =	vperm.xlane v20, v0  }
0x11c: {  	v62 =	vperm.xlane v2, v0;
	v63 =	vadd.f32 v31, v29;
	v38 =	vadd.f32 v60, v30  }
0x11d: {  	v43 =	vmul.f32 v58, v9;
	v11 =	vadd.f32 v11, v12;
	v12 =	vadd.f32 v41, v14  }
0x11e: {  	v9 =	vmul.f32 v61, v9;
	v53 =	vadd.f32 v50, v49;
	v58 =	vadd.f32 v55, v20  }
0x11f: {  	v61 =	vperm.xlane v3, v0;
	v60 =	vadd.f32 v56, v21;
	v2 =	vadd.f32 v62, v2  }
0x120: {  	v29 =	vperm.xlane v23, v0;
	v14 =	vadd.f32 v33, v26;
	v46 =	vadd.f32 v42, v63  }
0x121: {  	v30 =	vperm.xlane v24, v0;
	v3 =	vadd.f32 v61, v3;
	v10 =	vadd.f32 v10, v11  }
0x122: {  	v63 =	vperm.xlane v6, v0;
	v31 =	vadd.f32 v29, v23;
	v22 =	vadd.f32 v22, v38  }
0x123: {  	v42 =	vsel vm0, v15, v16;
	v32 =	vadd.f32 v30, v24;
	v9 =	vadd.f32 v9, v10  }
0x124: {  	v4 =	vsel vm0, v53, v4;
	v6 =	vadd.f32 v63, v6;
	v47 =	vadd.f32 v43, v22  }
0x125: {  	v38 =	vperm.xlane v4, v1;
	v10 =	vadd.f32 v48, v46;
	v8 =	vadd.f32 v8, v9  }
0x126: {  	v46 =	vperm.xlane v12, v0;
	v48 =	vperm.xlane v42, v1;
	v2 =	vsel vm0, v2, v6  }
0x127: {  	v6 =	vperm.xlane v25, v0;
	v7 =	vadd.f32 v7, v8;
	v8 =	vadd.f32 v57, v18  }
0x128: {  	v4 =	vadd.f32 v38, v4;
	v13 =	vadd.f32 v13, v47;
	v9 =	vsel vm0, v58, v60  }
0x129: {  	v41 =	vperm.xlane v2, v1;
	v12 =	vadd.f32 v46, v12;
	v3 =	vsel vm0, v8, v3  }
0x12a: {  	v6 =	vadd.f32 v6, v25;
	v54 =	vadd.f32 v52, v13;
	v40 =	vperm.xlane v3, v1  }
0x12b: {  	v39 =	vperm.xlane v9, v1;
	v13 =	vadd.f32 v34, v27;
	v18 =	vadd.f32 v35, v28  }
0x12c: {  	v45 =	vperm.xlane v17, v0;
	v2 =	vadd.f32 v41, v2;
	v3 =	vadd.f32 v40, v3  }
0x12d: {  	v49 =	vld [tilespmem:$0x1FFE0];
	v6 =	vsel vm0, v6, v14;
	v9 =	vadd.f32 v39, v9;
	v14 =	vadd.f32 v48, v42  }
0x12e: {  	v8 =	vsel vm0, v31, v32;
	v2 =	vsel vm1, v3, v2;
	v3 =	vperm.xlane v6, v1  }
0x12f: {  	v13 =	vsel vm0, v13, v18;
	v47 =	vperm.xlane v54, v0;
	v51 =	vperm.xlane v7, v0  }
0x130: {  	v4 =	vsel vm1, v4, v9;
	v3 =	vadd.f32 v3, v6;
	v6 =	vperm.xlane v10, v0  }
0x131: {  	v43 =	vperm.xlane v8, v1;
	v44 =	vperm.xlane v13, v1;
	v9 =	vadd.f32 v45, v17  }
0x132: {  	v50 =	vadd.f32 v47, v54;
	v52 =	vperm.xlane v4, v49;
	v6 =	vadd.f32 v6, v10  }
0x133: {  	v7 =	vadd.f32 v51, v7;
	v13 =	vadd.f32 v44, v13;
	v9 =	vsel vm0, v9, v12  }
0x134: {  	v8 =	vadd.f32 v43, v8;
	v53 =	vperm.xlane v9, v1;
	v6 =	vsel vm0, v6, v50  }
0x135: {  	v56 =	vperm.xlane v7, v1;
	v54 =	vsel vm1, v13, v14;
	v10 =	vperm.xlane v6, v1  }
0x136: {  	v55 =	vperm.xlane v2, v49;
	v58 =	vperm.xlane v54, v49  }
0x137: {  	v3 =	vsel vm1, v8, v3;
	v8 =	vadd.f32 v53, v9;
	v6 =	vadd.f32 v10, v6  }
0x138: {  	v63 =	vld [tilespmem:$0x1FFF0];
	v4 =	vadd.f32 v52, v4;
	v7 =	vadd.f32 v56, v7;
	v57 =	vperm.xlane v3, v49  }
0x139: {  	v2 =	vadd.f32 v55, v2;
	v60 =	vadd.f32 v58, v54;
	v6 =	vsel vm1, v8, v6  }
0x13a: {  	v62 =	vperm.xlane v7, v49;
	v3 =	vadd.f32 v57, v3;
	v61 =	vperm.xlane v6, v49  }
0x13b: {  	v2 =	vsel vm2, v4, v2  }
0x13c: {  	v3 =	vsel vm2, v3, v60;
	v4 =	vadd.f32 v61, v6;
	v6 =	vadd.f32 v62, v7  }
0x13d: {  	v8 =	vperm.xlane v3, v63;
	v7 =	vperm.xlane v2, v63  }
0x13e: {  	v4 =	vsel vm2, v4, v6  }
0x13f: {  	v3 =	vadd.f32 v8, v3;
	v2 =	vadd.f32 v7, v2;
	v6 =	vperm.xlane v4, v63;
	_ =	sdelay $0x1  }
0x140: {  	v2 =	vsel vm3, v2, v3;
	v3 =	vadd.f32 v4, v6;
	v4 =	vld [tilespmem:$0x1FFD0];
	_ =	sdelay $0x3  }
0x141: {  	p0 =	sne.s32 s16, $0x600  }
.Ltmp0:
0x142: {  	_ = 	snop;
	(pc) =	sbr.rel @p0 .LBB2_3-.Ltmp0, $3  }
0x143: {  	_ =	sdelay $0x1  }
0x144: {  	[tilespmem:v4+s19+$0xFFFFFFF0 ss:$0x1] =	vst.idx.msk $0xffff, v2  }
0x145: {  	s16 =	sadd.s32 $0x200, s16;
	s0 =	sadd.s32 $0xA00, s0;
	[tilespmem:v4+s19+$0x0 ss:$0x1] =	vst.idx.msk $0xffff, v3  }
0x146: {  	p0 =	sgt.u32 s30, $0x1B  }
0x147: {  	s0 =	sshrl.u32 @!p0 s14, $0x2  }
0x148: {  	s14 =	simm.s32 @!p0 $0x50;
	s0 =	sadd.s32 @!p0 $0x300, s0  }
0x149: {  	[tilespmem:s1], [sflag:s31] =	stream.indirect.gather @!p0 [hbm4b:s3+s14], $0x80, s0, s14, $0xb8;
	[tilespmem:$0x17100] =	vst v63  }
0x14a: {  	s31 =	sand.u32 $0x7, s30  }
0x14b: {  	p0 =	sne.s32 s31, $0x7  }
0x14c: {  	s0 =	sshll.u32 @!p0 s30, $0x9;
	s1 =	sshrl.u32 @!p0 s30, $0x3;
	s16 =	simm.s32 @!p0 $0x0  }
0x14d: {  	s30 =	sadd.s32 $0x1, s30;
	s0 =	sand.u32 @!p0 $0x3FFFF000, s0;
	s14 =	sshll.u32 @!p0 s1, $0x9  }
0x14e: {  	s1 =	sadd.s32 @!p0 $0x18, s1;
	s0 =	sadd.s32 @!p0 $0x13100, s0;
	s14 =	sadd.s32 @!p0 s14, s8  }
0x14f: {  	[hbm4b:s14+s16] =	stream.linear.scatter @!p0 [tilespmem:s0], [sflag:s1], $0x1000, $0x38;
	[tilespmem:$0x17100] =	vst v63  }
0x150: {  	p0 =	sne.s32 s30, $0x20  }
.Ltmp1:
0x151: {  	_ = 	snop;
	(pc) =	sbr.rel @p0 .LBB2_2-.Ltmp1, $3  }
0x152: {  	_ =	sdelay $0x1  }
0x153: {  	s29 =	sadd.s32 $0x1, s29  }
0x154: {  	s25 =	sadd.s32 $0x200, s25;
	s26 =	sadd.s32 $0x200, s26;
	s28 =	sadd.s32 $0x200, s28  }
0x155: {  	_ =	swait.ge [sflag:s20], $0x1000  }
0x156: {  	[sflag:s20] =	ssyncset.done $0x0  }
0x157: {  	[sflag:s20] =	ssyncadd.s32 $0xFFFFF000  }
0x158: {  	_ =	swait.ge [sflag:s21], $0x1000  }
0x159: {  	[sflag:s21] =	ssyncset.done $0x0  }
0x15a: {  	s24 =	sadd.s32 $0x1, s24;
	[sflag:s21] =	ssyncadd.s32 $0xFFFFF000  }
0x15b: {  	p0 =	sne.s32 s24, s9;
	_ =	swait.ge [sflag:s22], $0x1000  }
.Ltmp2:
0x15c: {  	[sflag:s22] =	ssyncset.done $0x0;
	(pc) =	sbr.rel @p0 .LBB2_1-.Ltmp2, $4  }
0x15d: {  	[sflag:s22] =	ssyncadd.s32 $0xFFFFF000  }
0x15e: {  	_ =	swait.ge [sflag:s23], $0x1000  }
0x15f: {  	[sflag:s23] =	ssyncset.done $0x0  }
0x160: {  	[sflag:s23] =	ssyncadd.s32 $0xFFFFF000  }
0x161: {  	_ =	sfence.sel $0x180000  }
0x162: {  	[bflag:$0x0] =	sbarrier.arrive $0xFFFF  }
0x163: {  	_ =	strace $0x90000047  }
0x164: {  	s0 =	stileid.u32;
	[bflag:$0x2] =	sbarrier.arrive $0xFFFF  }
0x165: {  	p0 =	sne.s32 s0, $0x0;
	s0 =	rddreg [dreg:$0x5]  }
0x166: {  	s0 =	sadd.s32 @!p0 $0x100000, s0  }
0x167: {  	[sflag:s0] =	ssyncadd.tile.s32 @!p0 $0x1;
	_ =	shalt  }
.Lfunc_end2:
_tile_overlayer_lowered:
.L_overlay_start_2:
0x168: {  	(tag) =	ssettag $0x2  }
0x169: {  	s0 =	rddreg [dreg:$0x0];
	s2 =	stileid.u32  }
0x16a: {  	s1 =	rddreg [dreg:$0x1];
	p0 =	sne.s32 s2, $0x0  }
0x16b: {  	s3 =	rddreg [dreg:$0x2];
	[bflag:$0x3] =	sbarrier.arrive $0xFFFF;
	s2 =	simm.s32 @!p0 $0x1C1C  }
0x16c: {  	[timem:s3], [sflag:s2] =	dma.local @!p0 [hbm:s0], s1  }
0x16d: {  	s0 =	simm.s32 @!p0 $0x1C  }
0x16e: {  	_ =	swait.ge @!p0 [sflag:s0], s1  }
0x16f: {  	s1 =	ssub.s32 @!p0 $0x0, s1;
	[sflag:s0] =	ssyncset.done @!p0 $0x0  }
0x170: {  	[sflag:s0] =	ssyncadd.s32 @!p0 s1  }
0x171: {  	[bflag:$0x3] =	sbarrier.arrive $0xFFFF  }
0x172: {  	_ =	shalt  }

</sc_bundles>
